<compile_context>
chip_gen: v7x
topology: tpu7x:2x2x1
jax: 0.10.2.dev20260603
libtpu: 0.0.44.dev20260713+nightly
codegen_flags: <defaults>
</compile_context>

<pallas_src>
import jax
import jax.numpy as jnp
from jax import lax
from jax.experimental import pallas as pl
from jax.experimental.pallas import tpu as pltpu
from jax.experimental.pallas import tpu_sc as plsc

N_NODES = 10000
N_EDGES = 160000
F_IN = 256
F_OUT = 256
HALF = 128

NC = 2
NS = 16

E_PAD = 165888
EPS = E_PAD // NS
ECHK = 192
CPS = EPS // ECHK
ROWS_T = 624
TAIL = N_NODES - NS * ROWS_T



def _mm_body(x_ref, w_ref, o_ref):
    o_ref[0] = jnp.dot(x_ref[...], w_ref[...],
                       preferred_element_type=jnp.float32)


def _matmul_halves(features, weight):
    MB = 1000
    grid = (NC, N_NODES // MB)
    return pl.pallas_call(
        _mm_body,
        grid=grid,
        in_specs=[
            pl.BlockSpec((MB, F_IN), lambda h, i: (i, 0)),
            pl.BlockSpec((F_IN, HALF), lambda h, i: (0, h)),
        ],
        out_specs=pl.BlockSpec((1, MB, HALF), lambda h, i: (h, i, 0)),
        out_shape=jax.ShapeDtypeStruct((NC, N_NODES, HALF), jnp.float32),
    )(features, weight)



def _sc_body(sup_hbm, src_hbm, dst_hbm, ew_hbm, out_hbm,
             srcb0, srcb1, dstb0, dstb1, ewb0, ewb1, rows0, rows1, acc_sh,
             gsem0, gsem1, ssem0, ssem1, isem0, isem1, dsem0, dsem1):
    c = lax.axis_index("c")
    s = lax.axis_index("s")
    srcb = (srcb0, srcb1)
    dstb = (dstb0, dstb1)
    ewb = (ewb0, ewb1)
    rows = (rows0, rows1)
    gsem = (gsem0, gsem1)
    ssem = (ssem0, ssem1)
    isem = (isem0, isem1)
    dsem = (dsem0, dsem1)

    def base(k):
        return (s * CPS + k) * ECHK

    def load_src_ew(k, b):
        pltpu.async_copy(src_hbm.at[pl.ds(base(k), ECHK)], srcb[b], isem[b])
        pltpu.async_copy(ew_hbm.at[pl.ds(base(k), ECHK)],
                         ewb[b].at[pl.ds(0, ECHK)], isem[b])

    def wait_src_ew(b):
        pltpu.make_async_copy(src_hbm.at[pl.ds(0, ECHK)], srcb[b],
                              isem[b]).wait()
        pltpu.make_async_copy(ew_hbm.at[pl.ds(0, ECHK)],
                              ewb[b].at[pl.ds(0, ECHK)], isem[b]).wait()

    def load_dst(k, b):
        pltpu.async_copy(dst_hbm.at[pl.ds(base(k), ECHK)], dstb[b], dsem[b])

    def wait_dst(b):
        pltpu.make_async_copy(dst_hbm.at[pl.ds(0, ECHK)], dstb[b],
                              dsem[b]).wait()

    def start_gather(b):
        pltpu.async_copy(sup_hbm.at[c].at[srcb[b]], rows[b], gsem[b])

    def wait_gather(b):
        pltpu.make_async_copy(sup_hbm.at[c, pl.ds(0, ECHK)], rows[b],
                              gsem[b]).wait()

    def start_scatter(b):
        pltpu.async_copy(rows[b], acc_sh.at[dstb[b]], ssem[b], add=True)

    def wait_scatter(b):
        pltpu.make_async_copy(sup_hbm.at[c, pl.ds(0, ECHK)], rows[b],
                              ssem[b]).wait()

    def scale(b):
        buf = rows[b]
        wref = ewb[b]

        def edge(e):
            w = wref[pl.ds(e, 16)][0]
            for j in range(HALF // 16):
                buf[e, pl.ds(j * 16, 16)] = buf[e, pl.ds(j * 16, 16)] * w
        plsc.parallel_loop(0, ECHK, unroll=4)(edge)

    def zero_row(r, _):
        for j in range(HALF // 16):
            rows0[r, pl.ds(j * 16, 16)] = jnp.zeros((16,), jnp.float32)
        return 0
    lax.fori_loop(0, ECHK, zero_row, 0)
    NFULL = ROWS_T // ECHK
    for k in range(NFULL):
        pltpu.sync_copy(rows0, acc_sh.at[pl.ds(s * ROWS_T + k * ECHK, ECHK)])
    pltpu.sync_copy(rows0.at[pl.ds(0, ROWS_T - NFULL * ECHK)],
                    acc_sh.at[pl.ds(s * ROWS_T + NFULL * ECHK,
                                    ROWS_T - NFULL * ECHK)])

    @pl.when(s == NS - 1)
    def _():
        pltpu.sync_copy(rows0.at[pl.ds(0, TAIL)],
                        acc_sh.at[pl.ds(NS * ROWS_T, TAIL)])
    plsc.subcore_barrier()

    load_src_ew(0, 0)
    load_src_ew(1, 1)
    load_dst(0, 0)
    load_dst(1, 1)
    wait_src_ew(0)
    start_gather(0)

    def pipe_body(k2, _):
        ka = 2 * k2
        not_last = k2 < CPS // 2 - 1
        wait_src_ew(1)
        start_gather(1)
        wait_gather(0)
        scale(0)

        @pl.when(not_last)
        def _():
            load_src_ew(ka + 2, 0)
        wait_dst(0)
        start_scatter(0)
        wait_gather(1)
        scale(1)

        @pl.when(not_last)
        def _():
            load_src_ew(ka + 3, 1)
        wait_dst(1)
        start_scatter(1)
        wait_scatter(0)

        @pl.when(not_last)
        def _():
            load_dst(ka + 2, 0)
            wait_src_ew(0)
            start_gather(0)
        wait_scatter(1)

        @pl.when(not_last)
        def _():
            load_dst(ka + 3, 1)
        return 0
    lax.fori_loop(0, CPS // 2, pipe_body, 0)
    plsc.subcore_barrier()

    def relu_rows(buf, nrows):
        def relu_row(r, _):
            for j in range(HALF // 16):
                v = buf[r, pl.ds(j * 16, 16)]
                buf[r, pl.ds(j * 16, 16)] = jnp.maximum(v, 0.0)
            return 0
        lax.fori_loop(0, nrows, relu_row, 0)

    def wb_chunk(r0, nrows):
        pltpu.sync_copy(acc_sh.at[pl.ds(r0, nrows)],
                        rows0.at[pl.ds(0, nrows)])
        relu_rows(rows0, nrows)
        pltpu.sync_copy(rows0.at[pl.ds(0, nrows)],
                        out_hbm.at[pl.ds(r0, nrows), pl.ds(c * HALF, HALF)])

    for k in range(ROWS_T // ECHK):
        wb_chunk(s * ROWS_T + k * ECHK, ECHK)
    wb_chunk(s * ROWS_T + (ROWS_T // ECHK) * ECHK,
             ROWS_T - (ROWS_T // ECHK) * ECHK)

    @pl.when(s == NS - 1)
    def _():
        wb_chunk(NS * ROWS_T, TAIL)


@jax.jit
def _gnn(features, src, dst, ew, weight):
    sup = _matmul_halves(features, weight)
    mesh = plsc.VectorSubcoreMesh(core_axis_name="c", subcore_axis_name="s",
                                  num_cores=NC, num_subcores=NS)
    agg = pl.kernel(
        _sc_body,
        out_type=jax.ShapeDtypeStruct((N_NODES, F_OUT), jnp.float32),
        mesh=mesh,
        scratch_types=[
            pltpu.VMEM((ECHK,), jnp.int32),
            pltpu.VMEM((ECHK,), jnp.int32),
            pltpu.VMEM((ECHK,), jnp.int32),
            pltpu.VMEM((ECHK,), jnp.int32),
            pltpu.VMEM((ECHK + 16,), jnp.float32),
            pltpu.VMEM((ECHK + 16,), jnp.float32),
            pltpu.VMEM((ECHK, HALF), jnp.float32),
            pltpu.VMEM((ECHK, HALF), jnp.float32),
            pltpu.VMEM_SHARED((N_NODES, HALF), jnp.float32),
            pltpu.SemaphoreType.DMA,
            pltpu.SemaphoreType.DMA,
            pltpu.SemaphoreType.DMA,
            pltpu.SemaphoreType.DMA,
            pltpu.SemaphoreType.DMA,
            pltpu.SemaphoreType.DMA,
            pltpu.SemaphoreType.DMA,
            pltpu.SemaphoreType.DMA,
        ],
    )
    return agg(sup, src, dst, ew)


def kernel(features, edge_index, edge_weight, weight):
    pad = E_PAD - N_EDGES
    src = jnp.pad(edge_index[1].astype(jnp.int32), (0, pad))
    dst = jnp.pad(edge_index[0].astype(jnp.int32), (0, pad))
    ew = jnp.pad(edge_weight, (0, pad))
    return _gnn(features, src, dst, ew, weight)

# --- scband reference (transcript-rebuilt; emitter-appended) ---
"""Pipeline reference for scband-gnnlayer-26087631356311 (READ-ONLY COPY).

The authoritative reference and input builder live on the scoring server;
editing this copy changes nothing except your own understanding.
"""

import jax, jax.numpy as jnp
import numpy as np

N_NODES = 10000
N_EDGES = 160000
IN_FEATURES = 256
OUT_FEATURES = 256


def setup_inputs(seed: int = 0) -> dict:
    key = jax.random.key(seed)
    k1, k2, k3, k4 = jax.random.split(key, 4)
    features = jax.random.normal(k1, (N_NODES, IN_FEATURES), dtype=jnp.float32)
    edge_index = jax.random.randint(k2, (2, N_EDGES), 0, N_NODES, dtype=jnp.int64)
    edge_weight = jax.random.uniform(k3, (N_EDGES,), dtype=jnp.float32)
    # glorot_uniform init for the dense weight
    limit = float(np.sqrt(6.0 / (IN_FEATURES + OUT_FEATURES)))
    weight = jax.random.uniform(k4, (IN_FEATURES, OUT_FEATURES), dtype=jnp.float32,
                                minval=-limit, maxval=limit)
    return {"features": features, "edge_index": edge_index,
            "edge_weight": edge_weight, "weight": weight}


def reference(features, edge_index, edge_weight, weight):
    # support = features @ W
    support = jnp.matmul(features, weight)
    # sparse adj (COO: row=dst, col=src, values=edge_weight) @ support
    dst = edge_index[0]
    src = edge_index[1]
    msgs = jnp.take(support, src, axis=0) * edge_weight[:, None]
    output = jax.ops.segment_sum(msgs, dst, num_segments=N_NODES)
    # active=True -> relu
    output = jax.nn.relu(output)
    return output

if __name__ == "__main__":
    import jax
    _d = setup_inputs()
    print(jax.jit(kernel)(*tuple(_d.values())))

</pallas_src>

<mosaic_0001>
#map = affine_map<(d0, d1) -> (0, 0, 0)>
#map1 = affine_map<(d0, d1) -> (0)>
#map2 = affine_map<(d0, d1) -> (0, 0)>
module attributes {stable_mosaic.version = 14 : i64} {
  func.func @_sc_body(%arg0: i32, %arg1: i32, %arg2: memref<2x10000x128xf32, #tpu.memory_space<hbm>>, %arg3: memref<165888xi32, #tpu.memory_space<hbm>>, %arg4: memref<165888xi32, #tpu.memory_space<hbm>>, %arg5: memref<165888xf32, #tpu.memory_space<hbm>>, %arg6: memref<10000x256xf32, #tpu.memory_space<hbm>>, %arg7: memref<192xi32, #tpu.memory_space<vmem>>, %arg8: memref<192xi32, #tpu.memory_space<vmem>>, %arg9: memref<192xi32, #tpu.memory_space<vmem>>, %arg10: memref<192xi32, #tpu.memory_space<vmem>>, %arg11: memref<208xf32, #tpu.memory_space<vmem>>, %arg12: memref<208xf32, #tpu.memory_space<vmem>>, %arg13: memref<192x128xf32, #tpu.memory_space<vmem>>, %arg14: memref<192x128xf32, #tpu.memory_space<vmem>>, %arg15: memref<10000x128xf32, #tpu.memory_space<vmem_shared>>, %arg16: memref<!tpu.dma_semaphore, #tpu.memory_space<semaphore_mem>>, %arg17: memref<!tpu.dma_semaphore, #tpu.memory_space<semaphore_mem>>, %arg18: memref<!tpu.dma_semaphore, #tpu.memory_space<semaphore_mem>>, %arg19: memref<!tpu.dma_semaphore, #tpu.memory_space<semaphore_mem>>, %arg20: memref<!tpu.dma_semaphore, #tpu.memory_space<semaphore_mem>>, %arg21: memref<!tpu.dma_semaphore, #tpu.memory_space<semaphore_mem>>, %arg22: memref<!tpu.dma_semaphore, #tpu.memory_space<semaphore_mem>>, %arg23: memref<!tpu.dma_semaphore, #tpu.memory_space<semaphore_mem>>) attributes {dimension_semantics = [#tpu.dimension_semantics<core_parallel>, #tpu.dimension_semantics<subcore_parallel>], iteration_bounds = array<i64: 2, 16>, scalar_prefetch = 0 : i64, scratch_operands = 17 : i64, tpu.core_type = #tpu.core_type<sc_vector_subcore>, window_params = [{transform_indices = #map}, {transform_indices = #map1}, {transform_indices = #map1}, {transform_indices = #map1}, {transform_indices = #map2}]} {
    %scan3A = arith.constant 0 : i32
    %scan3A_0 = arith.constant 0 : i32
    %scan3A_1 = arith.constant 192 : i32
    %scan3A_2 = arith.addi %scan3A_0, %scan3A_1 : i32
    %scan3A_3 = arith.constant 1 : i32
    %scan3A_4 = scf.for %scan3A_160 = %scan3A_0 to %scan3A_2 step %scan3A_3 iter_args(%scan3A_161 = %scan3A) -> (i32)  : i32 {
      %broadcast_in_dim3A = arith.constant 0.000000e+00 : f32
      %broadcast_in_dim3A_162 = vector.broadcast %broadcast_in_dim3A : f32 to vector<16xf32>
      %swap3A = arith.index_cast %scan3A_160 : i32 to index
      %swap3A_163 = arith.constant 0 : index
      %swap3A_164 = tpu.vector_load %arg13[%swap3A, %swap3A_163] {strides = array<i32>} : memref<192x128xf32, #tpu.memory_space<vmem>>, vector<1x16xf32>,
      %swap3A_165 = vector.shape_cast %swap3A_164 : vector<1x16xf32> to vector<16xf32>
      %swap3A_166 = vector.shape_cast %broadcast_in_dim3A_162 : vector<16xf32> to vector<1x16xf32>
      tpu.vector_store %arg13[%swap3A, %swap3A_163], %swap3A_166 {strides = array<i32>} : memref<192x128xf32, #tpu.memory_space<vmem>>, vector<1x16xf32>,
      %broadcast_in_dim3A_167 = arith.constant 0.000000e+00 : f32
      %broadcast_in_dim3A_168 = vector.broadcast %broadcast_in_dim3A_167 : f32 to vector<16xf32>
      %swap3A_169 = arith.index_cast %scan3A_160 : i32 to index
      %swap3A_170 = arith.constant 16 : index
      %swap3A_171 = tpu.vector_load %arg13[%swap3A_169, %swap3A_170] {strides = array<i32>} : memref<192x128xf32, #tpu.memory_space<vmem>>, vector<1x16xf32>,
      %swap3A_172 = vector.shape_cast %swap3A_171 : vector<1x16xf32> to vector<16xf32>
      %swap3A_173 = vector.shape_cast %broadcast_in_dim3A_168 : vector<16xf32> to vector<1x16xf32>
      tpu.vector_store %arg13[%swap3A_169, %swap3A_170], %swap3A_173 {strides = array<i32>} : memref<192x128xf32, #tpu.memory_space<vmem>>, vector<1x16xf32>,
      %broadcast_in_dim3A_174 = arith.constant 0.000000e+00 : f32
      %broadcast_in_dim3A_175 = vector.broadcast %broadcast_in_dim3A_174 : f32 to vector<16xf32>
      %swap3A_176 = arith.index_cast %scan3A_160 : i32 to index
      %swap3A_177 = arith.constant 32 : index
      %swap3A_178 = tpu.vector_load %arg13[%swap3A_176, %swap3A_177] {strides = array<i32>} : memref<192x128xf32, #tpu.memory_space<vmem>>, vector<1x16xf32>,
      %swap3A_179 = vector.shape_cast %swap3A_178 : vector<1x16xf32> to vector<16xf32>
      %swap3A_180 = vector.shape_cast %broadcast_in_dim3A_175 : vector<16xf32> to vector<1x16xf32>
      tpu.vector_store %arg13[%swap3A_176, %swap3A_177], %swap3A_180 {strides = array<i32>} : memref<192x128xf32, #tpu.memory_space<vmem>>, vector<1x16xf32>,
      %broadcast_in_dim3A_181 = arith.constant 0.000000e+00 : f32
      %broadcast_in_dim3A_182 = vector.broadcast %broadcast_in_dim3A_181 : f32 to vector<16xf32>
      %swap3A_183 = arith.index_cast %scan3A_160 : i32 to index
      %swap3A_184 = arith.constant 48 : index
      %swap3A_185 = tpu.vector_load %arg13[%swap3A_183, %swap3A_184] {strides = array<i32>} : memref<192x128xf32, #tpu.memory_space<vmem>>, vector<1x16xf32>,
      %swap3A_186 = vector.shape_cast %swap3A_185 : vector<1x16xf32> to vector<16xf32>
      %swap3A_187 = vector.shape_cast %broadcast_in_dim3A_182 : vector<16xf32> to vector<1x16xf32>
      tpu.vector_store %arg13[%swap3A_183, %swap3A_184], %swap3A_187 {strides = array<i32>} : memref<192x128xf32, #tpu.memory_space<vmem>>, vector<1x16xf32>,
      %broadcast_in_dim3A_188 = arith.constant 0.000000e+00 : f32
      %broadcast_in_dim3A_189 = vector.broadcast %broadcast_in_dim3A_188 : f32 to vector<16xf32>
      %swap3A_190 = arith.index_cast %scan3A_160 : i32 to index
      %swap3A_191 = arith.constant 64 : index
      %swap3A_192 = tpu.vector_load %arg13[%swap3A_190, %swap3A_191] {strides = array<i32>} : memref<192x128xf32, #tpu.memory_space<vmem>>, vector<1x16xf32>,
      %swap3A_193 = vector.shape_cast %swap3A_192 : vector<1x16xf32> to vector<16xf32>
      %swap3A_194 = vector.shape_cast %broadcast_in_dim3A_189 : vector<16xf32> to vector<1x16xf32>
      tpu.vector_store %arg13[%swap3A_190, %swap3A_191], %swap3A_194 {strides = array<i32>} : memref<192x128xf32, #tpu.memory_space<vmem>>, vector<1x16xf32>,
      %broadcast_in_dim3A_195 = arith.constant 0.000000e+00 : f32
      %broadcast_in_dim3A_196 = vector.broadcast %broadcast_in_dim3A_195 : f32 to vector<16xf32>
      %swap3A_197 = arith.index_cast %scan3A_160 : i32 to index
      %swap3A_198 = arith.constant 80 : index
      %swap3A_199 = tpu.vector_load %arg13[%swap3A_197, %swap3A_198] {strides = array<i32>} : memref<192x128xf32, #tpu.memory_space<vmem>>, vector<1x16xf32>,
      %swap3A_200 = vector.shape_cast %swap3A_199 : vector<1x16xf32> to vector<16xf32>
      %swap3A_201 = vector.shape_cast %broadcast_in_dim3A_196 : vector<16xf32> to vector<1x16xf32>
      tpu.vector_store %arg13[%swap3A_197, %swap3A_198], %swap3A_201 {strides = array<i32>} : memref<192x128xf32, #tpu.memory_space<vmem>>, vector<1x16xf32>,
      %broadcast_in_dim3A_202 = arith.constant 0.000000e+00 : f32
      %broadcast_in_dim3A_203 = vector.broadcast %broadcast_in_dim3A_202 : f32 to vector<16xf32>
      %swap3A_204 = arith.index_cast %scan3A_160 : i32 to index
      %swap3A_205 = arith.constant 96 : index
      %swap3A_206 = tpu.vector_load %arg13[%swap3A_204, %swap3A_205] {strides = array<i32>} : memref<192x128xf32, #tpu.memory_space<vmem>>, vector<1x16xf32>,
      %swap3A_207 = vector.shape_cast %swap3A_206 : vector<1x16xf32> to vector<16xf32>
      %swap3A_208 = vector.shape_cast %broadcast_in_dim3A_203 : vector<16xf32> to vector<1x16xf32>
      tpu.vector_store %arg13[%swap3A_204, %swap3A_205], %swap3A_208 {strides = array<i32>} : memref<192x128xf32, #tpu.memory_space<vmem>>, vector<1x16xf32>,
      %broadcast_in_dim3A_209 = arith.constant 0.000000e+00 : f32
      %broadcast_in_dim3A_210 = vector.broadcast %broadcast_in_dim3A_209 : f32 to vector<16xf32>
      %swap3A_211 = arith.index_cast %scan3A_160 : i32 to index
      %swap3A_212 = arith.constant 112 : index
      %swap3A_213 = tpu.vector_load %arg13[%swap3A_211, %swap3A_212] {strides = array<i32>} : memref<192x128xf32, #tpu.memory_space<vmem>>, vector<1x16xf32>,
      %swap3A_214 = vector.shape_cast %swap3A_213 : vector<1x16xf32> to vector<16xf32>
      %swap3A_215 = vector.shape_cast %broadcast_in_dim3A_210 : vector<16xf32> to vector<1x16xf32>
      tpu.vector_store %arg13[%swap3A_211, %swap3A_212], %swap3A_215 {strides = array<i32>} : memref<192x128xf32, #tpu.memory_space<vmem>>, vector<1x16xf32>,
      %scan3A_216 = arith.constant 0 : i32
      scf.yield %scan3A_216 : i32
    }
    %scan3A_5 = arith.constant 192 : i32
    %mul3A = arith.constant 624 : i32
    %mul3A_6 = arith.muli %arg1, %mul3A : i32
    %add3A = arith.constant 0 : i32
    %add3A_7 = arith.addi %mul3A_6, %add3A : i32
    "tpu.region"() ({
      %run_scoped3A = tpu.sem_alloc : memref<!tpu.dma_semaphore, #tpu.memory_space<semaphore_mem>>
      %dma_start3A_160 = arith.constant 0 : i32
      %dma_start3A_161 = tpu.memref_slice %arg15[%add3A_7, %dma_start3A_160] : memref<10000x128xf32, #tpu.memory_space<vmem_shared>> -> memref<192x128xf32, #tpu.memory_space<vmem_shared>>
      %dma_start3A_162 = arith.constant 0 : i32
      %dma_start3A_163 = tpu.memref_slice %arg15[%add3A_7, %dma_start3A_162] : memref<10000x128xf32, #tpu.memory_space<vmem_shared>> -> memref<192x128xf32, #tpu.memory_space<vmem_shared>>
      tpu.enqueue_dma source(%arg13 : memref<192x128xf32, #tpu.memory_space<vmem>>) target(%dma_start3A_163 : memref<192x128xf32, #tpu.memory_space<vmem_shared>>) target_semaphore(%run_scoped3A : memref<!tpu.dma_semaphore, #tpu.memory_space<semaphore_mem>>)
      %dma_wait3A_164 = arith.constant 0 : i32
      %dma_wait3A_165 = tpu.memref_slice %arg15[%add3A_7, %dma_wait3A_164] : memref<10000x128xf32, #tpu.memory_space<vmem_shared>> -> memref<192x128xf32, #tpu.memory_space<vmem_shared>>
      %dma_wait3A_166 = arith.constant 0 : i32
      %dma_wait3A_167 = tpu.memref_slice %arg15[%add3A_7, %dma_wait3A_166] : memref<10000x128xf32, #tpu.memory_space<vmem_shared>> -> memref<192x128xf32, #tpu.memory_space<vmem_shared>>
      tpu.wait_dma2 semaphore(%run_scoped3A : memref<!tpu.dma_semaphore, #tpu.memory_space<semaphore_mem>>) src(%arg13 : memref<192x128xf32, #tpu.memory_space<vmem>>) dst(%dma_wait3A_167 : memref<192x128xf32, #tpu.memory_space<vmem_shared>>)
      tpu.yield
    }) : () -> ()
    %mul3A_8 = arith.constant 624 : i32
    %mul3A_9 = arith.muli %arg1, %mul3A_8 : i32
    %add3A_10 = arith.constant 192 : i32
    %add3A_11 = arith.addi %mul3A_9, %add3A_10 : i32
    "tpu.region"() ({
      %run_scoped3A = tpu.sem_alloc : memref<!tpu.dma_semaphore, #tpu.memory_space<semaphore_mem>>
      %dma_start3A_160 = arith.constant 0 : i32
      %dma_start3A_161 = tpu.memref_slice %arg15[%add3A_11, %dma_start3A_160] : memref<10000x128xf32, #tpu.memory_space<vmem_shared>> -> memref<192x128xf32, #tpu.memory_space<vmem_shared>>
      %dma_start3A_162 = arith.constant 0 : i32
      %dma_start3A_163 = tpu.memref_slice %arg15[%add3A_11, %dma_start3A_162] : memref<10000x128xf32, #tpu.memory_space<vmem_shared>> -> memref<192x128xf32, #tpu.memory_space<vmem_shared>>
      tpu.enqueue_dma source(%arg13 : memref<192x128xf32, #tpu.memory_space<vmem>>) target(%dma_start3A_163 : memref<192x128xf32, #tpu.memory_space<vmem_shared>>) target_semaphore(%run_scoped3A : memref<!tpu.dma_semaphore, #tpu.memory_space<semaphore_mem>>)
      %dma_wait3A_164 = arith.constant 0 : i32
      %dma_wait3A_165 = tpu.memref_slice %arg15[%add3A_11, %dma_wait3A_164] : memref<10000x128xf32, #tpu.memory_space<vmem_shared>> -> memref<192x128xf32, #tpu.memory_space<vmem_shared>>
      %dma_wait3A_166 = arith.constant 0 : i32
      %dma_wait3A_167 = tpu.memref_slice %arg15[%add3A_11, %dma_wait3A_166] : memref<10000x128xf32, #tpu.memory_space<vmem_shared>> -> memref<192x128xf32, #tpu.memory_space<vmem_shared>>
      tpu.wait_dma2 semaphore(%run_scoped3A : memref<!tpu.dma_semaphore, #tpu.memory_space<semaphore_mem>>) src(%arg13 : memref<192x128xf32, #tpu.memory_space<vmem>>) dst(%dma_wait3A_167 : memref<192x128xf32, #tpu.memory_space<vmem_shared>>)
      tpu.yield
    }) : () -> ()
    %mul3A_12 = arith.constant 624 : i32
    %mul3A_13 = arith.muli %arg1, %mul3A_12 : i32
    %add3A_14 = arith.constant 384 : i32
    %add3A_15 = arith.addi %mul3A_13, %add3A_14 : i32
    "tpu.region"() ({
      %run_scoped3A = tpu.sem_alloc : memref<!tpu.dma_semaphore, #tpu.memory_space<semaphore_mem>>
      %dma_start3A_160 = arith.constant 0 : i32
      %dma_start3A_161 = tpu.memref_slice %arg15[%add3A_15, %dma_start3A_160] : memref<10000x128xf32, #tpu.memory_space<vmem_shared>> -> memref<192x128xf32, #tpu.memory_space<vmem_shared>>
      %dma_start3A_162 = arith.constant 0 : i32
      %dma_start3A_163 = tpu.memref_slice %arg15[%add3A_15, %dma_start3A_162] : memref<10000x128xf32, #tpu.memory_space<vmem_shared>> -> memref<192x128xf32, #tpu.memory_space<vmem_shared>>
      tpu.enqueue_dma source(%arg13 : memref<192x128xf32, #tpu.memory_space<vmem>>) target(%dma_start3A_163 : memref<192x128xf32, #tpu.memory_space<vmem_shared>>) target_semaphore(%run_scoped3A : memref<!tpu.dma_semaphore, #tpu.memory_space<semaphore_mem>>)
      %dma_wait3A_164 = arith.constant 0 : i32
      %dma_wait3A_165 = tpu.memref_slice %arg15[%add3A_15, %dma_wait3A_164] : memref<10000x128xf32, #tpu.memory_space<vmem_shared>> -> memref<192x128xf32, #tpu.memory_space<vmem_shared>>
      %dma_wait3A_166 = arith.constant 0 : i32
      %dma_wait3A_167 = tpu.memref_slice %arg15[%add3A_15, %dma_wait3A_166] : memref<10000x128xf32, #tpu.memory_space<vmem_shared>> -> memref<192x128xf32, #tpu.memory_space<vmem_shared>>
      tpu.wait_dma2 semaphore(%run_scoped3A : memref<!tpu.dma_semaphore, #tpu.memory_space<semaphore_mem>>) src(%arg13 : memref<192x128xf32, #tpu.memory_space<vmem>>) dst(%dma_wait3A_167 : memref<192x128xf32, #tpu.memory_space<vmem_shared>>)
      tpu.yield
    }) : () -> ()
    %mul3A_16 = arith.constant 624 : i32
    %mul3A_17 = arith.muli %arg1, %mul3A_16 : i32
    %add3A_18 = arith.constant 576 : i32
    %add3A_19 = arith.addi %mul3A_17, %add3A_18 : i32
    "tpu.region"() ({
      %run_scoped3A = tpu.sem_alloc : memref<!tpu.dma_semaphore, #tpu.memory_space<semaphore_mem>>
      %dma_start3A_160 = arith.constant 0 : i32
      %dma_start3A_161 = arith.constant 0 : i32
      %dma_start3A_162 = tpu.memref_slice %arg13[%dma_start3A_160, %dma_start3A_161] : memref<192x128xf32, #tpu.memory_space<vmem>> -> memref<48x128xf32, #tpu.memory_space<vmem>>
      %dma_start3A_163 = arith.constant 0 : i32
      %dma_start3A_164 = tpu.memref_slice %arg15[%add3A_19, %dma_start3A_163] : memref<10000x128xf32, #tpu.memory_space<vmem_shared>> -> memref<48x128xf32, #tpu.memory_space<vmem_shared>>
      %dma_start3A_165 = arith.constant 0 : i32
      %dma_start3A_166 = tpu.memref_slice %arg15[%add3A_19, %dma_start3A_165] : memref<10000x128xf32, #tpu.memory_space<vmem_shared>> -> memref<48x128xf32, #tpu.memory_space<vmem_shared>>
      %dma_start3A_167 = arith.constant 0 : i32
      %dma_start3A_168 = arith.constant 0 : i32
      %dma_start3A_169 = tpu.memref_slice %arg13[%dma_start3A_167, %dma_start3A_168] : memref<192x128xf32, #tpu.memory_space<vmem>> -> memref<48x128xf32, #tpu.memory_space<vmem>>
      tpu.enqueue_dma source(%dma_start3A_169 : memref<48x128xf32, #tpu.memory_space<vmem>>) target(%dma_start3A_166 : memref<48x128xf32, #tpu.memory_space<vmem_shared>>) target_semaphore(%run_scoped3A : memref<!tpu.dma_semaphore, #tpu.memory_space<semaphore_mem>>)
      %dma_wait3A_170 = arith.constant 0 : i32
      %dma_wait3A_171 = arith.constant 0 : i32
      %dma_wait3A_172 = tpu.memref_slice %arg13[%dma_wait3A_170, %dma_wait3A_171] : memref<192x128xf32, #tpu.memory_space<vmem>> -> memref<48x128xf32, #tpu.memory_space<vmem>>
      %dma_wait3A_173 = arith.constant 0 : i32
      %dma_wait3A_174 = tpu.memref_slice %arg15[%add3A_19, %dma_wait3A_173] : memref<10000x128xf32, #tpu.memory_space<vmem_shared>> -> memref<48x128xf32, #tpu.memory_space<vmem_shared>>
      %dma_wait3A_175 = arith.constant 0 : i32
      %dma_wait3A_176 = tpu.memref_slice %arg15[%add3A_19, %dma_wait3A_175] : memref<10000x128xf32, #tpu.memory_space<vmem_shared>> -> memref<48x128xf32, #tpu.memory_space<vmem_shared>>
      %dma_wait3A_177 = arith.constant 0 : i32
      %dma_wait3A_178 = arith.constant 0 : i32
      %dma_wait3A_179 = tpu.memref_slice %arg13[%dma_wait3A_177, %dma_wait3A_178] : memref<192x128xf32, #tpu.memory_space<vmem>> -> memref<48x128xf32, #tpu.memory_space<vmem>>
      tpu.wait_dma2 semaphore(%run_scoped3A : memref<!tpu.dma_semaphore, #tpu.memory_space<semaphore_mem>>) src(%dma_wait3A_179 : memref<48x128xf32, #tpu.memory_space<vmem>>) dst(%dma_wait3A_176 : memref<48x128xf32, #tpu.memory_space<vmem_shared>>)
      tpu.yield
    }) : () -> ()
    %eq3A = arith.constant 15 : i32
    %eq3A_20 = arith.cmpi eq, %arg1, %eq3A : i32
    %convert_element_type3A = arith.extui %eq3A_20 : i1 to i32
    %cond3A = arith.constant 0 : i32
    %cond3A_21 = arith.cmpi ne, %convert_element_type3A, %cond3A : i32
    scf.if %cond3A_21 {
      "tpu.region"() ({
        %run_scoped3A = tpu.sem_alloc : memref<!tpu.dma_semaphore, #tpu.memory_space<semaphore_mem>>
        %dma_start3A_160 = arith.constant 0 : i32
        %dma_start3A_161 = arith.constant 0 : i32
        %dma_start3A_162 = tpu.memref_slice %arg13[%dma_start3A_160, %dma_start3A_161] : memref<192x128xf32, #tpu.memory_space<vmem>> -> memref<16x128xf32, #tpu.memory_space<vmem>>
        %dma_start3A_163 = arith.constant 9984 : i32
        %dma_start3A_164 = arith.constant 0 : i32
        %dma_start3A_165 = tpu.memref_slice %arg15[%dma_start3A_163, %dma_start3A_164] : memref<10000x128xf32, #tpu.memory_space<vmem_shared>> -> memref<16x128xf32, #tpu.memory_space<vmem_shared>>
        %dma_start3A_166 = arith.constant 9984 : i32
        %dma_start3A_167 = arith.constant 0 : i32
        %dma_start3A_168 = tpu.memref_slice %arg15[%dma_start3A_166, %dma_start3A_167] : memref<10000x128xf32, #tpu.memory_space<vmem_shared>> -> memref<16x128xf32, #tpu.memory_space<vmem_shared>>
        %dma_start3A_169 = arith.constant 0 : i32
        %dma_start3A_170 = arith.constant 0 : i32
        %dma_start3A_171 = tpu.memref_slice %arg13[%dma_start3A_169, %dma_start3A_170] : memref<192x128xf32, #tpu.memory_space<vmem>> -> memref<16x128xf32, #tpu.memory_space<vmem>>
        tpu.enqueue_dma source(%dma_start3A_171 : memref<16x128xf32, #tpu.memory_space<vmem>>) target(%dma_start3A_168 : memref<16x128xf32, #tpu.memory_space<vmem_shared>>) target_semaphore(%run_scoped3A : memref<!tpu.dma_semaphore, #tpu.memory_space<semaphore_mem>>)
        %dma_wait3A_172 = arith.constant 0 : i32
        %dma_wait3A_173 = arith.constant 0 : i32
        %dma_wait3A_174 = tpu.memref_slice %arg13[%dma_wait3A_172, %dma_wait3A_173] : memref<192x128xf32, #tpu.memory_space<vmem>> -> memref<16x128xf32, #tpu.memory_space<vmem>>
        %dma_wait3A_175 = arith.constant 9984 : i32
        %dma_wait3A_176 = arith.constant 0 : i32
        %dma_wait3A_177 = tpu.memref_slice %arg15[%dma_wait3A_175, %dma_wait3A_176] : memref<10000x128xf32, #tpu.memory_space<vmem_shared>> -> memref<16x128xf32, #tpu.memory_space<vmem_shared>>
        %dma_wait3A_178 = arith.constant 9984 : i32
        %dma_wait3A_179 = arith.constant 0 : i32
        %dma_wait3A_180 = tpu.memref_slice %arg15[%dma_wait3A_178, %dma_wait3A_179] : memref<10000x128xf32, #tpu.memory_space<vmem_shared>> -> memref<16x128xf32, #tpu.memory_space<vmem_shared>>
        %dma_wait3A_181 = arith.constant 0 : i32
        %dma_wait3A_182 = arith.constant 0 : i32
        %dma_wait3A_183 = tpu.memref_slice %arg13[%dma_wait3A_181, %dma_wait3A_182] : memref<192x128xf32, #tpu.memory_space<vmem>> -> memref<16x128xf32, #tpu.memory_space<vmem>>
        tpu.wait_dma2 semaphore(%run_scoped3A : memref<!tpu.dma_semaphore, #tpu.memory_space<semaphore_mem>>) src(%dma_wait3A_183 : memref<16x128xf32, #tpu.memory_space<vmem>>) dst(%dma_wait3A_180 : memref<16x128xf32, #tpu.memory_space<vmem_shared>>)
        tpu.yield
      }) : () -> ()
    } else {
    }
    %barrier3A = arith.constant 0 : index
    tpu.barrier barrier_id(%barrier3A)
    %mul3A_22 = arith.constant 54 : i32
    %mul3A_23 = arith.muli %arg1, %mul3A_22 : i32
    %add3A_24 = arith.constant 0 : i32
    %add3A_25 = arith.addi %mul3A_23, %add3A_24 : i32
    %mul3A_26 = arith.constant 192 : i32
    %mul3A_27 = arith.muli %add3A_25, %mul3A_26 : i32
    %dma_start3A = tpu.memref_slice %arg3[%mul3A_27] : memref<165888xi32, #tpu.memory_space<hbm>> -> memref<192xi32, #tpu.memory_space<hbm>>
    %dma_start3A_28 = tpu.memref_slice %arg3[%mul3A_27] : memref<165888xi32, #tpu.memory_space<hbm>> -> memref<192xi32, #tpu.memory_space<hbm>>
    tpu.enqueue_dma source(%dma_start3A_28 : memref<192xi32, #tpu.memory_space<hbm>>) target(%arg7 : memref<192xi32, #tpu.memory_space<vmem>>) target_semaphore(%arg20 : memref<!tpu.dma_semaphore, #tpu.memory_space<semaphore_mem>>)
    %mul3A_29 = arith.constant 54 : i32
    %mul3A_30 = arith.muli %arg1, %mul3A_29 : i32
    %add3A_31 = arith.constant 0 : i32
    %add3A_32 = arith.addi %mul3A_30, %add3A_31 : i32
    %mul3A_33 = arith.constant 192 : i32
    %mul3A_34 = arith.muli %add3A_32, %mul3A_33 : i32
    %dma_start3A_35 = arith.constant 0 : i32
    %dma_start3A_36 = tpu.memref_slice %arg11[%dma_start3A_35] : memref<208xf32, #tpu.memory_space<vmem>> -> memref<192xf32, #tpu.memory_space<vmem>>
    %dma_start3A_37 = tpu.memref_slice %arg5[%mul3A_34] : memref<165888xf32, #tpu.memory_space<hbm>> -> memref<192xf32, #tpu.memory_space<hbm>>
    %dma_start3A_38 = arith.constant 0 : i32
    %dma_start3A_39 = tpu.memref_slice %arg11[%dma_start3A_38] : memref<208xf32, #tpu.memory_space<vmem>> -> memref<192xf32, #tpu.memory_space<vmem>>
    %dma_start3A_40 = tpu.memref_slice %arg5[%mul3A_34] : memref<165888xf32, #tpu.memory_space<hbm>> -> memref<192xf32, #tpu.memory_space<hbm>>
    tpu.enqueue_dma source(%dma_start3A_40 : memref<192xf32, #tpu.memory_space<hbm>>) target(%dma_start3A_39 : memref<192xf32, #tpu.memory_space<vmem>>) target_semaphore(%arg20 : memref<!tpu.dma_semaphore, #tpu.memory_space<semaphore_mem>>)
    %mul3A_41 = arith.constant 54 : i32
    %mul3A_42 = arith.muli %arg1, %mul3A_41 : i32
    %add3A_43 = arith.constant 1 : i32
    %add3A_44 = arith.addi %mul3A_42, %add3A_43 : i32
    %mul3A_45 = arith.constant 192 : i32
    %mul3A_46 = arith.muli %add3A_44, %mul3A_45 : i32
    %dma_start3A_47 = tpu.memref_slice %arg3[%mul3A_46] : memref<165888xi32, #tpu.memory_space<hbm>> -> memref<192xi32, #tpu.memory_space<hbm>>
    %dma_start3A_48 = tpu.memref_slice %arg3[%mul3A_46] : memref<165888xi32, #tpu.memory_space<hbm>> -> memref<192xi32, #tpu.memory_space<hbm>>
    tpu.enqueue_dma source(%dma_start3A_48 : memref<192xi32, #tpu.memory_space<hbm>>) target(%arg8 : memref<192xi32, #tpu.memory_space<vmem>>) target_semaphore(%arg21 : memref<!tpu.dma_semaphore, #tpu.memory_space<semaphore_mem>>)
    %mul3A_49 = arith.constant 54 : i32
    %mul3A_50 = arith.muli %arg1, %mul3A_49 : i32
    %add3A_51 = arith.constant 1 : i32
    %add3A_52 = arith.addi %mul3A_50, %add3A_51 : i32
    %mul3A_53 = arith.constant 192 : i32
    %mul3A_54 = arith.muli %add3A_52, %mul3A_53 : i32
    %dma_start3A_55 = arith.constant 0 : i32
    %dma_start3A_56 = tpu.memref_slice %arg12[%dma_start3A_55] : memref<208xf32, #tpu.memory_space<vmem>> -> memref<192xf32, #tpu.memory_space<vmem>>
    %dma_start3A_57 = tpu.memref_slice %arg5[%mul3A_54] : memref<165888xf32, #tpu.memory_space<hbm>> -> memref<192xf32, #tpu.memory_space<hbm>>
    %dma_start3A_58 = arith.constant 0 : i32
    %dma_start3A_59 = tpu.memref_slice %arg12[%dma_start3A_58] : memref<208xf32, #tpu.memory_space<vmem>> -> memref<192xf32, #tpu.memory_space<vmem>>
    %dma_start3A_60 = tpu.memref_slice %arg5[%mul3A_54] : memref<165888xf32, #tpu.memory_space<hbm>> -> memref<192xf32, #tpu.memory_space<hbm>>
    tpu.enqueue_dma source(%dma_start3A_60 : memref<192xf32, #tpu.memory_space<hbm>>) target(%dma_start3A_59 : memref<192xf32, #tpu.memory_space<vmem>>) target_semaphore(%arg21 : memref<!tpu.dma_semaphore, #tpu.memory_space<semaphore_mem>>)
    %mul3A_61 = arith.constant 54 : i32
    %mul3A_62 = arith.muli %arg1, %mul3A_61 : i32
    %add3A_63 = arith.constant 0 : i32
    %add3A_64 = arith.addi %mul3A_62, %add3A_63 : i32
    %mul3A_65 = arith.constant 192 : i32
    %mul3A_66 = arith.muli %add3A_64, %mul3A_65 : i32
    %dma_start3A_67 = tpu.memref_slice %arg4[%mul3A_66] : memref<165888xi32, #tpu.memory_space<hbm>> -> memref<192xi32, #tpu.memory_space<hbm>>
    %dma_start3A_68 = tpu.memref_slice %arg4[%mul3A_66] : memref<165888xi32, #tpu.memory_space<hbm>> -> memref<192xi32, #tpu.memory_space<hbm>>
    tpu.enqueue_dma source(%dma_start3A_68 : memref<192xi32, #tpu.memory_space<hbm>>) target(%arg9 : memref<192xi32, #tpu.memory_space<vmem>>) target_semaphore(%arg22 : memref<!tpu.dma_semaphore, #tpu.memory_space<semaphore_mem>>)
    %mul3A_69 = arith.constant 54 : i32
    %mul3A_70 = arith.muli %arg1, %mul3A_69 : i32
    %add3A_71 = arith.constant 1 : i32
    %add3A_72 = arith.addi %mul3A_70, %add3A_71 : i32
    %mul3A_73 = arith.constant 192 : i32
    %mul3A_74 = arith.muli %add3A_72, %mul3A_73 : i32
    %dma_start3A_75 = tpu.memref_slice %arg4[%mul3A_74] : memref<165888xi32, #tpu.memory_space<hbm>> -> memref<192xi32, #tpu.memory_space<hbm>>
    %dma_start3A_76 = tpu.memref_slice %arg4[%mul3A_74] : memref<165888xi32, #tpu.memory_space<hbm>> -> memref<192xi32, #tpu.memory_space<hbm>>
    tpu.enqueue_dma source(%dma_start3A_76 : memref<192xi32, #tpu.memory_space<hbm>>) target(%arg10 : memref<192xi32, #tpu.memory_space<vmem>>) target_semaphore(%arg23 : memref<!tpu.dma_semaphore, #tpu.memory_space<semaphore_mem>>)
    %dma_wait3A = arith.constant 0 : i32
    %dma_wait3A_77 = tpu.memref_slice %arg3[%dma_wait3A] : memref<165888xi32, #tpu.memory_space<hbm>> -> memref<192xi32, #tpu.memory_space<hbm>>
    %dma_wait3A_78 = arith.constant 0 : i32
    %dma_wait3A_79 = tpu.memref_slice %arg3[%dma_wait3A_78] : memref<165888xi32, #tpu.memory_space<hbm>> -> memref<192xi32, #tpu.memory_space<hbm>>
    tpu.wait_dma2 semaphore(%arg20 : memref<!tpu.dma_semaphore, #tpu.memory_space<semaphore_mem>>) src(%dma_wait3A_79 : memref<192xi32, #tpu.memory_space<hbm>>) dst(%arg7 : memref<192xi32, #tpu.memory_space<vmem>>)
    %dma_wait3A_80 = arith.constant 0 : i32
    %dma_wait3A_81 = tpu.memref_slice %arg11[%dma_wait3A_80] : memref<208xf32, #tpu.memory_space<vmem>> -> memref<192xf32, #tpu.memory_space<vmem>>
    %dma_wait3A_82 = arith.constant 0 : i32
    %dma_wait3A_83 = tpu.memref_slice %arg5[%dma_wait3A_82] : memref<165888xf32, #tpu.memory_space<hbm>> -> memref<192xf32, #tpu.memory_space<hbm>>
    %dma_wait3A_84 = arith.constant 0 : i32
    %dma_wait3A_85 = tpu.memref_slice %arg11[%dma_wait3A_84] : memref<208xf32, #tpu.memory_space<vmem>> -> memref<192xf32, #tpu.memory_space<vmem>>
    %dma_wait3A_86 = arith.constant 0 : i32
    %dma_wait3A_87 = tpu.memref_slice %arg5[%dma_wait3A_86] : memref<165888xf32, #tpu.memory_space<hbm>> -> memref<192xf32, #tpu.memory_space<hbm>>
    tpu.wait_dma2 semaphore(%arg20 : memref<!tpu.dma_semaphore, #tpu.memory_space<semaphore_mem>>) src(%dma_wait3A_87 : memref<192xf32, #tpu.memory_space<hbm>>) dst(%dma_wait3A_85 : memref<192xf32, #tpu.memory_space<vmem>>)
    %dma_start3A_88 = arith.constant 0 : i32
    %dma_start3A_89 = arith.constant 0 : i32
    %dma_start3A_90 = tpu.memref_slice %arg2[%arg0, %dma_start3A_88, %dma_start3A_89] : memref<2x10000x128xf32, #tpu.memory_space<hbm>> -> memref<1x10000x128xf32, #tpu.memory_space<hbm>>
    %dma_start3A_91 = tpu.memref_squeeze %dma_start3A_90 : memref<1x10000x128xf32, #tpu.memory_space<hbm>> -> memref<10000x128xf32, #tpu.memory_space<hbm>>
    %dma_start3A_92 = arith.constant 0 : i32
    %dma_start3A_93 = arith.constant 0 : i32
    %dma_start3A_94 = tpu.memref_slice %dma_start3A_91[%dma_start3A_92, %dma_start3A_93] : memref<10000x128xf32, #tpu.memory_space<hbm>> -> memref<10000x128xf32, #tpu.memory_space<hbm>>
    tpu.enqueue_indirect_dma source(%dma_start3A_94 : memref<10000x128xf32, #tpu.memory_space<hbm>>) target(%arg13 : memref<192x128xf32, #tpu.memory_space<vmem>>) offsets(%arg7 : memref<192xi32, #tpu.memory_space<vmem>>) semaphore(%arg16 : memref<!tpu.dma_semaphore, #tpu.memory_space<semaphore_mem>>)
    %scan3A_95 = arith.constant 0 : i32
    %scan3A_96 = arith.constant 0 : i32
    %scan3A_97 = arith.constant 27 : i32
    %scan3A_98 = arith.addi %scan3A_96, %scan3A_97 : i32
    %scan3A_99 = arith.constant 1 : i32
    %scan3A_100 = scf.for %scan3A_160 = %scan3A_96 to %scan3A_98 step %scan3A_99 iter_args(%scan3A_161 = %scan3A_95) -> (i32)  : i32 {
      %mul3A_162 = arith.constant 2 : i32
      %mul3A_163 = arith.muli %mul3A_162, %scan3A_160 : i32
      %lt3A = arith.constant 26 : i32
      %lt3A_164 = arith.cmpi slt, %scan3A_160, %lt3A : i32
      %dma_wait3A_165 = arith.constant 0 : i32
      %dma_wait3A_166 = tpu.memref_slice %arg3[%dma_wait3A_165] : memref<165888xi32, #tpu.memory_space<hbm>> -> memref<192xi32, #tpu.memory_space<hbm>>
      %dma_wait3A_167 = arith.constant 0 : i32
      %dma_wait3A_168 = tpu.memref_slice %arg3[%dma_wait3A_167] : memref<165888xi32, #tpu.memory_space<hbm>> -> memref<192xi32, #tpu.memory_space<hbm>>
      tpu.wait_dma2 semaphore(%arg21 : memref<!tpu.dma_semaphore, #tpu.memory_space<semaphore_mem>>) src(%dma_wait3A_168 : memref<192xi32, #tpu.memory_space<hbm>>) dst(%arg8 : memref<192xi32, #tpu.memory_space<vmem>>)
      %dma_wait3A_169 = arith.constant 0 : i32
      %dma_wait3A_170 = tpu.memref_slice %arg12[%dma_wait3A_169] : memref<208xf32, #tpu.memory_space<vmem>> -> memref<192xf32, #tpu.memory_space<vmem>>
      %dma_wait3A_171 = arith.constant 0 : i32
      %dma_wait3A_172 = tpu.memref_slice %arg5[%dma_wait3A_171] : memref<165888xf32, #tpu.memory_space<hbm>> -> memref<192xf32, #tpu.memory_space<hbm>>
      %dma_wait3A_173 = arith.constant 0 : i32
      %dma_wait3A_174 = tpu.memref_slice %arg12[%dma_wait3A_173] : memref<208xf32, #tpu.memory_space<vmem>> -> memref<192xf32, #tpu.memory_space<vmem>>
      %dma_wait3A_175 = arith.constant 0 : i32
      %dma_wait3A_176 = tpu.memref_slice %arg5[%dma_wait3A_175] : memref<165888xf32, #tpu.memory_space<hbm>> -> memref<192xf32, #tpu.memory_space<hbm>>
      tpu.wait_dma2 semaphore(%arg21 : memref<!tpu.dma_semaphore, #tpu.memory_space<semaphore_mem>>) src(%dma_wait3A_176 : memref<192xf32, #tpu.memory_space<hbm>>) dst(%dma_wait3A_174 : memref<192xf32, #tpu.memory_space<vmem>>)
      %dma_start3A_177 = arith.constant 0 : i32
      %dma_start3A_178 = arith.constant 0 : i32
      %dma_start3A_179 = tpu.memref_slice %arg2[%arg0, %dma_start3A_177, %dma_start3A_178] : memref<2x10000x128xf32, #tpu.memory_space<hbm>> -> memref<1x10000x128xf32, #tpu.memory_space<hbm>>
      %dma_start3A_180 = tpu.memref_squeeze %dma_start3A_179 : memref<1x10000x128xf32, #tpu.memory_space<hbm>> -> memref<10000x128xf32, #tpu.memory_space<hbm>>
      %dma_start3A_181 = arith.constant 0 : i32
      %dma_start3A_182 = arith.constant 0 : i32
      %dma_start3A_183 = tpu.memref_slice %dma_start3A_180[%dma_start3A_181, %dma_start3A_182] : memref<10000x128xf32, #tpu.memory_space<hbm>> -> memref<10000x128xf32, #tpu.memory_space<hbm>>
      tpu.enqueue_indirect_dma source(%dma_start3A_183 : memref<10000x128xf32, #tpu.memory_space<hbm>>) target(%arg14 : memref<192x128xf32, #tpu.memory_space<vmem>>) offsets(%arg8 : memref<192xi32, #tpu.memory_space<vmem>>) semaphore(%arg17 : memref<!tpu.dma_semaphore, #tpu.memory_space<semaphore_mem>>)
      %dma_wait3A_184 = arith.constant 0 : i32
      %dma_wait3A_185 = arith.constant 0 : i32
      %dma_wait3A_186 = tpu.memref_slice %arg2[%arg0, %dma_wait3A_184, %dma_wait3A_185] : memref<2x10000x128xf32, #tpu.memory_space<hbm>> -> memref<1x192x128xf32, #tpu.memory_space<hbm>>
      %dma_wait3A_187 = tpu.memref_squeeze %dma_wait3A_186 : memref<1x192x128xf32, #tpu.memory_space<hbm>> -> memref<192x128xf32, #tpu.memory_space<hbm>>
      %dma_wait3A_188 = arith.constant 0 : i32
      %dma_wait3A_189 = arith.constant 0 : i32
      %dma_wait3A_190 = tpu.memref_slice %arg2[%arg0, %dma_wait3A_188, %dma_wait3A_189] : memref<2x10000x128xf32, #tpu.memory_space<hbm>> -> memref<1x192x128xf32, #tpu.memory_space<hbm>>
      %dma_wait3A_191 = tpu.memref_squeeze %dma_wait3A_190 : memref<1x192x128xf32, #tpu.memory_space<hbm>> -> memref<192x128xf32, #tpu.memory_space<hbm>>
      tpu.wait_dma2 semaphore(%arg16 : memref<!tpu.dma_semaphore, #tpu.memory_space<semaphore_mem>>) src(%dma_wait3A_191 : memref<192x128xf32, #tpu.memory_space<hbm>>) dst(%arg13 : memref<192x128xf32, #tpu.memory_space<vmem>>)
      %parallel_loop3A = arith.constant 0 : i32
      %parallel_loop3A_192 = arith.constant 192 : i32
      %parallel_loop3A_193 = arith.constant 1 : i32
      scf.for %parallel_loop3A_248 = %parallel_loop3A to %parallel_loop3A_192 step %parallel_loop3A_193  : i32 {
        %parallel_loop3A_249 = arith.index_cast %parallel_loop3A_248 : i32 to index
        %parallel_loop3A_250 = tpu.vector_load %arg11[%parallel_loop3A_249] {strides = array<i32>} : memref<208xf32, #tpu.memory_space<vmem>>, vector<16xf32>,
        %parallel_loop3A_251 = vector.shape_cast %parallel_loop3A_250 : vector<16xf32> to vector<16xf32>
        %parallel_loop3A_252 = vector.extract_strided_slice %parallel_loop3A_251 {offsets = [0], sizes = [1], strides = [1]} : vector<16xf32> to vector<1xf32>
        %parallel_loop3A_253 = vector.extract %parallel_loop3A_252[0] : f32 from vector<1xf32>
        %parallel_loop3A_254 = arith.index_cast %parallel_loop3A_248 : i32 to index
        %parallel_loop3A_255 = arith.constant 0 : index
        %parallel_loop3A_256 = tpu.vector_load %arg13[%parallel_loop3A_254, %parallel_loop3A_255] {strides = array<i32>} : memref<192x128xf32, #tpu.memory_space<vmem>>, vector<1x16xf32>,
        %parallel_loop3A_257 = vector.shape_cast %parallel_loop3A_256 : vector<1x16xf32> to vector<16xf32>
        %parallel_loop3A_258 = vector.broadcast %parallel_loop3A_253 : f32 to vector<16xf32>
        %parallel_loop3A_259 = arith.mulf %parallel_loop3A_257, %parallel_loop3A_258 : vector<16xf32>
        %parallel_loop3A_260 = arith.index_cast %parallel_loop3A_248 : i32 to index
        %parallel_loop3A_261 = arith.constant 0 : index
        %parallel_loop3A_262 = tpu.vector_load %arg13[%parallel_loop3A_260, %parallel_loop3A_261] {strides = array<i32>} : memref<192x128xf32, #tpu.memory_space<vmem>>, vector<1x16xf32>,
        %parallel_loop3A_263 = vector.shape_cast %parallel_loop3A_262 : vector<1x16xf32> to vector<16xf32>
        %parallel_loop3A_264 = vector.shape_cast %parallel_loop3A_259 : vector<16xf32> to vector<1x16xf32>
        tpu.vector_store %arg13[%parallel_loop3A_260, %parallel_loop3A_261], %parallel_loop3A_264 {strides = array<i32>} : memref<192x128xf32, #tpu.memory_space<vmem>>, vector<1x16xf32>,
        %parallel_loop3A_265 = arith.index_cast %parallel_loop3A_248 : i32 to index
        %parallel_loop3A_266 = arith.constant 16 : index
        %parallel_loop3A_267 = tpu.vector_load %arg13[%parallel_loop3A_265, %parallel_loop3A_266] {strides = array<i32>} : memref<192x128xf32, #tpu.memory_space<vmem>>, vector<1x16xf32>,
        %parallel_loop3A_268 = vector.shape_cast %parallel_loop3A_267 : vector<1x16xf32> to vector<16xf32>
        %parallel_loop3A_269 = vector.broadcast %parallel_loop3A_253 : f32 to vector<16xf32>
        %parallel_loop3A_270 = arith.mulf %parallel_loop3A_268, %parallel_loop3A_269 : vector<16xf32>
        %parallel_loop3A_271 = arith.index_cast %parallel_loop3A_248 : i32 to index
        %parallel_loop3A_272 = arith.constant 16 : index
        %parallel_loop3A_273 = tpu.vector_load %arg13[%parallel_loop3A_271, %parallel_loop3A_272] {strides = array<i32>} : memref<192x128xf32, #tpu.memory_space<vmem>>, vector<1x16xf32>,
        %parallel_loop3A_274 = vector.shape_cast %parallel_loop3A_273 : vector<1x16xf32> to vector<16xf32>
        %parallel_loop3A_275 = vector.shape_cast %parallel_loop3A_270 : vector<16xf32> to vector<1x16xf32>
        tpu.vector_store %arg13[%parallel_loop3A_271, %parallel_loop3A_272], %parallel_loop3A_275 {strides = array<i32>} : memref<192x128xf32, #tpu.memory_space<vmem>>, vector<1x16xf32>,
        %parallel_loop3A_276 = arith.index_cast %parallel_loop3A_248 : i32 to index
        %parallel_loop3A_277 = arith.constant 32 : index
        %parallel_loop3A_278 = tpu.vector_load %arg13[%parallel_loop3A_276, %parallel_loop3A_277] {strides = array<i32>} : memref<192x128xf32, #tpu.memory_space<vmem>>, vector<1x16xf32>,
        %parallel_loop3A_279 = vector.shape_cast %parallel_loop3A_278 : vector<1x16xf32> to vector<16xf32>
        %parallel_loop3A_280 = vector.broadcast %parallel_loop3A_253 : f32 to vector<16xf32>
        %parallel_loop3A_281 = arith.mulf %parallel_loop3A_279, %parallel_loop3A_280 : vector<16xf32>
        %parallel_loop3A_282 = arith.index_cast %parallel_loop3A_248 : i32 to index
        %parallel_loop3A_283 = arith.constant 32 : index
        %parallel_loop3A_284 = tpu.vector_load %arg13[%parallel_loop3A_282, %parallel_loop3A_283] {strides = array<i32>} : memref<192x128xf32, #tpu.memory_space<vmem>>, vector<1x16xf32>,
        %parallel_loop3A_285 = vector.shape_cast %parallel_loop3A_284 : vector<1x16xf32> to vector<16xf32>
        %parallel_loop3A_286 = vector.shape_cast %parallel_loop3A_281 : vector<16xf32> to vector<1x16xf32>
        tpu.vector_store %arg13[%parallel_loop3A_282, %parallel_loop3A_283], %parallel_loop3A_286 {strides = array<i32>} : memref<192x128xf32, #tpu.memory_space<vmem>>, vector<1x16xf32>,
        %parallel_loop3A_287 = arith.index_cast %parallel_loop3A_248 : i32 to index
        %parallel_loop3A_288 = arith.constant 48 : index
        %parallel_loop3A_289 = tpu.vector_load %arg13[%parallel_loop3A_287, %parallel_loop3A_288] {strides = array<i32>} : memref<192x128xf32, #tpu.memory_space<vmem>>, vector<1x16xf32>,
        %parallel_loop3A_290 = vector.shape_cast %parallel_loop3A_289 : vector<1x16xf32> to vector<16xf32>
        %parallel_loop3A_291 = vector.broadcast %parallel_loop3A_253 : f32 to vector<16xf32>
        %parallel_loop3A_292 = arith.mulf %parallel_loop3A_290, %parallel_loop3A_291 : vector<16xf32>
        %parallel_loop3A_293 = arith.index_cast %parallel_loop3A_248 : i32 to index
        %parallel_loop3A_294 = arith.constant 48 : index
        %parallel_loop3A_295 = tpu.vector_load %arg13[%parallel_loop3A_293, %parallel_loop3A_294] {strides = array<i32>} : memref<192x128xf32, #tpu.memory_space<vmem>>, vector<1x16xf32>,
        %parallel_loop3A_296 = vector.shape_cast %parallel_loop3A_295 : vector<1x16xf32> to vector<16xf32>
        %parallel_loop3A_297 = vector.shape_cast %parallel_loop3A_292 : vector<16xf32> to vector<1x16xf32>
        tpu.vector_store %arg13[%parallel_loop3A_293, %parallel_loop3A_294], %parallel_loop3A_297 {strides = array<i32>} : memref<192x128xf32, #tpu.memory_space<vmem>>, vector<1x16xf32>,
        %parallel_loop3A_298 = arith.index_cast %parallel_loop3A_248 : i32 to index
        %parallel_loop3A_299 = arith.constant 64 : index
        %parallel_loop3A_300 = tpu.vector_load %arg13[%parallel_loop3A_298, %parallel_loop3A_299] {strides = array<i32>} : memref<192x128xf32, #tpu.memory_space<vmem>>, vector<1x16xf32>,
        %parallel_loop3A_301 = vector.shape_cast %parallel_loop3A_300 : vector<1x16xf32> to vector<16xf32>
        %parallel_loop3A_302 = vector.broadcast %parallel_loop3A_253 : f32 to vector<16xf32>
        %parallel_loop3A_303 = arith.mulf %parallel_loop3A_301, %parallel_loop3A_302 : vector<16xf32>
        %parallel_loop3A_304 = arith.index_cast %parallel_loop3A_248 : i32 to index
        %parallel_loop3A_305 = arith.constant 64 : index
        %parallel_loop3A_306 = tpu.vector_load %arg13[%parallel_loop3A_304, %parallel_loop3A_305] {strides = array<i32>} : memref<192x128xf32, #tpu.memory_space<vmem>>, vector<1x16xf32>,
        %parallel_loop3A_307 = vector.shape_cast %parallel_loop3A_306 : vector<1x16xf32> to vector<16xf32>
        %parallel_loop3A_308 = vector.shape_cast %parallel_loop3A_303 : vector<16xf32> to vector<1x16xf32>
        tpu.vector_store %arg13[%parallel_loop3A_304, %parallel_loop3A_305], %parallel_loop3A_308 {strides = array<i32>} : memref<192x128xf32, #tpu.memory_space<vmem>>, vector<1x16xf32>,
        %parallel_loop3A_309 = arith.index_cast %parallel_loop3A_248 : i32 to index
        %parallel_loop3A_310 = arith.constant 80 : index
        %parallel_loop3A_311 = tpu.vector_load %arg13[%parallel_loop3A_309, %parallel_loop3A_310] {strides = array<i32>} : memref<192x128xf32, #tpu.memory_space<vmem>>, vector<1x16xf32>,
        %parallel_loop3A_312 = vector.shape_cast %parallel_loop3A_311 : vector<1x16xf32> to vector<16xf32>
        %parallel_loop3A_313 = vector.broadcast %parallel_loop3A_253 : f32 to vector<16xf32>
        %parallel_loop3A_314 = arith.mulf %parallel_loop3A_312, %parallel_loop3A_313 : vector<16xf32>
        %parallel_loop3A_315 = arith.index_cast %parallel_loop3A_248 : i32 to index
        %parallel_loop3A_316 = arith.constant 80 : index
        %parallel_loop3A_317 = tpu.vector_load %arg13[%parallel_loop3A_315, %parallel_loop3A_316] {strides = array<i32>} : memref<192x128xf32, #tpu.memory_space<vmem>>, vector<1x16xf32>,
        %parallel_loop3A_318 = vector.shape_cast %parallel_loop3A_317 : vector<1x16xf32> to vector<16xf32>
        %parallel_loop3A_319 = vector.shape_cast %parallel_loop3A_314 : vector<16xf32> to vector<1x16xf32>
        tpu.vector_store %arg13[%parallel_loop3A_315, %parallel_loop3A_316], %parallel_loop3A_319 {strides = array<i32>} : memref<192x128xf32, #tpu.memory_space<vmem>>, vector<1x16xf32>,
        %parallel_loop3A_320 = arith.index_cast %parallel_loop3A_248 : i32 to index
        %parallel_loop3A_321 = arith.constant 96 : index
        %parallel_loop3A_322 = tpu.vector_load %arg13[%parallel_loop3A_320, %parallel_loop3A_321] {strides = array<i32>} : memref<192x128xf32, #tpu.memory_space<vmem>>, vector<1x16xf32>,
        %parallel_loop3A_323 = vector.shape_cast %parallel_loop3A_322 : vector<1x16xf32> to vector<16xf32>
        %parallel_loop3A_324 = vector.broadcast %parallel_loop3A_253 : f32 to vector<16xf32>
        %parallel_loop3A_325 = arith.mulf %parallel_loop3A_323, %parallel_loop3A_324 : vector<16xf32>
        %parallel_loop3A_326 = arith.index_cast %parallel_loop3A_248 : i32 to index
        %parallel_loop3A_327 = arith.constant 96 : index
        %parallel_loop3A_328 = tpu.vector_load %arg13[%parallel_loop3A_326, %parallel_loop3A_327] {strides = array<i32>} : memref<192x128xf32, #tpu.memory_space<vmem>>, vector<1x16xf32>,
        %parallel_loop3A_329 = vector.shape_cast %parallel_loop3A_328 : vector<1x16xf32> to vector<16xf32>
        %parallel_loop3A_330 = vector.shape_cast %parallel_loop3A_325 : vector<16xf32> to vector<1x16xf32>
        tpu.vector_store %arg13[%parallel_loop3A_326, %parallel_loop3A_327], %parallel_loop3A_330 {strides = array<i32>} : memref<192x128xf32, #tpu.memory_space<vmem>>, vector<1x16xf32>,
        %parallel_loop3A_331 = arith.index_cast %parallel_loop3A_248 : i32 to index
        %parallel_loop3A_332 = arith.constant 112 : index
        %parallel_loop3A_333 = tpu.vector_load %arg13[%parallel_loop3A_331, %parallel_loop3A_332] {strides = array<i32>} : memref<192x128xf32, #tpu.memory_space<vmem>>, vector<1x16xf32>,
        %parallel_loop3A_334 = vector.shape_cast %parallel_loop3A_333 : vector<1x16xf32> to vector<16xf32>
        %parallel_loop3A_335 = vector.broadcast %parallel_loop3A_253 : f32 to vector<16xf32>
        %parallel_loop3A_336 = arith.mulf %parallel_loop3A_334, %parallel_loop3A_335 : vector<16xf32>
        %parallel_loop3A_337 = arith.index_cast %parallel_loop3A_248 : i32 to index
        %parallel_loop3A_338 = arith.constant 112 : index
        %parallel_loop3A_339 = tpu.vector_load %arg13[%parallel_loop3A_337, %parallel_loop3A_338] {strides = array<i32>} : memref<192x128xf32, #tpu.memory_space<vmem>>, vector<1x16xf32>,
        %parallel_loop3A_340 = vector.shape_cast %parallel_loop3A_339 : vector<1x16xf32> to vector<16xf32>
        %parallel_loop3A_341 = vector.shape_cast %parallel_loop3A_336 : vector<16xf32> to vector<1x16xf32>
        tpu.vector_store %arg13[%parallel_loop3A_337, %parallel_loop3A_338], %parallel_loop3A_341 {strides = array<i32>} : memref<192x128xf32, #tpu.memory_space<vmem>>, vector<1x16xf32>,
      } {sc.loop_unroll_factor = 4 : i64, sc.parallel_access}
      %convert_element_type3A_194 = arith.extui %lt3A_164 : i1 to i32
      %cond3A_195 = arith.constant 0 : i32
      %cond3A_196 = arith.cmpi ne, %convert_element_type3A_194, %cond3A_195 : i32
      scf.if %cond3A_196 {
        %add3A_248 = arith.constant 2 : i32
        %add3A_249 = arith.addi %mul3A_163, %add3A_248 : i32
        %mul3A_250 = arith.constant 54 : i32
        %mul3A_251 = arith.muli %arg1, %mul3A_250 : i32
        %add3A_252 = arith.addi %mul3A_251, %add3A_249 : i32
        %mul3A_253 = arith.constant 192 : i32
        %mul3A_254 = arith.muli %add3A_252, %mul3A_253 : i32
        %dma_start3A_255 = tpu.memref_slice %arg3[%mul3A_254] : memref<165888xi32, #tpu.memory_space<hbm>> -> memref<192xi32, #tpu.memory_space<hbm>>
        %dma_start3A_256 = tpu.memref_slice %arg3[%mul3A_254] : memref<165888xi32, #tpu.memory_space<hbm>> -> memref<192xi32, #tpu.memory_space<hbm>>
        tpu.enqueue_dma source(%dma_start3A_256 : memref<192xi32, #tpu.memory_space<hbm>>) target(%arg7 : memref<192xi32, #tpu.memory_space<vmem>>) target_semaphore(%arg20 : memref<!tpu.dma_semaphore, #tpu.memory_space<semaphore_mem>>)
        %mul3A_257 = arith.constant 54 : i32
        %mul3A_258 = arith.muli %arg1, %mul3A_257 : i32
        %add3A_259 = arith.addi %mul3A_258, %add3A_249 : i32
        %mul3A_260 = arith.constant 192 : i32
        %mul3A_261 = arith.muli %add3A_259, %mul3A_260 : i32
        %dma_start3A_262 = arith.constant 0 : i32
        %dma_start3A_263 = tpu.memref_slice %arg11[%dma_start3A_262] : memref<208xf32, #tpu.memory_space<vmem>> -> memref<192xf32, #tpu.memory_space<vmem>>
        %dma_start3A_264 = tpu.memref_slice %arg5[%mul3A_261] : memref<165888xf32, #tpu.memory_space<hbm>> -> memref<192xf32, #tpu.memory_space<hbm>>
        %dma_start3A_265 = arith.constant 0 : i32
        %dma_start3A_266 = tpu.memref_slice %arg11[%dma_start3A_265] : memref<208xf32, #tpu.memory_space<vmem>> -> memref<192xf32, #tpu.memory_space<vmem>>
        %dma_start3A_267 = tpu.memref_slice %arg5[%mul3A_261] : memref<165888xf32, #tpu.memory_space<hbm>> -> memref<192xf32, #tpu.memory_space<hbm>>
        tpu.enqueue_dma source(%dma_start3A_267 : memref<192xf32, #tpu.memory_space<hbm>>) target(%dma_start3A_266 : memref<192xf32, #tpu.memory_space<vmem>>) target_semaphore(%arg20 : memref<!tpu.dma_semaphore, #tpu.memory_space<semaphore_mem>>)
      } else {
      }
      %dma_wait3A_197 = arith.constant 0 : i32
      %dma_wait3A_198 = tpu.memref_slice %arg4[%dma_wait3A_197] : memref<165888xi32, #tpu.memory_space<hbm>> -> memref<192xi32, #tpu.memory_space<hbm>>
      %dma_wait3A_199 = arith.constant 0 : i32
      %dma_wait3A_200 = tpu.memref_slice %arg4[%dma_wait3A_199] : memref<165888xi32, #tpu.memory_space<hbm>> -> memref<192xi32, #tpu.memory_space<hbm>>
      tpu.wait_dma2 semaphore(%arg22 : memref<!tpu.dma_semaphore, #tpu.memory_space<semaphore_mem>>) src(%dma_wait3A_200 : memref<192xi32, #tpu.memory_space<hbm>>) dst(%arg9 : memref<192xi32, #tpu.memory_space<vmem>>)
      %dma_start3A_201 = arith.constant 0 : i32
      %dma_start3A_202 = arith.constant 0 : i32
      %dma_start3A_203 = tpu.memref_slice %arg15[%dma_start3A_201, %dma_start3A_202] : memref<10000x128xf32, #tpu.memory_space<vmem_shared>> -> memref<10000x128xf32, #tpu.memory_space<vmem_shared>>
      tpu.enqueue_indirect_dma source(%arg13 : memref<192x128xf32, #tpu.memory_space<vmem>>) target(%dma_start3A_203 : memref<10000x128xf32, #tpu.memory_space<vmem_shared>>) offsets(%arg9 : memref<192xi32, #tpu.memory_space<vmem>>) semaphore(%arg18 : memref<!tpu.dma_semaphore, #tpu.memory_space<semaphore_mem>>) {add = true}
      %dma_wait3A_204 = arith.constant 0 : i32
      %dma_wait3A_205 = arith.constant 0 : i32
      %dma_wait3A_206 = tpu.memref_slice %arg2[%arg0, %dma_wait3A_204, %dma_wait3A_205] : memref<2x10000x128xf32, #tpu.memory_space<hbm>> -> memref<1x192x128xf32, #tpu.memory_space<hbm>>
      %dma_wait3A_207 = tpu.memref_squeeze %dma_wait3A_206 : memref<1x192x128xf32, #tpu.memory_space<hbm>> -> memref<192x128xf32, #tpu.memory_space<hbm>>
      %dma_wait3A_208 = arith.constant 0 : i32
      %dma_wait3A_209 = arith.constant 0 : i32
      %dma_wait3A_210 = tpu.memref_slice %arg2[%arg0, %dma_wait3A_208, %dma_wait3A_209] : memref<2x10000x128xf32, #tpu.memory_space<hbm>> -> memref<1x192x128xf32, #tpu.memory_space<hbm>>
      %dma_wait3A_211 = tpu.memref_squeeze %dma_wait3A_210 : memref<1x192x128xf32, #tpu.memory_space<hbm>> -> memref<192x128xf32, #tpu.memory_space<hbm>>
      tpu.wait_dma2 semaphore(%arg17 : memref<!tpu.dma_semaphore, #tpu.memory_space<semaphore_mem>>) src(%dma_wait3A_211 : memref<192x128xf32, #tpu.memory_space<hbm>>) dst(%arg14 : memref<192x128xf32, #tpu.memory_space<vmem>>)
      %parallel_loop3A_212 = arith.constant 0 : i32
      %parallel_loop3A_213 = arith.constant 192 : i32
      %parallel_loop3A_214 = arith.constant 1 : i32
      scf.for %parallel_loop3A_248 = %parallel_loop3A_212 to %parallel_loop3A_213 step %parallel_loop3A_214  : i32 {
        %parallel_loop3A_249 = arith.index_cast %parallel_loop3A_248 : i32 to index
        %parallel_loop3A_250 = tpu.vector_load %arg12[%parallel_loop3A_249] {strides = array<i32>} : memref<208xf32, #tpu.memory_space<vmem>>, vector<16xf32>,
        %parallel_loop3A_251 = vector.shape_cast %parallel_loop3A_250 : vector<16xf32> to vector<16xf32>
        %parallel_loop3A_252 = vector.extract_strided_slice %parallel_loop3A_251 {offsets = [0], sizes = [1], strides = [1]} : vector<16xf32> to vector<1xf32>
        %parallel_loop3A_253 = vector.extract %parallel_loop3A_252[0] : f32 from vector<1xf32>
        %parallel_loop3A_254 = arith.index_cast %parallel_loop3A_248 : i32 to index
        %parallel_loop3A_255 = arith.constant 0 : index
        %parallel_loop3A_256 = tpu.vector_load %arg14[%parallel_loop3A_254, %parallel_loop3A_255] {strides = array<i32>} : memref<192x128xf32, #tpu.memory_space<vmem>>, vector<1x16xf32>,
        %parallel_loop3A_257 = vector.shape_cast %parallel_loop3A_256 : vector<1x16xf32> to vector<16xf32>
        %parallel_loop3A_258 = vector.broadcast %parallel_loop3A_253 : f32 to vector<16xf32>
        %parallel_loop3A_259 = arith.mulf %parallel_loop3A_257, %parallel_loop3A_258 : vector<16xf32>
        %parallel_loop3A_260 = arith.index_cast %parallel_loop3A_248 : i32 to index
        %parallel_loop3A_261 = arith.constant 0 : index
        %parallel_loop3A_262 = tpu.vector_load %arg14[%parallel_loop3A_260, %parallel_loop3A_261] {strides = array<i32>} : memref<192x128xf32, #tpu.memory_space<vmem>>, vector<1x16xf32>,
        %parallel_loop3A_263 = vector.shape_cast %parallel_loop3A_262 : vector<1x16xf32> to vector<16xf32>
        %parallel_loop3A_264 = vector.shape_cast %parallel_loop3A_259 : vector<16xf32> to vector<1x16xf32>
        tpu.vector_store %arg14[%parallel_loop3A_260, %parallel_loop3A_261], %parallel_loop3A_264 {strides = array<i32>} : memref<192x128xf32, #tpu.memory_space<vmem>>, vector<1x16xf32>,
        %parallel_loop3A_265 = arith.index_cast %parallel_loop3A_248 : i32 to index
        %parallel_loop3A_266 = arith.constant 16 : index
        %parallel_loop3A_267 = tpu.vector_load %arg14[%parallel_loop3A_265, %parallel_loop3A_266] {strides = array<i32>} : memref<192x128xf32, #tpu.memory_space<vmem>>, vector<1x16xf32>,
        %parallel_loop3A_268 = vector.shape_cast %parallel_loop3A_267 : vector<1x16xf32> to vector<16xf32>
        %parallel_loop3A_269 = vector.broadcast %parallel_loop3A_253 : f32 to vector<16xf32>
        %parallel_loop3A_270 = arith.mulf %parallel_loop3A_268, %parallel_loop3A_269 : vector<16xf32>
        %parallel_loop3A_271 = arith.index_cast %parallel_loop3A_248 : i32 to index
        %parallel_loop3A_272 = arith.constant 16 : index
        %parallel_loop3A_273 = tpu.vector_load %arg14[%parallel_loop3A_271, %parallel_loop3A_272] {strides = array<i32>} : memref<192x128xf32, #tpu.memory_space<vmem>>, vector<1x16xf32>,
        %parallel_loop3A_274 = vector.shape_cast %parallel_loop3A_273 : vector<1x16xf32> to vector<16xf32>
        %parallel_loop3A_275 = vector.shape_cast %parallel_loop3A_270 : vector<16xf32> to vector<1x16xf32>
        tpu.vector_store %arg14[%parallel_loop3A_271, %parallel_loop3A_272], %parallel_loop3A_275 {strides = array<i32>} : memref<192x128xf32, #tpu.memory_space<vmem>>, vector<1x16xf32>,
        %parallel_loop3A_276 = arith.index_cast %parallel_loop3A_248 : i32 to index
        %parallel_loop3A_277 = arith.constant 32 : index
        %parallel_loop3A_278 = tpu.vector_load %arg14[%parallel_loop3A_276, %parallel_loop3A_277] {strides = array<i32>} : memref<192x128xf32, #tpu.memory_space<vmem>>, vector<1x16xf32>,
        %parallel_loop3A_279 = vector.shape_cast %parallel_loop3A_278 : vector<1x16xf32> to vector<16xf32>
        %parallel_loop3A_280 = vector.broadcast %parallel_loop3A_253 : f32 to vector<16xf32>
        %parallel_loop3A_281 = arith.mulf %parallel_loop3A_279, %parallel_loop3A_280 : vector<16xf32>
        %parallel_loop3A_282 = arith.index_cast %parallel_loop3A_248 : i32 to index
        %parallel_loop3A_283 = arith.constant 32 : index
        %parallel_loop3A_284 = tpu.vector_load %arg14[%parallel_loop3A_282, %parallel_loop3A_283] {strides = array<i32>} : memref<192x128xf32, #tpu.memory_space<vmem>>, vector<1x16xf32>,
        %parallel_loop3A_285 = vector.shape_cast %parallel_loop3A_284 : vector<1x16xf32> to vector<16xf32>
        %parallel_loop3A_286 = vector.shape_cast %parallel_loop3A_281 : vector<16xf32> to vector<1x16xf32>
        tpu.vector_store %arg14[%parallel_loop3A_282, %parallel_loop3A_283], %parallel_loop3A_286 {strides = array<i32>} : memref<192x128xf32, #tpu.memory_space<vmem>>, vector<1x16xf32>,
        %parallel_loop3A_287 = arith.index_cast %parallel_loop3A_248 : i32 to index
        %parallel_loop3A_288 = arith.constant 48 : index
        %parallel_loop3A_289 = tpu.vector_load %arg14[%parallel_loop3A_287, %parallel_loop3A_288] {strides = array<i32>} : memref<192x128xf32, #tpu.memory_space<vmem>>, vector<1x16xf32>,
        %parallel_loop3A_290 = vector.shape_cast %parallel_loop3A_289 : vector<1x16xf32> to vector<16xf32>
        %parallel_loop3A_291 = vector.broadcast %parallel_loop3A_253 : f32 to vector<16xf32>
        %parallel_loop3A_292 = arith.mulf %parallel_loop3A_290, %parallel_loop3A_291 : vector<16xf32>
        %parallel_loop3A_293 = arith.index_cast %parallel_loop3A_248 : i32 to index
        %parallel_loop3A_294 = arith.constant 48 : index
        %parallel_loop3A_295 = tpu.vector_load %arg14[%parallel_loop3A_293, %parallel_loop3A_294] {strides = array<i32>} : memref<192x128xf32, #tpu.memory_space<vmem>>, vector<1x16xf32>,
        %parallel_loop3A_296 = vector.shape_cast %parallel_loop3A_295 : vector<1x16xf32> to vector<16xf32>
        %parallel_loop3A_297 = vector.shape_cast %parallel_loop3A_292 : vector<16xf32> to vector<1x16xf32>
        tpu.vector_store %arg14[%parallel_loop3A_293, %parallel_loop3A_294], %parallel_loop3A_297 {strides = array<i32>} : memref<192x128xf32, #tpu.memory_space<vmem>>, vector<1x16xf32>,
        %parallel_loop3A_298 = arith.index_cast %parallel_loop3A_248 : i32 to index
        %parallel_loop3A_299 = arith.constant 64 : index
        %parallel_loop3A_300 = tpu.vector_load %arg14[%parallel_loop3A_298, %parallel_loop3A_299] {strides = array<i32>} : memref<192x128xf32, #tpu.memory_space<vmem>>, vector<1x16xf32>,
        %parallel_loop3A_301 = vector.shape_cast %parallel_loop3A_300 : vector<1x16xf32> to vector<16xf32>
        %parallel_loop3A_302 = vector.broadcast %parallel_loop3A_253 : f32 to vector<16xf32>
        %parallel_loop3A_303 = arith.mulf %parallel_loop3A_301, %parallel_loop3A_302 : vector<16xf32>
        %parallel_loop3A_304 = arith.index_cast %parallel_loop3A_248 : i32 to index
        %parallel_loop3A_305 = arith.constant 64 : index
        %parallel_loop3A_306 = tpu.vector_load %arg14[%parallel_loop3A_304, %parallel_loop3A_305] {strides = array<i32>} : memref<192x128xf32, #tpu.memory_space<vmem>>, vector<1x16xf32>,
        %parallel_loop3A_307 = vector.shape_cast %parallel_loop3A_306 : vector<1x16xf32> to vector<16xf32>
        %parallel_loop3A_308 = vector.shape_cast %parallel_loop3A_303 : vector<16xf32> to vector<1x16xf32>
        tpu.vector_store %arg14[%parallel_loop3A_304, %parallel_loop3A_305], %parallel_loop3A_308 {strides = array<i32>} : memref<192x128xf32, #tpu.memory_space<vmem>>, vector<1x16xf32>,
        %parallel_loop3A_309 = arith.index_cast %parallel_loop3A_248 : i32 to index
        %parallel_loop3A_310 = arith.constant 80 : index
        %parallel_loop3A_311 = tpu.vector_load %arg14[%parallel_loop3A_309, %parallel_loop3A_310] {strides = array<i32>} : memref<192x128xf32, #tpu.memory_space<vmem>>, vector<1x16xf32>,
        %parallel_loop3A_312 = vector.shape_cast %parallel_loop3A_311 : vector<1x16xf32> to vector<16xf32>
        %parallel_loop3A_313 = vector.broadcast %parallel_loop3A_253 : f32 to vector<16xf32>
        %parallel_loop3A_314 = arith.mulf %parallel_loop3A_312, %parallel_loop3A_313 : vector<16xf32>
        %parallel_loop3A_315 = arith.index_cast %parallel_loop3A_248 : i32 to index
        %parallel_loop3A_316 = arith.constant 80 : index
        %parallel_loop3A_317 = tpu.vector_load %arg14[%parallel_loop3A_315, %parallel_loop3A_316] {strides = array<i32>} : memref<192x128xf32, #tpu.memory_space<vmem>>, vector<1x16xf32>,
        %parallel_loop3A_318 = vector.shape_cast %parallel_loop3A_317 : vector<1x16xf32> to vector<16xf32>
        %parallel_loop3A_319 = vector.shape_cast %parallel_loop3A_314 : vector<16xf32> to vector<1x16xf32>
        tpu.vector_store %arg14[%parallel_loop3A_315, %parallel_loop3A_316], %parallel_loop3A_319 {strides = array<i32>} : memref<192x128xf32, #tpu.memory_space<vmem>>, vector<1x16xf32>,
        %parallel_loop3A_320 = arith.index_cast %parallel_loop3A_248 : i32 to index
        %parallel_loop3A_321 = arith.constant 96 : index
        %parallel_loop3A_322 = tpu.vector_load %arg14[%parallel_loop3A_320, %parallel_loop3A_321] {strides = array<i32>} : memref<192x128xf32, #tpu.memory_space<vmem>>, vector<1x16xf32>,
        %parallel_loop3A_323 = vector.shape_cast %parallel_loop3A_322 : vector<1x16xf32> to vector<16xf32>
        %parallel_loop3A_324 = vector.broadcast %parallel_loop3A_253 : f32 to vector<16xf32>
        %parallel_loop3A_325 = arith.mulf %parallel_loop3A_323, %parallel_loop3A_324 : vector<16xf32>
        %parallel_loop3A_326 = arith.index_cast %parallel_loop3A_248 : i32 to index
        %parallel_loop3A_327 = arith.constant 96 : index
        %parallel_loop3A_328 = tpu.vector_load %arg14[%parallel_loop3A_326, %parallel_loop3A_327] {strides = array<i32>} : memref<192x128xf32, #tpu.memory_space<vmem>>, vector<1x16xf32>,
        %parallel_loop3A_329 = vector.shape_cast %parallel_loop3A_328 : vector<1x16xf32> to vector<16xf32>
        %parallel_loop3A_330 = vector.shape_cast %parallel_loop3A_325 : vector<16xf32> to vector<1x16xf32>
        tpu.vector_store %arg14[%parallel_loop3A_326, %parallel_loop3A_327], %parallel_loop3A_330 {strides = array<i32>} : memref<192x128xf32, #tpu.memory_space<vmem>>, vector<1x16xf32>,
        %parallel_loop3A_331 = arith.index_cast %parallel_loop3A_248 : i32 to index
        %parallel_loop3A_332 = arith.constant 112 : index
        %parallel_loop3A_333 = tpu.vector_load %arg14[%parallel_loop3A_331, %parallel_loop3A_332] {strides = array<i32>} : memref<192x128xf32, #tpu.memory_space<vmem>>, vector<1x16xf32>,
        %parallel_loop3A_334 = vector.shape_cast %parallel_loop3A_333 : vector<1x16xf32> to vector<16xf32>
        %parallel_loop3A_335 = vector.broadcast %parallel_loop3A_253 : f32 to vector<16xf32>
        %parallel_loop3A_336 = arith.mulf %parallel_loop3A_334, %parallel_loop3A_335 : vector<16xf32>
        %parallel_loop3A_337 = arith.index_cast %parallel_loop3A_248 : i32 to index
        %parallel_loop3A_338 = arith.constant 112 : index
        %parallel_loop3A_339 = tpu.vector_load %arg14[%parallel_loop3A_337, %parallel_loop3A_338] {strides = array<i32>} : memref<192x128xf32, #tpu.memory_space<vmem>>, vector<1x16xf32>,
        %parallel_loop3A_340 = vector.shape_cast %parallel_loop3A_339 : vector<1x16xf32> to vector<16xf32>
        %parallel_loop3A_341 = vector.shape_cast %parallel_loop3A_336 : vector<16xf32> to vector<1x16xf32>
        tpu.vector_store %arg14[%parallel_loop3A_337, %parallel_loop3A_338], %parallel_loop3A_341 {strides = array<i32>} : memref<192x128xf32, #tpu.memory_space<vmem>>, vector<1x16xf32>,
      } {sc.loop_unroll_factor = 4 : i64, sc.parallel_access}
      %convert_element_type3A_215 = arith.extui %lt3A_164 : i1 to i32
      %cond3A_216 = arith.constant 0 : i32
      %cond3A_217 = arith.cmpi ne, %convert_element_type3A_215, %cond3A_216 : i32
      scf.if %cond3A_217 {
        %add3A_248 = arith.constant 3 : i32
        %add3A_249 = arith.addi %mul3A_163, %add3A_248 : i32
        %mul3A_250 = arith.constant 54 : i32
        %mul3A_251 = arith.muli %arg1, %mul3A_250 : i32
        %add3A_252 = arith.addi %mul3A_251, %add3A_249 : i32
        %mul3A_253 = arith.constant 192 : i32
        %mul3A_254 = arith.muli %add3A_252, %mul3A_253 : i32
        %dma_start3A_255 = tpu.memref_slice %arg3[%mul3A_254] : memref<165888xi32, #tpu.memory_space<hbm>> -> memref<192xi32, #tpu.memory_space<hbm>>
        %dma_start3A_256 = tpu.memref_slice %arg3[%mul3A_254] : memref<165888xi32, #tpu.memory_space<hbm>> -> memref<192xi32, #tpu.memory_space<hbm>>
        tpu.enqueue_dma source(%dma_start3A_256 : memref<192xi32, #tpu.memory_space<hbm>>) target(%arg8 : memref<192xi32, #tpu.memory_space<vmem>>) target_semaphore(%arg21 : memref<!tpu.dma_semaphore, #tpu.memory_space<semaphore_mem>>)
        %mul3A_257 = arith.constant 54 : i32
        %mul3A_258 = arith.muli %arg1, %mul3A_257 : i32
        %add3A_259 = arith.addi %mul3A_258, %add3A_249 : i32
        %mul3A_260 = arith.constant 192 : i32
        %mul3A_261 = arith.muli %add3A_259, %mul3A_260 : i32
        %dma_start3A_262 = arith.constant 0 : i32
        %dma_start3A_263 = tpu.memref_slice %arg12[%dma_start3A_262] : memref<208xf32, #tpu.memory_space<vmem>> -> memref<192xf32, #tpu.memory_space<vmem>>
        %dma_start3A_264 = tpu.memref_slice %arg5[%mul3A_261] : memref<165888xf32, #tpu.memory_space<hbm>> -> memref<192xf32, #tpu.memory_space<hbm>>
        %dma_start3A_265 = arith.constant 0 : i32
        %dma_start3A_266 = tpu.memref_slice %arg12[%dma_start3A_265] : memref<208xf32, #tpu.memory_space<vmem>> -> memref<192xf32, #tpu.memory_space<vmem>>
        %dma_start3A_267 = tpu.memref_slice %arg5[%mul3A_261] : memref<165888xf32, #tpu.memory_space<hbm>> -> memref<192xf32, #tpu.memory_space<hbm>>
        tpu.enqueue_dma source(%dma_start3A_267 : memref<192xf32, #tpu.memory_space<hbm>>) target(%dma_start3A_266 : memref<192xf32, #tpu.memory_space<vmem>>) target_semaphore(%arg21 : memref<!tpu.dma_semaphore, #tpu.memory_space<semaphore_mem>>)
      } else {
      }
      %dma_wait3A_218 = arith.constant 0 : i32
      %dma_wait3A_219 = tpu.memref_slice %arg4[%dma_wait3A_218] : memref<165888xi32, #tpu.memory_space<hbm>> -> memref<192xi32, #tpu.memory_space<hbm>>
      %dma_wait3A_220 = arith.constant 0 : i32
      %dma_wait3A_221 = tpu.memref_slice %arg4[%dma_wait3A_220] : memref<165888xi32, #tpu.memory_space<hbm>> -> memref<192xi32, #tpu.memory_space<hbm>>
      tpu.wait_dma2 semaphore(%arg23 : memref<!tpu.dma_semaphore, #tpu.memory_space<semaphore_mem>>) src(%dma_wait3A_221 : memref<192xi32, #tpu.memory_space<hbm>>) dst(%arg10 : memref<192xi32, #tpu.memory_space<vmem>>)
      %dma_start3A_222 = arith.constant 0 : i32
      %dma_start3A_223 = arith.constant 0 : i32
      %dma_start3A_224 = tpu.memref_slice %arg15[%dma_start3A_222, %dma_start3A_223] : memref<10000x128xf32, #tpu.memory_space<vmem_shared>> -> memref<10000x128xf32, #tpu.memory_space<vmem_shared>>
      tpu.enqueue_indirect_dma source(%arg14 : memref<192x128xf32, #tpu.memory_space<vmem>>) target(%dma_start3A_224 : memref<10000x128xf32, #tpu.memory_space<vmem_shared>>) offsets(%arg10 : memref<192xi32, #tpu.memory_space<vmem>>) semaphore(%arg19 : memref<!tpu.dma_semaphore, #tpu.memory_space<semaphore_mem>>) {add = true}
      %dma_wait3A_225 = arith.constant 0 : i32
      %dma_wait3A_226 = arith.constant 0 : i32
      %dma_wait3A_227 = tpu.memref_slice %arg2[%arg0, %dma_wait3A_225, %dma_wait3A_226] : memref<2x10000x128xf32, #tpu.memory_space<hbm>> -> memref<1x192x128xf32, #tpu.memory_space<hbm>>
      %dma_wait3A_228 = tpu.memref_squeeze %dma_wait3A_227 : memref<1x192x128xf32, #tpu.memory_space<hbm>> -> memref<192x128xf32, #tpu.memory_space<hbm>>
      %dma_wait3A_229 = arith.constant 0 : i32
      %dma_wait3A_230 = arith.constant 0 : i32
      %dma_wait3A_231 = tpu.memref_slice %arg2[%arg0, %dma_wait3A_229, %dma_wait3A_230] : memref<2x10000x128xf32, #tpu.memory_space<hbm>> -> memref<1x192x128xf32, #tpu.memory_space<hbm>>
      %dma_wait3A_232 = tpu.memref_squeeze %dma_wait3A_231 : memref<1x192x128xf32, #tpu.memory_space<hbm>> -> memref<192x128xf32, #tpu.memory_space<hbm>>
      tpu.wait_dma2 semaphore(%arg18 : memref<!tpu.dma_semaphore, #tpu.memory_space<semaphore_mem>>) src(%dma_wait3A_232 : memref<192x128xf32, #tpu.memory_space<hbm>>) dst(%arg13 : memref<192x128xf32, #tpu.memory_space<vmem>>)
      %convert_element_type3A_233 = arith.extui %lt3A_164 : i1 to i32
      %cond3A_234 = arith.constant 0 : i32
      %cond3A_235 = arith.cmpi ne, %convert_element_type3A_233, %cond3A_234 : i32
      scf.if %cond3A_235 {
        %add3A_248 = arith.constant 2 : i32
        %add3A_249 = arith.addi %mul3A_163, %add3A_248 : i32
        %mul3A_250 = arith.constant 54 : i32
        %mul3A_251 = arith.muli %arg1, %mul3A_250 : i32
        %add3A_252 = arith.addi %mul3A_251, %add3A_249 : i32
        %mul3A_253 = arith.constant 192 : i32
        %mul3A_254 = arith.muli %add3A_252, %mul3A_253 : i32
        %dma_start3A_255 = tpu.memref_slice %arg4[%mul3A_254] : memref<165888xi32, #tpu.memory_space<hbm>> -> memref<192xi32, #tpu.memory_space<hbm>>
        %dma_start3A_256 = tpu.memref_slice %arg4[%mul3A_254] : memref<165888xi32, #tpu.memory_space<hbm>> -> memref<192xi32, #tpu.memory_space<hbm>>
        tpu.enqueue_dma source(%dma_start3A_256 : memref<192xi32, #tpu.memory_space<hbm>>) target(%arg9 : memref<192xi32, #tpu.memory_space<vmem>>) target_semaphore(%arg22 : memref<!tpu.dma_semaphore, #tpu.memory_space<semaphore_mem>>)
        %dma_wait3A_257 = arith.constant 0 : i32
        %dma_wait3A_258 = tpu.memref_slice %arg3[%dma_wait3A_257] : memref<165888xi32, #tpu.memory_space<hbm>> -> memref<192xi32, #tpu.memory_space<hbm>>
        %dma_wait3A_259 = arith.constant 0 : i32
        %dma_wait3A_260 = tpu.memref_slice %arg3[%dma_wait3A_259] : memref<165888xi32, #tpu.memory_space<hbm>> -> memref<192xi32, #tpu.memory_space<hbm>>
        tpu.wait_dma2 semaphore(%arg20 : memref<!tpu.dma_semaphore, #tpu.memory_space<semaphore_mem>>) src(%dma_wait3A_260 : memref<192xi32, #tpu.memory_space<hbm>>) dst(%arg7 : memref<192xi32, #tpu.memory_space<vmem>>)
        %dma_wait3A_261 = arith.constant 0 : i32
        %dma_wait3A_262 = tpu.memref_slice %arg11[%dma_wait3A_261] : memref<208xf32, #tpu.memory_space<vmem>> -> memref<192xf32, #tpu.memory_space<vmem>>
        %dma_wait3A_263 = arith.constant 0 : i32
        %dma_wait3A_264 = tpu.memref_slice %arg5[%dma_wait3A_263] : memref<165888xf32, #tpu.memory_space<hbm>> -> memref<192xf32, #tpu.memory_space<hbm>>
        %dma_wait3A_265 = arith.constant 0 : i32
        %dma_wait3A_266 = tpu.memref_slice %arg11[%dma_wait3A_265] : memref<208xf32, #tpu.memory_space<vmem>> -> memref<192xf32, #tpu.memory_space<vmem>>
        %dma_wait3A_267 = arith.constant 0 : i32
        %dma_wait3A_268 = tpu.memref_slice %arg5[%dma_wait3A_267] : memref<165888xf32, #tpu.memory_space<hbm>> -> memref<192xf32, #tpu.memory_space<hbm>>
        tpu.wait_dma2 semaphore(%arg20 : memref<!tpu.dma_semaphore, #tpu.memory_space<semaphore_mem>>) src(%dma_wait3A_268 : memref<192xf32, #tpu.memory_space<hbm>>) dst(%dma_wait3A_266 : memref<192xf32, #tpu.memory_space<vmem>>)
        %dma_start3A_269 = arith.constant 0 : i32
        %dma_start3A_270 = arith.constant 0 : i32
        %dma_start3A_271 = tpu.memref_slice %arg2[%arg0, %dma_start3A_269, %dma_start3A_270] : memref<2x10000x128xf32, #tpu.memory_space<hbm>> -> memref<1x10000x128xf32, #tpu.memory_space<hbm>>
        %dma_start3A_272 = tpu.memref_squeeze %dma_start3A_271 : memref<1x10000x128xf32, #tpu.memory_space<hbm>> -> memref<10000x128xf32, #tpu.memory_space<hbm>>
        %dma_start3A_273 = arith.constant 0 : i32
        %dma_start3A_274 = arith.constant 0 : i32
        %dma_start3A_275 = tpu.memref_slice %dma_start3A_272[%dma_start3A_273, %dma_start3A_274] : memref<10000x128xf32, #tpu.memory_space<hbm>> -> memref<10000x128xf32, #tpu.memory_space<hbm>>
        tpu.enqueue_indirect_dma source(%dma_start3A_275 : memref<10000x128xf32, #tpu.memory_space<hbm>>) target(%arg13 : memref<192x128xf32, #tpu.memory_space<vmem>>) offsets(%arg7 : memref<192xi32, #tpu.memory_space<vmem>>) semaphore(%arg16 : memref<!tpu.dma_semaphore, #tpu.memory_space<semaphore_mem>>)
      } else {
      }
      %dma_wait3A_236 = arith.constant 0 : i32
      %dma_wait3A_237 = arith.constant 0 : i32
      %dma_wait3A_238 = tpu.memref_slice %arg2[%arg0, %dma_wait3A_236, %dma_wait3A_237] : memref<2x10000x128xf32, #tpu.memory_space<hbm>> -> memref<1x192x128xf32, #tpu.memory_space<hbm>>
      %dma_wait3A_239 = tpu.memref_squeeze %dma_wait3A_238 : memref<1x192x128xf32, #tpu.memory_space<hbm>> -> memref<192x128xf32, #tpu.memory_space<hbm>>
      %dma_wait3A_240 = arith.constant 0 : i32
      %dma_wait3A_241 = arith.constant 0 : i32
      %dma_wait3A_242 = tpu.memref_slice %arg2[%arg0, %dma_wait3A_240, %dma_wait3A_241] : memref<2x10000x128xf32, #tpu.memory_space<hbm>> -> memref<1x192x128xf32, #tpu.memory_space<hbm>>
      %dma_wait3A_243 = tpu.memref_squeeze %dma_wait3A_242 : memref<1x192x128xf32, #tpu.memory_space<hbm>> -> memref<192x128xf32, #tpu.memory_space<hbm>>
      tpu.wait_dma2 semaphore(%arg19 : memref<!tpu.dma_semaphore, #tpu.memory_space<semaphore_mem>>) src(%dma_wait3A_243 : memref<192x128xf32, #tpu.memory_space<hbm>>) dst(%arg14 : memref<192x128xf32, #tpu.memory_space<vmem>>)
      %convert_element_type3A_244 = arith.extui %lt3A_164 : i1 to i32
      %cond3A_245 = arith.constant 0 : i32
      %cond3A_246 = arith.cmpi ne, %convert_element_type3A_244, %cond3A_245 : i32
      scf.if %cond3A_246 {
        %add3A_248 = arith.constant 3 : i32
        %add3A_249 = arith.addi %mul3A_163, %add3A_248 : i32
        %mul3A_250 = arith.constant 54 : i32
        %mul3A_251 = arith.muli %arg1, %mul3A_250 : i32
        %add3A_252 = arith.addi %mul3A_251, %add3A_249 : i32
        %mul3A_253 = arith.constant 192 : i32
        %mul3A_254 = arith.muli %add3A_252, %mul3A_253 : i32
        %dma_start3A_255 = tpu.memref_slice %arg4[%mul3A_254] : memref<165888xi32, #tpu.memory_space<hbm>> -> memref<192xi32, #tpu.memory_space<hbm>>
        %dma_start3A_256 = tpu.memref_slice %arg4[%mul3A_254] : memref<165888xi32, #tpu.memory_space<hbm>> -> memref<192xi32, #tpu.memory_space<hbm>>
        tpu.enqueue_dma source(%dma_start3A_256 : memref<192xi32, #tpu.memory_space<hbm>>) target(%arg10 : memref<192xi32, #tpu.memory_space<vmem>>) target_semaphore(%arg23 : memref<!tpu.dma_semaphore, #tpu.memory_space<semaphore_mem>>)
      } else {
      }
      %scan3A_247 = arith.constant 0 : i32
      scf.yield %scan3A_247 : i32
    }
    %scan3A_101 = arith.constant 27 : i32
    %barrier3A_102 = arith.constant 0 : index
    tpu.barrier barrier_id(%barrier3A_102)
    %mul3A_103 = arith.constant 624 : i32
    %mul3A_104 = arith.muli %arg1, %mul3A_103 : i32
    %add3A_105 = arith.constant 0 : i32
    %add3A_106 = arith.addi %mul3A_104, %add3A_105 : i32
    "tpu.region"() ({
      %run_scoped3A = tpu.sem_alloc : memref<!tpu.dma_semaphore, #tpu.memory_space<semaphore_mem>>
      %dma_start3A_160 = arith.constant 0 : i32
      %dma_start3A_161 = arith.constant 0 : i32
      %dma_start3A_162 = tpu.memref_slice %arg13[%dma_start3A_160, %dma_start3A_161] : memref<192x128xf32, #tpu.memory_space<vmem>> -> memref<192x128xf32, #tpu.memory_space<vmem>>
      %dma_start3A_163 = arith.constant 0 : i32
      %dma_start3A_164 = tpu.memref_slice %arg15[%add3A_106, %dma_start3A_163] : memref<10000x128xf32, #tpu.memory_space<vmem_shared>> -> memref<192x128xf32, #tpu.memory_space<vmem_shared>>
      %dma_start3A_165 = arith.constant 0 : i32
      %dma_start3A_166 = arith.constant 0 : i32
      %dma_start3A_167 = tpu.memref_slice %arg13[%dma_start3A_165, %dma_start3A_166] : memref<192x128xf32, #tpu.memory_space<vmem>> -> memref<192x128xf32, #tpu.memory_space<vmem>>
      %dma_start3A_168 = arith.constant 0 : i32
      %dma_start3A_169 = tpu.memref_slice %arg15[%add3A_106, %dma_start3A_168] : memref<10000x128xf32, #tpu.memory_space<vmem_shared>> -> memref<192x128xf32, #tpu.memory_space<vmem_shared>>
      tpu.enqueue_dma source(%dma_start3A_169 : memref<192x128xf32, #tpu.memory_space<vmem_shared>>) target(%dma_start3A_167 : memref<192x128xf32, #tpu.memory_space<vmem>>) target_semaphore(%run_scoped3A : memref<!tpu.dma_semaphore, #tpu.memory_space<semaphore_mem>>)
      %dma_wait3A_170 = arith.constant 0 : i32
      %dma_wait3A_171 = arith.constant 0 : i32
      %dma_wait3A_172 = tpu.memref_slice %arg13[%dma_wait3A_170, %dma_wait3A_171] : memref<192x128xf32, #tpu.memory_space<vmem>> -> memref<192x128xf32, #tpu.memory_space<vmem>>
      %dma_wait3A_173 = arith.constant 0 : i32
      %dma_wait3A_174 = tpu.memref_slice %arg15[%add3A_106, %dma_wait3A_173] : memref<10000x128xf32, #tpu.memory_space<vmem_shared>> -> memref<192x128xf32, #tpu.memory_space<vmem_shared>>
      %dma_wait3A_175 = arith.constant 0 : i32
      %dma_wait3A_176 = arith.constant 0 : i32
      %dma_wait3A_177 = tpu.memref_slice %arg13[%dma_wait3A_175, %dma_wait3A_176] : memref<192x128xf32, #tpu.memory_space<vmem>> -> memref<192x128xf32, #tpu.memory_space<vmem>>
      %dma_wait3A_178 = arith.constant 0 : i32
      %dma_wait3A_179 = tpu.memref_slice %arg15[%add3A_106, %dma_wait3A_178] : memref<10000x128xf32, #tpu.memory_space<vmem_shared>> -> memref<192x128xf32, #tpu.memory_space<vmem_shared>>
      tpu.wait_dma2 semaphore(%run_scoped3A : memref<!tpu.dma_semaphore, #tpu.memory_space<semaphore_mem>>) src(%dma_wait3A_179 : memref<192x128xf32, #tpu.memory_space<vmem_shared>>) dst(%dma_wait3A_177 : memref<192x128xf32, #tpu.memory_space<vmem>>)
      tpu.yield
    }) : () -> ()
    %scan3A_107 = arith.constant 0 : i32
    %scan3A_108 = arith.constant 0 : i32
    %scan3A_109 = arith.constant 192 : i32
    %scan3A_110 = arith.addi %scan3A_108, %scan3A_109 : i32
    %scan3A_111 = arith.constant 1 : i32
    %scan3A_112 = scf.for %scan3A_160 = %scan3A_108 to %scan3A_110 step %scan3A_111 iter_args(%scan3A_161 = %scan3A_107) -> (i32)  : i32 {
      %get3A = arith.index_cast %scan3A_160 : i32 to index
      %get3A_162 = arith.constant 0 : index
      %get3A_163 = tpu.vector_load %arg13[%get3A, %get3A_162] {strides = array<i32>} : memref<192x128xf32, #tpu.memory_space<vmem>>, vector<1x16xf32>,
      %get3A_164 = vector.shape_cast %get3A_163 : vector<1x16xf32> to vector<16xf32>
      %max3A = arith.constant 0.000000e+00 : f32
      %max3A_165 = vector.broadcast %max3A : f32 to vector<16xf32>
      %max3A_166 = arith.maximumf %get3A_164, %max3A_165 : vector<16xf32>
      %swap3A = arith.index_cast %scan3A_160 : i32 to index
      %swap3A_167 = arith.constant 0 : index
      %swap3A_168 = tpu.vector_load %arg13[%swap3A, %swap3A_167] {strides = array<i32>} : memref<192x128xf32, #tpu.memory_space<vmem>>, vector<1x16xf32>,
      %swap3A_169 = vector.shape_cast %swap3A_168 : vector<1x16xf32> to vector<16xf32>
      %swap3A_170 = vector.shape_cast %max3A_166 : vector<16xf32> to vector<1x16xf32>
      tpu.vector_store %arg13[%swap3A, %swap3A_167], %swap3A_170 {strides = array<i32>} : memref<192x128xf32, #tpu.memory_space<vmem>>, vector<1x16xf32>,
      %get3A_171 = arith.index_cast %scan3A_160 : i32 to index
      %get3A_172 = arith.constant 16 : index
      %get3A_173 = tpu.vector_load %arg13[%get3A_171, %get3A_172] {strides = array<i32>} : memref<192x128xf32, #tpu.memory_space<vmem>>, vector<1x16xf32>,
      %get3A_174 = vector.shape_cast %get3A_173 : vector<1x16xf32> to vector<16xf32>
      %max3A_175 = arith.constant 0.000000e+00 : f32
      %max3A_176 = vector.broadcast %max3A_175 : f32 to vector<16xf32>
      %max3A_177 = arith.maximumf %get3A_174, %max3A_176 : vector<16xf32>
      %swap3A_178 = arith.index_cast %scan3A_160 : i32 to index
      %swap3A_179 = arith.constant 16 : index
      %swap3A_180 = tpu.vector_load %arg13[%swap3A_178, %swap3A_179] {strides = array<i32>} : memref<192x128xf32, #tpu.memory_space<vmem>>, vector<1x16xf32>,
      %swap3A_181 = vector.shape_cast %swap3A_180 : vector<1x16xf32> to vector<16xf32>
      %swap3A_182 = vector.shape_cast %max3A_177 : vector<16xf32> to vector<1x16xf32>
      tpu.vector_store %arg13[%swap3A_178, %swap3A_179], %swap3A_182 {strides = array<i32>} : memref<192x128xf32, #tpu.memory_space<vmem>>, vector<1x16xf32>,
      %get3A_183 = arith.index_cast %scan3A_160 : i32 to index
      %get3A_184 = arith.constant 32 : index
      %get3A_185 = tpu.vector_load %arg13[%get3A_183, %get3A_184] {strides = array<i32>} : memref<192x128xf32, #tpu.memory_space<vmem>>, vector<1x16xf32>,
      %get3A_186 = vector.shape_cast %get3A_185 : vector<1x16xf32> to vector<16xf32>
      %max3A_187 = arith.constant 0.000000e+00 : f32
      %max3A_188 = vector.broadcast %max3A_187 : f32 to vector<16xf32>
      %max3A_189 = arith.maximumf %get3A_186, %max3A_188 : vector<16xf32>
      %swap3A_190 = arith.index_cast %scan3A_160 : i32 to index
      %swap3A_191 = arith.constant 32 : index
      %swap3A_192 = tpu.vector_load %arg13[%swap3A_190, %swap3A_191] {strides = array<i32>} : memref<192x128xf32, #tpu.memory_space<vmem>>, vector<1x16xf32>,
      %swap3A_193 = vector.shape_cast %swap3A_192 : vector<1x16xf32> to vector<16xf32>
      %swap3A_194 = vector.shape_cast %max3A_189 : vector<16xf32> to vector<1x16xf32>
      tpu.vector_store %arg13[%swap3A_190, %swap3A_191], %swap3A_194 {strides = array<i32>} : memref<192x128xf32, #tpu.memory_space<vmem>>, vector<1x16xf32>,
      %get3A_195 = arith.index_cast %scan3A_160 : i32 to index
      %get3A_196 = arith.constant 48 : index
      %get3A_197 = tpu.vector_load %arg13[%get3A_195, %get3A_196] {strides = array<i32>} : memref<192x128xf32, #tpu.memory_space<vmem>>, vector<1x16xf32>,
      %get3A_198 = vector.shape_cast %get3A_197 : vector<1x16xf32> to vector<16xf32>
      %max3A_199 = arith.constant 0.000000e+00 : f32
      %max3A_200 = vector.broadcast %max3A_199 : f32 to vector<16xf32>
      %max3A_201 = arith.maximumf %get3A_198, %max3A_200 : vector<16xf32>
      %swap3A_202 = arith.index_cast %scan3A_160 : i32 to index
      %swap3A_203 = arith.constant 48 : index
      %swap3A_204 = tpu.vector_load %arg13[%swap3A_202, %swap3A_203] {strides = array<i32>} : memref<192x128xf32, #tpu.memory_space<vmem>>, vector<1x16xf32>,
      %swap3A_205 = vector.shape_cast %swap3A_204 : vector<1x16xf32> to vector<16xf32>
      %swap3A_206 = vector.shape_cast %max3A_201 : vector<16xf32> to vector<1x16xf32>
      tpu.vector_store %arg13[%swap3A_202, %swap3A_203], %swap3A_206 {strides = array<i32>} : memref<192x128xf32, #tpu.memory_space<vmem>>, vector<1x16xf32>,
      %get3A_207 = arith.index_cast %scan3A_160 : i32 to index
      %get3A_208 = arith.constant 64 : index
      %get3A_209 = tpu.vector_load %arg13[%get3A_207, %get3A_208] {strides = array<i32>} : memref<192x128xf32, #tpu.memory_space<vmem>>, vector<1x16xf32>,
      %get3A_210 = vector.shape_cast %get3A_209 : vector<1x16xf32> to vector<16xf32>
      %max3A_211 = arith.constant 0.000000e+00 : f32
      %max3A_212 = vector.broadcast %max3A_211 : f32 to vector<16xf32>
      %max3A_213 = arith.maximumf %get3A_210, %max3A_212 : vector<16xf32>
      %swap3A_214 = arith.index_cast %scan3A_160 : i32 to index
      %swap3A_215 = arith.constant 64 : index
      %swap3A_216 = tpu.vector_load %arg13[%swap3A_214, %swap3A_215] {strides = array<i32>} : memref<192x128xf32, #tpu.memory_space<vmem>>, vector<1x16xf32>,
      %swap3A_217 = vector.shape_cast %swap3A_216 : vector<1x16xf32> to vector<16xf32>
      %swap3A_218 = vector.shape_cast %max3A_213 : vector<16xf32> to vector<1x16xf32>
      tpu.vector_store %arg13[%swap3A_214, %swap3A_215], %swap3A_218 {strides = array<i32>} : memref<192x128xf32, #tpu.memory_space<vmem>>, vector<1x16xf32>,
      %get3A_219 = arith.index_cast %scan3A_160 : i32 to index
      %get3A_220 = arith.constant 80 : index
      %get3A_221 = tpu.vector_load %arg13[%get3A_219, %get3A_220] {strides = array<i32>} : memref<192x128xf32, #tpu.memory_space<vmem>>, vector<1x16xf32>,
      %get3A_222 = vector.shape_cast %get3A_221 : vector<1x16xf32> to vector<16xf32>
      %max3A_223 = arith.constant 0.000000e+00 : f32
      %max3A_224 = vector.broadcast %max3A_223 : f32 to vector<16xf32>
      %max3A_225 = arith.maximumf %get3A_222, %max3A_224 : vector<16xf32>
      %swap3A_226 = arith.index_cast %scan3A_160 : i32 to index
      %swap3A_227 = arith.constant 80 : index
      %swap3A_228 = tpu.vector_load %arg13[%swap3A_226, %swap3A_227] {strides = array<i32>} : memref<192x128xf32, #tpu.memory_space<vmem>>, vector<1x16xf32>,
      %swap3A_229 = vector.shape_cast %swap3A_228 : vector<1x16xf32> to vector<16xf32>
      %swap3A_230 = vector.shape_cast %max3A_225 : vector<16xf32> to vector<1x16xf32>
      tpu.vector_store %arg13[%swap3A_226, %swap3A_227], %swap3A_230 {strides = array<i32>} : memref<192x128xf32, #tpu.memory_space<vmem>>, vector<1x16xf32>,
      %get3A_231 = arith.index_cast %scan3A_160 : i32 to index
      %get3A_232 = arith.constant 96 : index
      %get3A_233 = tpu.vector_load %arg13[%get3A_231, %get3A_232] {strides = array<i32>} : memref<192x128xf32, #tpu.memory_space<vmem>>, vector<1x16xf32>,
      %get3A_234 = vector.shape_cast %get3A_233 : vector<1x16xf32> to vector<16xf32>
      %max3A_235 = arith.constant 0.000000e+00 : f32
      %max3A_236 = vector.broadcast %max3A_235 : f32 to vector<16xf32>
      %max3A_237 = arith.maximumf %get3A_234, %max3A_236 : vector<16xf32>
      %swap3A_238 = arith.index_cast %scan3A_160 : i32 to index
      %swap3A_239 = arith.constant 96 : index
      %swap3A_240 = tpu.vector_load %arg13[%swap3A_238, %swap3A_239] {strides = array<i32>} : memref<192x128xf32, #tpu.memory_space<vmem>>, vector<1x16xf32>,
      %swap3A_241 = vector.shape_cast %swap3A_240 : vector<1x16xf32> to vector<16xf32>
      %swap3A_242 = vector.shape_cast %max3A_237 : vector<16xf32> to vector<1x16xf32>
      tpu.vector_store %arg13[%swap3A_238, %swap3A_239], %swap3A_242 {strides = array<i32>} : memref<192x128xf32, #tpu.memory_space<vmem>>, vector<1x16xf32>,
      %get3A_243 = arith.index_cast %scan3A_160 : i32 to index
      %get3A_244 = arith.constant 112 : index
      %get3A_245 = tpu.vector_load %arg13[%get3A_243, %get3A_244] {strides = array<i32>} : memref<192x128xf32, #tpu.memory_space<vmem>>, vector<1x16xf32>,
      %get3A_246 = vector.shape_cast %get3A_245 : vector<1x16xf32> to vector<16xf32>
      %max3A_247 = arith.constant 0.000000e+00 : f32
      %max3A_248 = vector.broadcast %max3A_247 : f32 to vector<16xf32>
      %max3A_249 = arith.maximumf %get3A_246, %max3A_248 : vector<16xf32>
      %swap3A_250 = arith.index_cast %scan3A_160 : i32 to index
      %swap3A_251 = arith.constant 112 : index
      %swap3A_252 = tpu.vector_load %arg13[%swap3A_250, %swap3A_251] {strides = array<i32>} : memref<192x128xf32, #tpu.memory_space<vmem>>, vector<1x16xf32>,
      %swap3A_253 = vector.shape_cast %swap3A_252 : vector<1x16xf32> to vector<16xf32>
      %swap3A_254 = vector.shape_cast %max3A_249 : vector<16xf32> to vector<1x16xf32>
      tpu.vector_store %arg13[%swap3A_250, %swap3A_251], %swap3A_254 {strides = array<i32>} : memref<192x128xf32, #tpu.memory_space<vmem>>, vector<1x16xf32>,
      %scan3A_255 = arith.constant 0 : i32
      scf.yield %scan3A_255 : i32
    }
    %scan3A_113 = arith.constant 192 : i32
    %mul3A_114 = arith.constant 128 : i32
    %mul3A_115 = arith.muli %arg0, %mul3A_114 : i32
    "tpu.region"() ({
      %run_scoped3A = tpu.sem_alloc : memref<!tpu.dma_semaphore, #tpu.memory_space<semaphore_mem>>
      %dma_start3A_160 = arith.constant 0 : i32
      %dma_start3A_161 = arith.constant 0 : i32
      %dma_start3A_162 = tpu.memref_slice %arg13[%dma_start3A_160, %dma_start3A_161] : memref<192x128xf32, #tpu.memory_space<vmem>> -> memref<192x128xf32, #tpu.memory_space<vmem>>
      %dma_start3A_163 = tpu.memref_slice %arg6[%add3A_106, %mul3A_115] : memref<10000x256xf32, #tpu.memory_space<hbm>> -> memref<192x128xf32, #tpu.memory_space<hbm>>
      %dma_start3A_164 = tpu.memref_slice %arg6[%add3A_106, %mul3A_115] : memref<10000x256xf32, #tpu.memory_space<hbm>> -> memref<192x128xf32, #tpu.memory_space<hbm>>
      %dma_start3A_165 = arith.constant 0 : i32
      %dma_start3A_166 = arith.constant 0 : i32
      %dma_start3A_167 = tpu.memref_slice %arg13[%dma_start3A_165, %dma_start3A_166] : memref<192x128xf32, #tpu.memory_space<vmem>> -> memref<192x128xf32, #tpu.memory_space<vmem>>
      tpu.enqueue_dma source(%dma_start3A_167 : memref<192x128xf32, #tpu.memory_space<vmem>>) target(%dma_start3A_164 : memref<192x128xf32, #tpu.memory_space<hbm>>) target_semaphore(%run_scoped3A : memref<!tpu.dma_semaphore, #tpu.memory_space<semaphore_mem>>)
      %dma_wait3A_168 = arith.constant 0 : i32
      %dma_wait3A_169 = arith.constant 0 : i32
      %dma_wait3A_170 = tpu.memref_slice %arg13[%dma_wait3A_168, %dma_wait3A_169] : memref<192x128xf32, #tpu.memory_space<vmem>> -> memref<192x128xf32, #tpu.memory_space<vmem>>
      %dma_wait3A_171 = tpu.memref_slice %arg6[%add3A_106, %mul3A_115] : memref<10000x256xf32, #tpu.memory_space<hbm>> -> memref<192x128xf32, #tpu.memory_space<hbm>>
      %dma_wait3A_172 = tpu.memref_slice %arg6[%add3A_106, %mul3A_115] : memref<10000x256xf32, #tpu.memory_space<hbm>> -> memref<192x128xf32, #tpu.memory_space<hbm>>
      %dma_wait3A_173 = arith.constant 0 : i32
      %dma_wait3A_174 = arith.constant 0 : i32
      %dma_wait3A_175 = tpu.memref_slice %arg13[%dma_wait3A_173, %dma_wait3A_174] : memref<192x128xf32, #tpu.memory_space<vmem>> -> memref<192x128xf32, #tpu.memory_space<vmem>>
      tpu.wait_dma2 semaphore(%run_scoped3A : memref<!tpu.dma_semaphore, #tpu.memory_space<semaphore_mem>>) src(%dma_wait3A_175 : memref<192x128xf32, #tpu.memory_space<vmem>>) dst(%dma_wait3A_172 : memref<192x128xf32, #tpu.memory_space<hbm>>)
      tpu.yield
    }) : () -> ()
    %mul3A_116 = arith.constant 624 : i32
    %mul3A_117 = arith.muli %arg1, %mul3A_116 : i32
    %add3A_118 = arith.constant 192 : i32
    %add3A_119 = arith.addi %mul3A_117, %add3A_118 : i32
    "tpu.region"() ({
      %run_scoped3A = tpu.sem_alloc : memref<!tpu.dma_semaphore, #tpu.memory_space<semaphore_mem>>
      %dma_start3A_160 = arith.constant 0 : i32
      %dma_start3A_161 = arith.constant 0 : i32
      %dma_start3A_162 = tpu.memref_slice %arg13[%dma_start3A_160, %dma_start3A_161] : memref<192x128xf32, #tpu.memory_space<vmem>> -> memref<192x128xf32, #tpu.memory_space<vmem>>
      %dma_start3A_163 = arith.constant 0 : i32
      %dma_start3A_164 = tpu.memref_slice %arg15[%add3A_119, %dma_start3A_163] : memref<10000x128xf32, #tpu.memory_space<vmem_shared>> -> memref<192x128xf32, #tpu.memory_space<vmem_shared>>
      %dma_start3A_165 = arith.constant 0 : i32
      %dma_start3A_166 = arith.constant 0 : i32
      %dma_start3A_167 = tpu.memref_slice %arg13[%dma_start3A_165, %dma_start3A_166] : memref<192x128xf32, #tpu.memory_space<vmem>> -> memref<192x128xf32, #tpu.memory_space<vmem>>
      %dma_start3A_168 = arith.constant 0 : i32
      %dma_start3A_169 = tpu.memref_slice %arg15[%add3A_119, %dma_start3A_168] : memref<10000x128xf32, #tpu.memory_space<vmem_shared>> -> memref<192x128xf32, #tpu.memory_space<vmem_shared>>
      tpu.enqueue_dma source(%dma_start3A_169 : memref<192x128xf32, #tpu.memory_space<vmem_shared>>) target(%dma_start3A_167 : memref<192x128xf32, #tpu.memory_space<vmem>>) target_semaphore(%run_scoped3A : memref<!tpu.dma_semaphore, #tpu.memory_space<semaphore_mem>>)
      %dma_wait3A_170 = arith.constant 0 : i32
      %dma_wait3A_171 = arith.constant 0 : i32
      %dma_wait3A_172 = tpu.memref_slice %arg13[%dma_wait3A_170, %dma_wait3A_171] : memref<192x128xf32, #tpu.memory_space<vmem>> -> memref<192x128xf32, #tpu.memory_space<vmem>>
      %dma_wait3A_173 = arith.constant 0 : i32
      %dma_wait3A_174 = tpu.memref_slice %arg15[%add3A_119, %dma_wait3A_173] : memref<10000x128xf32, #tpu.memory_space<vmem_shared>> -> memref<192x128xf32, #tpu.memory_space<vmem_shared>>
      %dma_wait3A_175 = arith.constant 0 : i32
      %dma_wait3A_176 = arith.constant 0 : i32
      %dma_wait3A_177 = tpu.memref_slice %arg13[%dma_wait3A_175, %dma_wait3A_176] : memref<192x128xf32, #tpu.memory_space<vmem>> -> memref<192x128xf32, #tpu.memory_space<vmem>>
      %dma_wait3A_178 = arith.constant 0 : i32
      %dma_wait3A_179 = tpu.memref_slice %arg15[%add3A_119, %dma_wait3A_178] : memref<10000x128xf32, #tpu.memory_space<vmem_shared>> -> memref<192x128xf32, #tpu.memory_space<vmem_shared>>
      tpu.wait_dma2 semaphore(%run_scoped3A : memref<!tpu.dma_semaphore, #tpu.memory_space<semaphore_mem>>) src(%dma_wait3A_179 : memref<192x128xf32, #tpu.memory_space<vmem_shared>>) dst(%dma_wait3A_177 : memref<192x128xf32, #tpu.memory_space<vmem>>)
      tpu.yield
    }) : () -> ()
    %scan3A_120 = arith.constant 0 : i32
    %scan3A_121 = arith.constant 0 : i32
    %scan3A_122 = arith.constant 192 : i32
    %scan3A_123 = arith.addi %scan3A_121, %scan3A_122 : i32
    %scan3A_124 = arith.constant 1 : i32
    %scan3A_125 = scf.for %scan3A_160 = %scan3A_121 to %scan3A_123 step %scan3A_124 iter_args(%scan3A_161 = %scan3A_120) -> (i32)  : i32 {
      %get3A = arith.index_cast %scan3A_160 : i32 to index
      %get3A_162 = arith.constant 0 : index
      %get3A_163 = tpu.vector_load %arg13[%get3A, %get3A_162] {strides = array<i32>} : memref<192x128xf32, #tpu.memory_space<vmem>>, vector<1x16xf32>,
      %get3A_164 = vector.shape_cast %get3A_163 : vector<1x16xf32> to vector<16xf32>
      %max3A = arith.constant 0.000000e+00 : f32
      %max3A_165 = vector.broadcast %max3A : f32 to vector<16xf32>
      %max3A_166 = arith.maximumf %get3A_164, %max3A_165 : vector<16xf32>
      %swap3A = arith.index_cast %scan3A_160 : i32 to index
      %swap3A_167 = arith.constant 0 : index
      %swap3A_168 = tpu.vector_load %arg13[%swap3A, %swap3A_167] {strides = array<i32>} : memref<192x128xf32, #tpu.memory_space<vmem>>, vector<1x16xf32>,
      %swap3A_169 = vector.shape_cast %swap3A_168 : vector<1x16xf32> to vector<16xf32>
      %swap3A_170 = vector.shape_cast %max3A_166 : vector<16xf32> to vector<1x16xf32>
      tpu.vector_store %arg13[%swap3A, %swap3A_167], %swap3A_170 {strides = array<i32>} : memref<192x128xf32, #tpu.memory_space<vmem>>, vector<1x16xf32>,
      %get3A_171 = arith.index_cast %scan3A_160 : i32 to index
      %get3A_172 = arith.constant 16 : index
      %get3A_173 = tpu.vector_load %arg13[%get3A_171, %get3A_172] {strides = array<i32>} : memref<192x128xf32, #tpu.memory_space<vmem>>, vector<1x16xf32>,
      %get3A_174 = vector.shape_cast %get3A_173 : vector<1x16xf32> to vector<16xf32>
      %max3A_175 = arith.constant 0.000000e+00 : f32
      %max3A_176 = vector.broadcast %max3A_175 : f32 to vector<16xf32>
      %max3A_177 = arith.maximumf %get3A_174, %max3A_176 : vector<16xf32>
      %swap3A_178 = arith.index_cast %scan3A_160 : i32 to index
      %swap3A_179 = arith.constant 16 : index
      %swap3A_180 = tpu.vector_load %arg13[%swap3A_178, %swap3A_179] {strides = array<i32>} : memref<192x128xf32, #tpu.memory_space<vmem>>, vector<1x16xf32>,
      %swap3A_181 = vector.shape_cast %swap3A_180 : vector<1x16xf32> to vector<16xf32>
      %swap3A_182 = vector.shape_cast %max3A_177 : vector<16xf32> to vector<1x16xf32>
      tpu.vector_store %arg13[%swap3A_178, %swap3A_179], %swap3A_182 {strides = array<i32>} : memref<192x128xf32, #tpu.memory_space<vmem>>, vector<1x16xf32>,
      %get3A_183 = arith.index_cast %scan3A_160 : i32 to index
      %get3A_184 = arith.constant 32 : index
      %get3A_185 = tpu.vector_load %arg13[%get3A_183, %get3A_184] {strides = array<i32>} : memref<192x128xf32, #tpu.memory_space<vmem>>, vector<1x16xf32>,
      %get3A_186 = vector.shape_cast %get3A_185 : vector<1x16xf32> to vector<16xf32>
      %max3A_187 = arith.constant 0.000000e+00 : f32
      %max3A_188 = vector.broadcast %max3A_187 : f32 to vector<16xf32>
      %max3A_189 = arith.maximumf %get3A_186, %max3A_188 : vector<16xf32>
      %swap3A_190 = arith.index_cast %scan3A_160 : i32 to index
      %swap3A_191 = arith.constant 32 : index
      %swap3A_192 = tpu.vector_load %arg13[%swap3A_190, %swap3A_191] {strides = array<i32>} : memref<192x128xf32, #tpu.memory_space<vmem>>, vector<1x16xf32>,
      %swap3A_193 = vector.shape_cast %swap3A_192 : vector<1x16xf32> to vector<16xf32>
      %swap3A_194 = vector.shape_cast %max3A_189 : vector<16xf32> to vector<1x16xf32>
      tpu.vector_store %arg13[%swap3A_190, %swap3A_191], %swap3A_194 {strides = array<i32>} : memref<192x128xf32, #tpu.memory_space<vmem>>, vector<1x16xf32>,
      %get3A_195 = arith.index_cast %scan3A_160 : i32 to index
      %get3A_196 = arith.constant 48 : index
      %get3A_197 = tpu.vector_load %arg13[%get3A_195, %get3A_196] {strides = array<i32>} : memref<192x128xf32, #tpu.memory_space<vmem>>, vector<1x16xf32>,
      %get3A_198 = vector.shape_cast %get3A_197 : vector<1x16xf32> to vector<16xf32>
      %max3A_199 = arith.constant 0.000000e+00 : f32
      %max3A_200 = vector.broadcast %max3A_199 : f32 to vector<16xf32>
      %max3A_201 = arith.maximumf %get3A_198, %max3A_200 : vector<16xf32>
      %swap3A_202 = arith.index_cast %scan3A_160 : i32 to index
      %swap3A_203 = arith.constant 48 : index
      %swap3A_204 = tpu.vector_load %arg13[%swap3A_202, %swap3A_203] {strides = array<i32>} : memref<192x128xf32, #tpu.memory_space<vmem>>, vector<1x16xf32>,
      %swap3A_205 = vector.shape_cast %swap3A_204 : vector<1x16xf32> to vector<16xf32>
      %swap3A_206 = vector.shape_cast %max3A_201 : vector<16xf32> to vector<1x16xf32>
      tpu.vector_store %arg13[%swap3A_202, %swap3A_203], %swap3A_206 {strides = array<i32>} : memref<192x128xf32, #tpu.memory_space<vmem>>, vector<1x16xf32>,
      %get3A_207 = arith.index_cast %scan3A_160 : i32 to index
      %get3A_208 = arith.constant 64 : index
      %get3A_209 = tpu.vector_load %arg13[%get3A_207, %get3A_208] {strides = array<i32>} : memref<192x128xf32, #tpu.memory_space<vmem>>, vector<1x16xf32>,
      %get3A_210 = vector.shape_cast %get3A_209 : vector<1x16xf32> to vector<16xf32>
      %max3A_211 = arith.constant 0.000000e+00 : f32
      %max3A_212 = vector.broadcast %max3A_211 : f32 to vector<16xf32>
      %max3A_213 = arith.maximumf %get3A_210, %max3A_212 : vector<16xf32>
      %swap3A_214 = arith.index_cast %scan3A_160 : i32 to index
      %swap3A_215 = arith.constant 64 : index
      %swap3A_216 = tpu.vector_load %arg13[%swap3A_214, %swap3A_215] {strides = array<i32>} : memref<192x128xf32, #tpu.memory_space<vmem>>, vector<1x16xf32>,
      %swap3A_217 = vector.shape_cast %swap3A_216 : vector<1x16xf32> to vector<16xf32>
      %swap3A_218 = vector.shape_cast %max3A_213 : vector<16xf32> to vector<1x16xf32>
      tpu.vector_store %arg13[%swap3A_214, %swap3A_215], %swap3A_218 {strides = array<i32>} : memref<192x128xf32, #tpu.memory_space<vmem>>, vector<1x16xf32>,
      %get3A_219 = arith.index_cast %scan3A_160 : i32 to index
      %get3A_220 = arith.constant 80 : index
      %get3A_221 = tpu.vector_load %arg13[%get3A_219, %get3A_220] {strides = array<i32>} : memref<192x128xf32, #tpu.memory_space<vmem>>, vector<1x16xf32>,
      %get3A_222 = vector.shape_cast %get3A_221 : vector<1x16xf32> to vector<16xf32>
      %max3A_223 = arith.constant 0.000000e+00 : f32
      %max3A_224 = vector.broadcast %max3A_223 : f32 to vector<16xf32>
      %max3A_225 = arith.maximumf %get3A_222, %max3A_224 : vector<16xf32>
      %swap3A_226 = arith.index_cast %scan3A_160 : i32 to index
      %swap3A_227 = arith.constant 80 : index
      %swap3A_228 = tpu.vector_load %arg13[%swap3A_226, %swap3A_227] {strides = array<i32>} : memref<192x128xf32, #tpu.memory_space<vmem>>, vector<1x16xf32>,
      %swap3A_229 = vector.shape_cast %swap3A_228 : vector<1x16xf32> to vector<16xf32>
      %swap3A_230 = vector.shape_cast %max3A_225 : vector<16xf32> to vector<1x16xf32>
      tpu.vector_store %arg13[%swap3A_226, %swap3A_227], %swap3A_230 {strides = array<i32>} : memref<192x128xf32, #tpu.memory_space<vmem>>, vector<1x16xf32>,
      %get3A_231 = arith.index_cast %scan3A_160 : i32 to index
      %get3A_232 = arith.constant 96 : index
      %get3A_233 = tpu.vector_load %arg13[%get3A_231, %get3A_232] {strides = array<i32>} : memref<192x128xf32, #tpu.memory_space<vmem>>, vector<1x16xf32>,
      %get3A_234 = vector.shape_cast %get3A_233 : vector<1x16xf32> to vector<16xf32>
      %max3A_235 = arith.constant 0.000000e+00 : f32
      %max3A_236 = vector.broadcast %max3A_235 : f32 to vector<16xf32>
      %max3A_237 = arith.maximumf %get3A_234, %max3A_236 : vector<16xf32>
      %swap3A_238 = arith.index_cast %scan3A_160 : i32 to index
      %swap3A_239 = arith.constant 96 : index
      %swap3A_240 = tpu.vector_load %arg13[%swap3A_238, %swap3A_239] {strides = array<i32>} : memref<192x128xf32, #tpu.memory_space<vmem>>, vector<1x16xf32>,
      %swap3A_241 = vector.shape_cast %swap3A_240 : vector<1x16xf32> to vector<16xf32>
      %swap3A_242 = vector.shape_cast %max3A_237 : vector<16xf32> to vector<1x16xf32>
      tpu.vector_store %arg13[%swap3A_238, %swap3A_239], %swap3A_242 {strides = array<i32>} : memref<192x128xf32, #tpu.memory_space<vmem>>, vector<1x16xf32>,
      %get3A_243 = arith.index_cast %scan3A_160 : i32 to index
      %get3A_244 = arith.constant 112 : index
      %get3A_245 = tpu.vector_load %arg13[%get3A_243, %get3A_244] {strides = array<i32>} : memref<192x128xf32, #tpu.memory_space<vmem>>, vector<1x16xf32>,
      %get3A_246 = vector.shape_cast %get3A_245 : vector<1x16xf32> to vector<16xf32>
      %max3A_247 = arith.constant 0.000000e+00 : f32
      %max3A_248 = vector.broadcast %max3A_247 : f32 to vector<16xf32>
      %max3A_249 = arith.maximumf %get3A_246, %max3A_248 : vector<16xf32>
      %swap3A_250 = arith.index_cast %scan3A_160 : i32 to index
      %swap3A_251 = arith.constant 112 : index
      %swap3A_252 = tpu.vector_load %arg13[%swap3A_250, %swap3A_251] {strides = array<i32>} : memref<192x128xf32, #tpu.memory_space<vmem>>, vector<1x16xf32>,
      %swap3A_253 = vector.shape_cast %swap3A_252 : vector<1x16xf32> to vector<16xf32>
      %swap3A_254 = vector.shape_cast %max3A_249 : vector<16xf32> to vector<1x16xf32>
      tpu.vector_store %arg13[%swap3A_250, %swap3A_251], %swap3A_254 {strides = array<i32>} : memref<192x128xf32, #tpu.memory_space<vmem>>, vector<1x16xf32>,
      %scan3A_255 = arith.constant 0 : i32
      scf.yield %scan3A_255 : i32
    }
    %scan3A_126 = arith.constant 192 : i32
    %mul3A_127 = arith.constant 128 : i32
    %mul3A_128 = arith.muli %arg0, %mul3A_127 : i32
    "tpu.region"() ({
      %run_scoped3A = tpu.sem_alloc : memref<!tpu.dma_semaphore, #tpu.memory_space<semaphore_mem>>
      %dma_start3A_160 = arith.constant 0 : i32
      %dma_start3A_161 = arith.constant 0 : i32
      %dma_start3A_162 = tpu.memref_slice %arg13[%dma_start3A_160, %dma_start3A_161] : memref<192x128xf32, #tpu.memory_space<vmem>> -> memref<192x128xf32, #tpu.memory_space<vmem>>
      %dma_start3A_163 = tpu.memref_slice %arg6[%add3A_119, %mul3A_128] : memref<10000x256xf32, #tpu.memory_space<hbm>> -> memref<192x128xf32, #tpu.memory_space<hbm>>
      %dma_start3A_164 = tpu.memref_slice %arg6[%add3A_119, %mul3A_128] : memref<10000x256xf32, #tpu.memory_space<hbm>> -> memref<192x128xf32, #tpu.memory_space<hbm>>
      %dma_start3A_165 = arith.constant 0 : i32
      %dma_start3A_166 = arith.constant 0 : i32
      %dma_start3A_167 = tpu.memref_slice %arg13[%dma_start3A_165, %dma_start3A_166] : memref<192x128xf32, #tpu.memory_space<vmem>> -> memref<192x128xf32, #tpu.memory_space<vmem>>
      tpu.enqueue_dma source(%dma_start3A_167 : memref<192x128xf32, #tpu.memory_space<vmem>>) target(%dma_start3A_164 : memref<192x128xf32, #tpu.memory_space<hbm>>) target_semaphore(%run_scoped3A : memref<!tpu.dma_semaphore, #tpu.memory_space<semaphore_mem>>)
      %dma_wait3A_168 = arith.constant 0 : i32
      %dma_wait3A_169 = arith.constant 0 : i32
      %dma_wait3A_170 = tpu.memref_slice %arg13[%dma_wait3A_168, %dma_wait3A_169] : memref<192x128xf32, #tpu.memory_space<vmem>> -> memref<192x128xf32, #tpu.memory_space<vmem>>
      %dma_wait3A_171 = tpu.memref_slice %arg6[%add3A_119, %mul3A_128] : memref<10000x256xf32, #tpu.memory_space<hbm>> -> memref<192x128xf32, #tpu.memory_space<hbm>>
      %dma_wait3A_172 = tpu.memref_slice %arg6[%add3A_119, %mul3A_128] : memref<10000x256xf32, #tpu.memory_space<hbm>> -> memref<192x128xf32, #tpu.memory_space<hbm>>
      %dma_wait3A_173 = arith.constant 0 : i32
      %dma_wait3A_174 = arith.constant 0 : i32
      %dma_wait3A_175 = tpu.memref_slice %arg13[%dma_wait3A_173, %dma_wait3A_174] : memref<192x128xf32, #tpu.memory_space<vmem>> -> memref<192x128xf32, #tpu.memory_space<vmem>>
      tpu.wait_dma2 semaphore(%run_scoped3A : memref<!tpu.dma_semaphore, #tpu.memory_space<semaphore_mem>>) src(%dma_wait3A_175 : memref<192x128xf32, #tpu.memory_space<vmem>>) dst(%dma_wait3A_172 : memref<192x128xf32, #tpu.memory_space<hbm>>)
      tpu.yield
    }) : () -> ()
    %mul3A_129 = arith.constant 624 : i32
    %mul3A_130 = arith.muli %arg1, %mul3A_129 : i32
    %add3A_131 = arith.constant 384 : i32
    %add3A_132 = arith.addi %mul3A_130, %add3A_131 : i32
    "tpu.region"() ({
      %run_scoped3A = tpu.sem_alloc : memref<!tpu.dma_semaphore, #tpu.memory_space<semaphore_mem>>
      %dma_start3A_160 = arith.constant 0 : i32
      %dma_start3A_161 = arith.constant 0 : i32
      %dma_start3A_162 = tpu.memref_slice %arg13[%dma_start3A_160, %dma_start3A_161] : memref<192x128xf32, #tpu.memory_space<vmem>> -> memref<192x128xf32, #tpu.memory_space<vmem>>
      %dma_start3A_163 = arith.constant 0 : i32
      %dma_start3A_164 = tpu.memref_slice %arg15[%add3A_132, %dma_start3A_163] : memref<10000x128xf32, #tpu.memory_space<vmem_shared>> -> memref<192x128xf32, #tpu.memory_space<vmem_shared>>
      %dma_start3A_165 = arith.constant 0 : i32
      %dma_start3A_166 = arith.constant 0 : i32
      %dma_start3A_167 = tpu.memref_slice %arg13[%dma_start3A_165, %dma_start3A_166] : memref<192x128xf32, #tpu.memory_space<vmem>> -> memref<192x128xf32, #tpu.memory_space<vmem>>
      %dma_start3A_168 = arith.constant 0 : i32
      %dma_start3A_169 = tpu.memref_slice %arg15[%add3A_132, %dma_start3A_168] : memref<10000x128xf32, #tpu.memory_space<vmem_shared>> -> memref<192x128xf32, #tpu.memory_space<vmem_shared>>
      tpu.enqueue_dma source(%dma_start3A_169 : memref<192x128xf32, #tpu.memory_space<vmem_shared>>) target(%dma_start3A_167 : memref<192x128xf32, #tpu.memory_space<vmem>>) target_semaphore(%run_scoped3A : memref<!tpu.dma_semaphore, #tpu.memory_space<semaphore_mem>>)
      %dma_wait3A_170 = arith.constant 0 : i32
      %dma_wait3A_171 = arith.constant 0 : i32
      %dma_wait3A_172 = tpu.memref_slice %arg13[%dma_wait3A_170, %dma_wait3A_171] : memref<192x128xf32, #tpu.memory_space<vmem>> -> memref<192x128xf32, #tpu.memory_space<vmem>>
      %dma_wait3A_173 = arith.constant 0 : i32
      %dma_wait3A_174 = tpu.memref_slice %arg15[%add3A_132, %dma_wait3A_173] : memref<10000x128xf32, #tpu.memory_space<vmem_shared>> -> memref<192x128xf32, #tpu.memory_space<vmem_shared>>
      %dma_wait3A_175 = arith.constant 0 : i32
      %dma_wait3A_176 = arith.constant 0 : i32
      %dma_wait3A_177 = tpu.memref_slice %arg13[%dma_wait3A_175, %dma_wait3A_176] : memref<192x128xf32, #tpu.memory_space<vmem>> -> memref<192x128xf32, #tpu.memory_space<vmem>>
      %dma_wait3A_178 = arith.constant 0 : i32
      %dma_wait3A_179 = tpu.memref_slice %arg15[%add3A_132, %dma_wait3A_178] : memref<10000x128xf32, #tpu.memory_space<vmem_shared>> -> memref<192x128xf32, #tpu.memory_space<vmem_shared>>
      tpu.wait_dma2 semaphore(%run_scoped3A : memref<!tpu.dma_semaphore, #tpu.memory_space<semaphore_mem>>) src(%dma_wait3A_179 : memref<192x128xf32, #tpu.memory_space<vmem_shared>>) dst(%dma_wait3A_177 : memref<192x128xf32, #tpu.memory_space<vmem>>)
      tpu.yield
    }) : () -> ()
    %scan3A_133 = arith.constant 0 : i32
    %scan3A_134 = arith.constant 0 : i32
    %scan3A_135 = arith.constant 192 : i32
    %scan3A_136 = arith.addi %scan3A_134, %scan3A_135 : i32
    %scan3A_137 = arith.constant 1 : i32
    %scan3A_138 = scf.for %scan3A_160 = %scan3A_134 to %scan3A_136 step %scan3A_137 iter_args(%scan3A_161 = %scan3A_133) -> (i32)  : i32 {
      %get3A = arith.index_cast %scan3A_160 : i32 to index
      %get3A_162 = arith.constant 0 : index
      %get3A_163 = tpu.vector_load %arg13[%get3A, %get3A_162] {strides = array<i32>} : memref<192x128xf32, #tpu.memory_space<vmem>>, vector<1x16xf32>,
      %get3A_164 = vector.shape_cast %get3A_163 : vector<1x16xf32> to vector<16xf32>
      %max3A = arith.constant 0.000000e+00 : f32
      %max3A_165 = vector.broadcast %max3A : f32 to vector<16xf32>
      %max3A_166 = arith.maximumf %get3A_164, %max3A_165 : vector<16xf32>
      %swap3A = arith.index_cast %scan3A_160 : i32 to index
      %swap3A_167 = arith.constant 0 : index
      %swap3A_168 = tpu.vector_load %arg13[%swap3A, %swap3A_167] {strides = array<i32>} : memref<192x128xf32, #tpu.memory_space<vmem>>, vector<1x16xf32>,
      %swap3A_169 = vector.shape_cast %swap3A_168 : vector<1x16xf32> to vector<16xf32>
      %swap3A_170 = vector.shape_cast %max3A_166 : vector<16xf32> to vector<1x16xf32>
      tpu.vector_store %arg13[%swap3A, %swap3A_167], %swap3A_170 {strides = array<i32>} : memref<192x128xf32, #tpu.memory_space<vmem>>, vector<1x16xf32>,
      %get3A_171 = arith.index_cast %scan3A_160 : i32 to index
      %get3A_172 = arith.constant 16 : index
      %get3A_173 = tpu.vector_load %arg13[%get3A_171, %get3A_172] {strides = array<i32>} : memref<192x128xf32, #tpu.memory_space<vmem>>, vector<1x16xf32>,
      %get3A_174 = vector.shape_cast %get3A_173 : vector<1x16xf32> to vector<16xf32>
      %max3A_175 = arith.constant 0.000000e+00 : f32
      %max3A_176 = vector.broadcast %max3A_175 : f32 to vector<16xf32>
      %max3A_177 = arith.maximumf %get3A_174, %max3A_176 : vector<16xf32>
      %swap3A_178 = arith.index_cast %scan3A_160 : i32 to index
      %swap3A_179 = arith.constant 16 : index
      %swap3A_180 = tpu.vector_load %arg13[%swap3A_178, %swap3A_179] {strides = array<i32>} : memref<192x128xf32, #tpu.memory_space<vmem>>, vector<1x16xf32>,
      %swap3A_181 = vector.shape_cast %swap3A_180 : vector<1x16xf32> to vector<16xf32>
      %swap3A_182 = vector.shape_cast %max3A_177 : vector<16xf32> to vector<1x16xf32>
      tpu.vector_store %arg13[%swap3A_178, %swap3A_179], %swap3A_182 {strides = array<i32>} : memref<192x128xf32, #tpu.memory_space<vmem>>, vector<1x16xf32>,
      %get3A_183 = arith.index_cast %scan3A_160 : i32 to index
      %get3A_184 = arith.constant 32 : index
      %get3A_185 = tpu.vector_load %arg13[%get3A_183, %get3A_184] {strides = array<i32>} : memref<192x128xf32, #tpu.memory_space<vmem>>, vector<1x16xf32>,
      %get3A_186 = vector.shape_cast %get3A_185 : vector<1x16xf32> to vector<16xf32>
      %max3A_187 = arith.constant 0.000000e+00 : f32
      %max3A_188 = vector.broadcast %max3A_187 : f32 to vector<16xf32>
      %max3A_189 = arith.maximumf %get3A_186, %max3A_188 : vector<16xf32>
      %swap3A_190 = arith.index_cast %scan3A_160 : i32 to index
      %swap3A_191 = arith.constant 32 : index
      %swap3A_192 = tpu.vector_load %arg13[%swap3A_190, %swap3A_191] {strides = array<i32>} : memref<192x128xf32, #tpu.memory_space<vmem>>, vector<1x16xf32>,
      %swap3A_193 = vector.shape_cast %swap3A_192 : vector<1x16xf32> to vector<16xf32>
      %swap3A_194 = vector.shape_cast %max3A_189 : vector<16xf32> to vector<1x16xf32>
      tpu.vector_store %arg13[%swap3A_190, %swap3A_191], %swap3A_194 {strides = array<i32>} : memref<192x128xf32, #tpu.memory_space<vmem>>, vector<1x16xf32>,
      %get3A_195 = arith.index_cast %scan3A_160 : i32 to index
      %get3A_196 = arith.constant 48 : index
      %get3A_197 = tpu.vector_load %arg13[%get3A_195, %get3A_196] {strides = array<i32>} : memref<192x128xf32, #tpu.memory_space<vmem>>, vector<1x16xf32>,
      %get3A_198 = vector.shape_cast %get3A_197 : vector<1x16xf32> to vector<16xf32>
      %max3A_199 = arith.constant 0.000000e+00 : f32
      %max3A_200 = vector.broadcast %max3A_199 : f32 to vector<16xf32>
      %max3A_201 = arith.maximumf %get3A_198, %max3A_200 : vector<16xf32>
      %swap3A_202 = arith.index_cast %scan3A_160 : i32 to index
      %swap3A_203 = arith.constant 48 : index
      %swap3A_204 = tpu.vector_load %arg13[%swap3A_202, %swap3A_203] {strides = array<i32>} : memref<192x128xf32, #tpu.memory_space<vmem>>, vector<1x16xf32>,
      %swap3A_205 = vector.shape_cast %swap3A_204 : vector<1x16xf32> to vector<16xf32>
      %swap3A_206 = vector.shape_cast %max3A_201 : vector<16xf32> to vector<1x16xf32>
      tpu.vector_store %arg13[%swap3A_202, %swap3A_203], %swap3A_206 {strides = array<i32>} : memref<192x128xf32, #tpu.memory_space<vmem>>, vector<1x16xf32>,
      %get3A_207 = arith.index_cast %scan3A_160 : i32 to index
      %get3A_208 = arith.constant 64 : index
      %get3A_209 = tpu.vector_load %arg13[%get3A_207, %get3A_208] {strides = array<i32>} : memref<192x128xf32, #tpu.memory_space<vmem>>, vector<1x16xf32>,
      %get3A_210 = vector.shape_cast %get3A_209 : vector<1x16xf32> to vector<16xf32>
      %max3A_211 = arith.constant 0.000000e+00 : f32
      %max3A_212 = vector.broadcast %max3A_211 : f32 to vector<16xf32>
      %max3A_213 = arith.maximumf %get3A_210, %max3A_212 : vector<16xf32>
      %swap3A_214 = arith.index_cast %scan3A_160 : i32 to index
      %swap3A_215 = arith.constant 64 : index
      %swap3A_216 = tpu.vector_load %arg13[%swap3A_214, %swap3A_215] {strides = array<i32>} : memref<192x128xf32, #tpu.memory_space<vmem>>, vector<1x16xf32>,
      %swap3A_217 = vector.shape_cast %swap3A_216 : vector<1x16xf32> to vector<16xf32>
      %swap3A_218 = vector.shape_cast %max3A_213 : vector<16xf32> to vector<1x16xf32>
      tpu.vector_store %arg13[%swap3A_214, %swap3A_215], %swap3A_218 {strides = array<i32>} : memref<192x128xf32, #tpu.memory_space<vmem>>, vector<1x16xf32>,
      %get3A_219 = arith.index_cast %scan3A_160 : i32 to index
      %get3A_220 = arith.constant 80 : index
      %get3A_221 = tpu.vector_load %arg13[%get3A_219, %get3A_220] {strides = array<i32>} : memref<192x128xf32, #tpu.memory_space<vmem>>, vector<1x16xf32>,
      %get3A_222 = vector.shape_cast %get3A_221 : vector<1x16xf32> to vector<16xf32>
      %max3A_223 = arith.constant 0.000000e+00 : f32
      %max3A_224 = vector.broadcast %max3A_223 : f32 to vector<16xf32>
      %max3A_225 = arith.maximumf %get3A_222, %max3A_224 : vector<16xf32>
      %swap3A_226 = arith.index_cast %scan3A_160 : i32 to index
      %swap3A_227 = arith.constant 80 : index
      %swap3A_228 = tpu.vector_load %arg13[%swap3A_226, %swap3A_227] {strides = array<i32>} : memref<192x128xf32, #tpu.memory_space<vmem>>, vector<1x16xf32>,
      %swap3A_229 = vector.shape_cast %swap3A_228 : vector<1x16xf32> to vector<16xf32>
      %swap3A_230 = vector.shape_cast %max3A_225 : vector<16xf32> to vector<1x16xf32>
      tpu.vector_store %arg13[%swap3A_226, %swap3A_227], %swap3A_230 {strides = array<i32>} : memref<192x128xf32, #tpu.memory_space<vmem>>, vector<1x16xf32>,
      %get3A_231 = arith.index_cast %scan3A_160 : i32 to index
      %get3A_232 = arith.constant 96 : index
      %get3A_233 = tpu.vector_load %arg13[%get3A_231, %get3A_232] {strides = array<i32>} : memref<192x128xf32, #tpu.memory_space<vmem>>, vector<1x16xf32>,
      %get3A_234 = vector.shape_cast %get3A_233 : vector<1x16xf32> to vector<16xf32>
      %max3A_235 = arith.constant 0.000000e+00 : f32
      %max3A_236 = vector.broadcast %max3A_235 : f32 to vector<16xf32>
      %max3A_237 = arith.maximumf %get3A_234, %max3A_236 : vector<16xf32>
      %swap3A_238 = arith.index_cast %scan3A_160 : i32 to index
      %swap3A_239 = arith.constant 96 : index
      %swap3A_240 = tpu.vector_load %arg13[%swap3A_238, %swap3A_239] {strides = array<i32>} : memref<192x128xf32, #tpu.memory_space<vmem>>, vector<1x16xf32>,
      %swap3A_241 = vector.shape_cast %swap3A_240 : vector<1x16xf32> to vector<16xf32>
      %swap3A_242 = vector.shape_cast %max3A_237 : vector<16xf32> to vector<1x16xf32>
      tpu.vector_store %arg13[%swap3A_238, %swap3A_239], %swap3A_242 {strides = array<i32>} : memref<192x128xf32, #tpu.memory_space<vmem>>, vector<1x16xf32>,
      %get3A_243 = arith.index_cast %scan3A_160 : i32 to index
      %get3A_244 = arith.constant 112 : index
      %get3A_245 = tpu.vector_load %arg13[%get3A_243, %get3A_244] {strides = array<i32>} : memref<192x128xf32, #tpu.memory_space<vmem>>, vector<1x16xf32>,
      %get3A_246 = vector.shape_cast %get3A_245 : vector<1x16xf32> to vector<16xf32>
      %max3A_247 = arith.constant 0.000000e+00 : f32
      %max3A_248 = vector.broadcast %max3A_247 : f32 to vector<16xf32>
      %max3A_249 = arith.maximumf %get3A_246, %max3A_248 : vector<16xf32>
      %swap3A_250 = arith.index_cast %scan3A_160 : i32 to index
      %swap3A_251 = arith.constant 112 : index
      %swap3A_252 = tpu.vector_load %arg13[%swap3A_250, %swap3A_251] {strides = array<i32>} : memref<192x128xf32, #tpu.memory_space<vmem>>, vector<1x16xf32>,
      %swap3A_253 = vector.shape_cast %swap3A_252 : vector<1x16xf32> to vector<16xf32>
      %swap3A_254 = vector.shape_cast %max3A_249 : vector<16xf32> to vector<1x16xf32>
      tpu.vector_store %arg13[%swap3A_250, %swap3A_251], %swap3A_254 {strides = array<i32>} : memref<192x128xf32, #tpu.memory_space<vmem>>, vector<1x16xf32>,
      %scan3A_255 = arith.constant 0 : i32
      scf.yield %scan3A_255 : i32
    }
    %scan3A_139 = arith.constant 192 : i32
    %mul3A_140 = arith.constant 128 : i32
    %mul3A_141 = arith.muli %arg0, %mul3A_140 : i32
    "tpu.region"() ({
      %run_scoped3A = tpu.sem_alloc : memref<!tpu.dma_semaphore, #tpu.memory_space<semaphore_mem>>
      %dma_start3A_160 = arith.constant 0 : i32
      %dma_start3A_161 = arith.constant 0 : i32
      %dma_start3A_162 = tpu.memref_slice %arg13[%dma_start3A_160, %dma_start3A_161] : memref<192x128xf32, #tpu.memory_space<vmem>> -> memref<192x128xf32, #tpu.memory_space<vmem>>
      %dma_start3A_163 = tpu.memref_slice %arg6[%add3A_132, %mul3A_141] : memref<10000x256xf32, #tpu.memory_space<hbm>> -> memref<192x128xf32, #tpu.memory_space<hbm>>
      %dma_start3A_164 = tpu.memref_slice %arg6[%add3A_132, %mul3A_141] : memref<10000x256xf32, #tpu.memory_space<hbm>> -> memref<192x128xf32, #tpu.memory_space<hbm>>
      %dma_start3A_165 = arith.constant 0 : i32
      %dma_start3A_166 = arith.constant 0 : i32
      %dma_start3A_167 = tpu.memref_slice %arg13[%dma_start3A_165, %dma_start3A_166] : memref<192x128xf32, #tpu.memory_space<vmem>> -> memref<192x128xf32, #tpu.memory_space<vmem>>
      tpu.enqueue_dma source(%dma_start3A_167 : memref<192x128xf32, #tpu.memory_space<vmem>>) target(%dma_start3A_164 : memref<192x128xf32, #tpu.memory_space<hbm>>) target_semaphore(%run_scoped3A : memref<!tpu.dma_semaphore, #tpu.memory_space<semaphore_mem>>)
      %dma_wait3A_168 = arith.constant 0 : i32
      %dma_wait3A_169 = arith.constant 0 : i32
      %dma_wait3A_170 = tpu.memref_slice %arg13[%dma_wait3A_168, %dma_wait3A_169] : memref<192x128xf32, #tpu.memory_space<vmem>> -> memref<192x128xf32, #tpu.memory_space<vmem>>
      %dma_wait3A_171 = tpu.memref_slice %arg6[%add3A_132, %mul3A_141] : memref<10000x256xf32, #tpu.memory_space<hbm>> -> memref<192x128xf32, #tpu.memory_space<hbm>>
      %dma_wait3A_172 = tpu.memref_slice %arg6[%add3A_132, %mul3A_141] : memref<10000x256xf32, #tpu.memory_space<hbm>> -> memref<192x128xf32, #tpu.memory_space<hbm>>
      %dma_wait3A_173 = arith.constant 0 : i32
      %dma_wait3A_174 = arith.constant 0 : i32
      %dma_wait3A_175 = tpu.memref_slice %arg13[%dma_wait3A_173, %dma_wait3A_174] : memref<192x128xf32, #tpu.memory_space<vmem>> -> memref<192x128xf32, #tpu.memory_space<vmem>>
      tpu.wait_dma2 semaphore(%run_scoped3A : memref<!tpu.dma_semaphore, #tpu.memory_space<semaphore_mem>>) src(%dma_wait3A_175 : memref<192x128xf32, #tpu.memory_space<vmem>>) dst(%dma_wait3A_172 : memref<192x128xf32, #tpu.memory_space<hbm>>)
      tpu.yield
    }) : () -> ()
    %mul3A_142 = arith.constant 624 : i32
    %mul3A_143 = arith.muli %arg1, %mul3A_142 : i32
    %add3A_144 = arith.constant 576 : i32
    %add3A_145 = arith.addi %mul3A_143, %add3A_144 : i32
    "tpu.region"() ({
      %run_scoped3A = tpu.sem_alloc : memref<!tpu.dma_semaphore, #tpu.memory_space<semaphore_mem>>
      %dma_start3A_160 = arith.constant 0 : i32
      %dma_start3A_161 = arith.constant 0 : i32
      %dma_start3A_162 = tpu.memref_slice %arg13[%dma_start3A_160, %dma_start3A_161] : memref<192x128xf32, #tpu.memory_space<vmem>> -> memref<48x128xf32, #tpu.memory_space<vmem>>
      %dma_start3A_163 = arith.constant 0 : i32
      %dma_start3A_164 = tpu.memref_slice %arg15[%add3A_145, %dma_start3A_163] : memref<10000x128xf32, #tpu.memory_space<vmem_shared>> -> memref<48x128xf32, #tpu.memory_space<vmem_shared>>
      %dma_start3A_165 = arith.constant 0 : i32
      %dma_start3A_166 = arith.constant 0 : i32
      %dma_start3A_167 = tpu.memref_slice %arg13[%dma_start3A_165, %dma_start3A_166] : memref<192x128xf32, #tpu.memory_space<vmem>> -> memref<48x128xf32, #tpu.memory_space<vmem>>
      %dma_start3A_168 = arith.constant 0 : i32
      %dma_start3A_169 = tpu.memref_slice %arg15[%add3A_145, %dma_start3A_168] : memref<10000x128xf32, #tpu.memory_space<vmem_shared>> -> memref<48x128xf32, #tpu.memory_space<vmem_shared>>
      tpu.enqueue_dma source(%dma_start3A_169 : memref<48x128xf32, #tpu.memory_space<vmem_shared>>) target(%dma_start3A_167 : memref<48x128xf32, #tpu.memory_space<vmem>>) target_semaphore(%run_scoped3A : memref<!tpu.dma_semaphore, #tpu.memory_space<semaphore_mem>>)
      %dma_wait3A_170 = arith.constant 0 : i32
      %dma_wait3A_171 = arith.constant 0 : i32
      %dma_wait3A_172 = tpu.memref_slice %arg13[%dma_wait3A_170, %dma_wait3A_171] : memref<192x128xf32, #tpu.memory_space<vmem>> -> memref<48x128xf32, #tpu.memory_space<vmem>>
      %dma_wait3A_173 = arith.constant 0 : i32
      %dma_wait3A_174 = tpu.memref_slice %arg15[%add3A_145, %dma_wait3A_173] : memref<10000x128xf32, #tpu.memory_space<vmem_shared>> -> memref<48x128xf32, #tpu.memory_space<vmem_shared>>
      %dma_wait3A_175 = arith.constant 0 : i32
      %dma_wait3A_176 = arith.constant 0 : i32
      %dma_wait3A_177 = tpu.memref_slice %arg13[%dma_wait3A_175, %dma_wait3A_176] : memref<192x128xf32, #tpu.memory_space<vmem>> -> memref<48x128xf32, #tpu.memory_space<vmem>>
      %dma_wait3A_178 = arith.constant 0 : i32
      %dma_wait3A_179 = tpu.memref_slice %arg15[%add3A_145, %dma_wait3A_178] : memref<10000x128xf32, #tpu.memory_space<vmem_shared>> -> memref<48x128xf32, #tpu.memory_space<vmem_shared>>
      tpu.wait_dma2 semaphore(%run_scoped3A : memref<!tpu.dma_semaphore, #tpu.memory_space<semaphore_mem>>) src(%dma_wait3A_179 : memref<48x128xf32, #tpu.memory_space<vmem_shared>>) dst(%dma_wait3A_177 : memref<48x128xf32, #tpu.memory_space<vmem>>)
      tpu.yield
    }) : () -> ()
    %scan3A_146 = arith.constant 0 : i32
    %scan3A_147 = arith.constant 0 : i32
    %scan3A_148 = arith.constant 48 : i32
    %scan3A_149 = arith.addi %scan3A_147, %scan3A_148 : i32
    %scan3A_150 = arith.constant 1 : i32
    %scan3A_151 = scf.for %scan3A_160 = %scan3A_147 to %scan3A_149 step %scan3A_150 iter_args(%scan3A_161 = %scan3A_146) -> (i32)  : i32 {
      %get3A = arith.index_cast %scan3A_160 : i32 to index
      %get3A_162 = arith.constant 0 : index
      %get3A_163 = tpu.vector_load %arg13[%get3A, %get3A_162] {strides = array<i32>} : memref<192x128xf32, #tpu.memory_space<vmem>>, vector<1x16xf32>,
      %get3A_164 = vector.shape_cast %get3A_163 : vector<1x16xf32> to vector<16xf32>
      %max3A = arith.constant 0.000000e+00 : f32
      %max3A_165 = vector.broadcast %max3A : f32 to vector<16xf32>
      %max3A_166 = arith.maximumf %get3A_164, %max3A_165 : vector<16xf32>
      %swap3A = arith.index_cast %scan3A_160 : i32 to index
      %swap3A_167 = arith.constant 0 : index
      %swap3A_168 = tpu.vector_load %arg13[%swap3A, %swap3A_167] {strides = array<i32>} : memref<192x128xf32, #tpu.memory_space<vmem>>, vector<1x16xf32>,
      %swap3A_169 = vector.shape_cast %swap3A_168 : vector<1x16xf32> to vector<16xf32>
      %swap3A_170 = vector.shape_cast %max3A_166 : vector<16xf32> to vector<1x16xf32>
      tpu.vector_store %arg13[%swap3A, %swap3A_167], %swap3A_170 {strides = array<i32>} : memref<192x128xf32, #tpu.memory_space<vmem>>, vector<1x16xf32>,
      %get3A_171 = arith.index_cast %scan3A_160 : i32 to index
      %get3A_172 = arith.constant 16 : index
      %get3A_173 = tpu.vector_load %arg13[%get3A_171, %get3A_172] {strides = array<i32>} : memref<192x128xf32, #tpu.memory_space<vmem>>, vector<1x16xf32>,
      %get3A_174 = vector.shape_cast %get3A_173 : vector<1x16xf32> to vector<16xf32>
      %max3A_175 = arith.constant 0.000000e+00 : f32
      %max3A_176 = vector.broadcast %max3A_175 : f32 to vector<16xf32>
      %max3A_177 = arith.maximumf %get3A_174, %max3A_176 : vector<16xf32>
      %swap3A_178 = arith.index_cast %scan3A_160 : i32 to index
      %swap3A_179 = arith.constant 16 : index
      %swap3A_180 = tpu.vector_load %arg13[%swap3A_178, %swap3A_179] {strides = array<i32>} : memref<192x128xf32, #tpu.memory_space<vmem>>, vector<1x16xf32>,
      %swap3A_181 = vector.shape_cast %swap3A_180 : vector<1x16xf32> to vector<16xf32>
      %swap3A_182 = vector.shape_cast %max3A_177 : vector<16xf32> to vector<1x16xf32>
      tpu.vector_store %arg13[%swap3A_178, %swap3A_179], %swap3A_182 {strides = array<i32>} : memref<192x128xf32, #tpu.memory_space<vmem>>, vector<1x16xf32>,
      %get3A_183 = arith.index_cast %scan3A_160 : i32 to index
      %get3A_184 = arith.constant 32 : index
      %get3A_185 = tpu.vector_load %arg13[%get3A_183, %get3A_184] {strides = array<i32>} : memref<192x128xf32, #tpu.memory_space<vmem>>, vector<1x16xf32>,
      %get3A_186 = vector.shape_cast %get3A_185 : vector<1x16xf32> to vector<16xf32>
      %max3A_187 = arith.constant 0.000000e+00 : f32
      %max3A_188 = vector.broadcast %max3A_187 : f32 to vector<16xf32>
      %max3A_189 = arith.maximumf %get3A_186, %max3A_188 : vector<16xf32>
      %swap3A_190 = arith.index_cast %scan3A_160 : i32 to index
      %swap3A_191 = arith.constant 32 : index
      %swap3A_192 = tpu.vector_load %arg13[%swap3A_190, %swap3A_191] {strides = array<i32>} : memref<192x128xf32, #tpu.memory_space<vmem>>, vector<1x16xf32>,
      %swap3A_193 = vector.shape_cast %swap3A_192 : vector<1x16xf32> to vector<16xf32>
      %swap3A_194 = vector.shape_cast %max3A_189 : vector<16xf32> to vector<1x16xf32>
      tpu.vector_store %arg13[%swap3A_190, %swap3A_191], %swap3A_194 {strides = array<i32>} : memref<192x128xf32, #tpu.memory_space<vmem>>, vector<1x16xf32>,
      %get3A_195 = arith.index_cast %scan3A_160 : i32 to index
      %get3A_196 = arith.constant 48 : index
      %get3A_197 = tpu.vector_load %arg13[%get3A_195, %get3A_196] {strides = array<i32>} : memref<192x128xf32, #tpu.memory_space<vmem>>, vector<1x16xf32>,
      %get3A_198 = vector.shape_cast %get3A_197 : vector<1x16xf32> to vector<16xf32>
      %max3A_199 = arith.constant 0.000000e+00 : f32
      %max3A_200 = vector.broadcast %max3A_199 : f32 to vector<16xf32>
      %max3A_201 = arith.maximumf %get3A_198, %max3A_200 : vector<16xf32>
      %swap3A_202 = arith.index_cast %scan3A_160 : i32 to index
      %swap3A_203 = arith.constant 48 : index
      %swap3A_204 = tpu.vector_load %arg13[%swap3A_202, %swap3A_203] {strides = array<i32>} : memref<192x128xf32, #tpu.memory_space<vmem>>, vector<1x16xf32>,
      %swap3A_205 = vector.shape_cast %swap3A_204 : vector<1x16xf32> to vector<16xf32>
      %swap3A_206 = vector.shape_cast %max3A_201 : vector<16xf32> to vector<1x16xf32>
      tpu.vector_store %arg13[%swap3A_202, %swap3A_203], %swap3A_206 {strides = array<i32>} : memref<192x128xf32, #tpu.memory_space<vmem>>, vector<1x16xf32>,
      %get3A_207 = arith.index_cast %scan3A_160 : i32 to index
      %get3A_208 = arith.constant 64 : index
      %get3A_209 = tpu.vector_load %arg13[%get3A_207, %get3A_208] {strides = array<i32>} : memref<192x128xf32, #tpu.memory_space<vmem>>, vector<1x16xf32>,
      %get3A_210 = vector.shape_cast %get3A_209 : vector<1x16xf32> to vector<16xf32>
      %max3A_211 = arith.constant 0.000000e+00 : f32
      %max3A_212 = vector.broadcast %max3A_211 : f32 to vector<16xf32>
      %max3A_213 = arith.maximumf %get3A_210, %max3A_212 : vector<16xf32>
      %swap3A_214 = arith.index_cast %scan3A_160 : i32 to index
      %swap3A_215 = arith.constant 64 : index
      %swap3A_216 = tpu.vector_load %arg13[%swap3A_214, %swap3A_215] {strides = array<i32>} : memref<192x128xf32, #tpu.memory_space<vmem>>, vector<1x16xf32>,
      %swap3A_217 = vector.shape_cast %swap3A_216 : vector<1x16xf32> to vector<16xf32>
      %swap3A_218 = vector.shape_cast %max3A_213 : vector<16xf32> to vector<1x16xf32>
      tpu.vector_store %arg13[%swap3A_214, %swap3A_215], %swap3A_218 {strides = array<i32>} : memref<192x128xf32, #tpu.memory_space<vmem>>, vector<1x16xf32>,
      %get3A_219 = arith.index_cast %scan3A_160 : i32 to index
      %get3A_220 = arith.constant 80 : index
      %get3A_221 = tpu.vector_load %arg13[%get3A_219, %get3A_220] {strides = array<i32>} : memref<192x128xf32, #tpu.memory_space<vmem>>, vector<1x16xf32>,
      %get3A_222 = vector.shape_cast %get3A_221 : vector<1x16xf32> to vector<16xf32>
      %max3A_223 = arith.constant 0.000000e+00 : f32
      %max3A_224 = vector.broadcast %max3A_223 : f32 to vector<16xf32>
      %max3A_225 = arith.maximumf %get3A_222, %max3A_224 : vector<16xf32>
      %swap3A_226 = arith.index_cast %scan3A_160 : i32 to index
      %swap3A_227 = arith.constant 80 : index
      %swap3A_228 = tpu.vector_load %arg13[%swap3A_226, %swap3A_227] {strides = array<i32>} : memref<192x128xf32, #tpu.memory_space<vmem>>, vector<1x16xf32>,
      %swap3A_229 = vector.shape_cast %swap3A_228 : vector<1x16xf32> to vector<16xf32>
      %swap3A_230 = vector.shape_cast %max3A_225 : vector<16xf32> to vector<1x16xf32>
      tpu.vector_store %arg13[%swap3A_226, %swap3A_227], %swap3A_230 {strides = array<i32>} : memref<192x128xf32, #tpu.memory_space<vmem>>, vector<1x16xf32>,
      %get3A_231 = arith.index_cast %scan3A_160 : i32 to index
      %get3A_232 = arith.constant 96 : index
      %get3A_233 = tpu.vector_load %arg13[%get3A_231, %get3A_232] {strides = array<i32>} : memref<192x128xf32, #tpu.memory_space<vmem>>, vector<1x16xf32>,
      %get3A_234 = vector.shape_cast %get3A_233 : vector<1x16xf32> to vector<16xf32>
      %max3A_235 = arith.constant 0.000000e+00 : f32
      %max3A_236 = vector.broadcast %max3A_235 : f32 to vector<16xf32>
      %max3A_237 = arith.maximumf %get3A_234, %max3A_236 : vector<16xf32>
      %swap3A_238 = arith.index_cast %scan3A_160 : i32 to index
      %swap3A_239 = arith.constant 96 : index
      %swap3A_240 = tpu.vector_load %arg13[%swap3A_238, %swap3A_239] {strides = array<i32>} : memref<192x128xf32, #tpu.memory_space<vmem>>, vector<1x16xf32>,
      %swap3A_241 = vector.shape_cast %swap3A_240 : vector<1x16xf32> to vector<16xf32>
      %swap3A_242 = vector.shape_cast %max3A_237 : vector<16xf32> to vector<1x16xf32>
      tpu.vector_store %arg13[%swap3A_238, %swap3A_239], %swap3A_242 {strides = array<i32>} : memref<192x128xf32, #tpu.memory_space<vmem>>, vector<1x16xf32>,
      %get3A_243 = arith.index_cast %scan3A_160 : i32 to index
      %get3A_244 = arith.constant 112 : index
      %get3A_245 = tpu.vector_load %arg13[%get3A_243, %get3A_244] {strides = array<i32>} : memref<192x128xf32, #tpu.memory_space<vmem>>, vector<1x16xf32>,
      %get3A_246 = vector.shape_cast %get3A_245 : vector<1x16xf32> to vector<16xf32>
      %max3A_247 = arith.constant 0.000000e+00 : f32
      %max3A_248 = vector.broadcast %max3A_247 : f32 to vector<16xf32>
      %max3A_249 = arith.maximumf %get3A_246, %max3A_248 : vector<16xf32>
      %swap3A_250 = arith.index_cast %scan3A_160 : i32 to index
      %swap3A_251 = arith.constant 112 : index
      %swap3A_252 = tpu.vector_load %arg13[%swap3A_250, %swap3A_251] {strides = array<i32>} : memref<192x128xf32, #tpu.memory_space<vmem>>, vector<1x16xf32>,
      %swap3A_253 = vector.shape_cast %swap3A_252 : vector<1x16xf32> to vector<16xf32>
      %swap3A_254 = vector.shape_cast %max3A_249 : vector<16xf32> to vector<1x16xf32>
      tpu.vector_store %arg13[%swap3A_250, %swap3A_251], %swap3A_254 {strides = array<i32>} : memref<192x128xf32, #tpu.memory_space<vmem>>, vector<1x16xf32>,
      %scan3A_255 = arith.constant 0 : i32
      scf.yield %scan3A_255 : i32
    }
    %scan3A_152 = arith.constant 48 : i32
    %mul3A_153 = arith.constant 128 : i32
    %mul3A_154 = arith.muli %arg0, %mul3A_153 : i32
    "tpu.region"() ({
      %run_scoped3A = tpu.sem_alloc : memref<!tpu.dma_semaphore, #tpu.memory_space<semaphore_mem>>
      %dma_start3A_160 = arith.constant 0 : i32
      %dma_start3A_161 = arith.constant 0 : i32
      %dma_start3A_162 = tpu.memref_slice %arg13[%dma_start3A_160, %dma_start3A_161] : memref<192x128xf32, #tpu.memory_space<vmem>> -> memref<48x128xf32, #tpu.memory_space<vmem>>
      %dma_start3A_163 = tpu.memref_slice %arg6[%add3A_145, %mul3A_154] : memref<10000x256xf32, #tpu.memory_space<hbm>> -> memref<48x128xf32, #tpu.memory_space<hbm>>
      %dma_start3A_164 = tpu.memref_slice %arg6[%add3A_145, %mul3A_154] : memref<10000x256xf32, #tpu.memory_space<hbm>> -> memref<48x128xf32, #tpu.memory_space<hbm>>
      %dma_start3A_165 = arith.constant 0 : i32
      %dma_start3A_166 = arith.constant 0 : i32
      %dma_start3A_167 = tpu.memref_slice %arg13[%dma_start3A_165, %dma_start3A_166] : memref<192x128xf32, #tpu.memory_space<vmem>> -> memref<48x128xf32, #tpu.memory_space<vmem>>
      tpu.enqueue_dma source(%dma_start3A_167 : memref<48x128xf32, #tpu.memory_space<vmem>>) target(%dma_start3A_164 : memref<48x128xf32, #tpu.memory_space<hbm>>) target_semaphore(%run_scoped3A : memref<!tpu.dma_semaphore, #tpu.memory_space<semaphore_mem>>)
      %dma_wait3A_168 = arith.constant 0 : i32
      %dma_wait3A_169 = arith.constant 0 : i32
      %dma_wait3A_170 = tpu.memref_slice %arg13[%dma_wait3A_168, %dma_wait3A_169] : memref<192x128xf32, #tpu.memory_space<vmem>> -> memref<48x128xf32, #tpu.memory_space<vmem>>
      %dma_wait3A_171 = tpu.memref_slice %arg6[%add3A_145, %mul3A_154] : memref<10000x256xf32, #tpu.memory_space<hbm>> -> memref<48x128xf32, #tpu.memory_space<hbm>>
      %dma_wait3A_172 = tpu.memref_slice %arg6[%add3A_145, %mul3A_154] : memref<10000x256xf32, #tpu.memory_space<hbm>> -> memref<48x128xf32, #tpu.memory_space<hbm>>
      %dma_wait3A_173 = arith.constant 0 : i32
      %dma_wait3A_174 = arith.constant 0 : i32
      %dma_wait3A_175 = tpu.memref_slice %arg13[%dma_wait3A_173, %dma_wait3A_174] : memref<192x128xf32, #tpu.memory_space<vmem>> -> memref<48x128xf32, #tpu.memory_space<vmem>>
      tpu.wait_dma2 semaphore(%run_scoped3A : memref<!tpu.dma_semaphore, #tpu.memory_space<semaphore_mem>>) src(%dma_wait3A_175 : memref<48x128xf32, #tpu.memory_space<vmem>>) dst(%dma_wait3A_172 : memref<48x128xf32, #tpu.memory_space<hbm>>)
      tpu.yield
    }) : () -> ()
    %eq3A_155 = arith.constant 15 : i32
    %eq3A_156 = arith.cmpi eq, %arg1, %eq3A_155 : i32
    %convert_element_type3A_157 = arith.extui %eq3A_156 : i1 to i32
    %cond3A_158 = arith.constant 0 : i32
    %cond3A_159 = arith.cmpi ne, %convert_element_type3A_157, %cond3A_158 : i32
    scf.if %cond3A_159 {
      "tpu.region"() ({
        %run_scoped3A = tpu.sem_alloc : memref<!tpu.dma_semaphore, #tpu.memory_space<semaphore_mem>>
        %dma_start3A_169 = arith.constant 0 : i32
        %dma_start3A_170 = arith.constant 0 : i32
        %dma_start3A_171 = tpu.memref_slice %arg13[%dma_start3A_169, %dma_start3A_170] : memref<192x128xf32, #tpu.memory_space<vmem>> -> memref<16x128xf32, #tpu.memory_space<vmem>>
        %dma_start3A_172 = arith.constant 9984 : i32
        %dma_start3A_173 = arith.constant 0 : i32
        %dma_start3A_174 = tpu.memref_slice %arg15[%dma_start3A_172, %dma_start3A_173] : memref<10000x128xf32, #tpu.memory_space<vmem_shared>> -> memref<16x128xf32, #tpu.memory_space<vmem_shared>>
        %dma_start3A_175 = arith.constant 0 : i32
        %dma_start3A_176 = arith.constant 0 : i32
        %dma_start3A_177 = tpu.memref_slice %arg13[%dma_start3A_175, %dma_start3A_176] : memref<192x128xf32, #tpu.memory_space<vmem>> -> memref<16x128xf32, #tpu.memory_space<vmem>>
        %dma_start3A_178 = arith.constant 9984 : i32
        %dma_start3A_179 = arith.constant 0 : i32
        %dma_start3A_180 = tpu.memref_slice %arg15[%dma_start3A_178, %dma_start3A_179] : memref<10000x128xf32, #tpu.memory_space<vmem_shared>> -> memref<16x128xf32, #tpu.memory_space<vmem_shared>>
        tpu.enqueue_dma source(%dma_start3A_180 : memref<16x128xf32, #tpu.memory_space<vmem_shared>>) target(%dma_start3A_177 : memref<16x128xf32, #tpu.memory_space<vmem>>) target_semaphore(%run_scoped3A : memref<!tpu.dma_semaphore, #tpu.memory_space<semaphore_mem>>)
        %dma_wait3A_181 = arith.constant 0 : i32
        %dma_wait3A_182 = arith.constant 0 : i32
        %dma_wait3A_183 = tpu.memref_slice %arg13[%dma_wait3A_181, %dma_wait3A_182] : memref<192x128xf32, #tpu.memory_space<vmem>> -> memref<16x128xf32, #tpu.memory_space<vmem>>
        %dma_wait3A_184 = arith.constant 9984 : i32
        %dma_wait3A_185 = arith.constant 0 : i32
        %dma_wait3A_186 = tpu.memref_slice %arg15[%dma_wait3A_184, %dma_wait3A_185] : memref<10000x128xf32, #tpu.memory_space<vmem_shared>> -> memref<16x128xf32, #tpu.memory_space<vmem_shared>>
        %dma_wait3A_187 = arith.constant 0 : i32
        %dma_wait3A_188 = arith.constant 0 : i32
        %dma_wait3A_189 = tpu.memref_slice %arg13[%dma_wait3A_187, %dma_wait3A_188] : memref<192x128xf32, #tpu.memory_space<vmem>> -> memref<16x128xf32, #tpu.memory_space<vmem>>
        %dma_wait3A_190 = arith.constant 9984 : i32
        %dma_wait3A_191 = arith.constant 0 : i32
        %dma_wait3A_192 = tpu.memref_slice %arg15[%dma_wait3A_190, %dma_wait3A_191] : memref<10000x128xf32, #tpu.memory_space<vmem_shared>> -> memref<16x128xf32, #tpu.memory_space<vmem_shared>>
        tpu.wait_dma2 semaphore(%run_scoped3A : memref<!tpu.dma_semaphore, #tpu.memory_space<semaphore_mem>>) src(%dma_wait3A_192 : memref<16x128xf32, #tpu.memory_space<vmem_shared>>) dst(%dma_wait3A_189 : memref<16x128xf32, #tpu.memory_space<vmem>>)
        tpu.yield
      }) : () -> ()
      %scan3A_160 = arith.constant 0 : i32
      %scan3A_161 = arith.constant 0 : i32
      %scan3A_162 = arith.constant 16 : i32
      %scan3A_163 = arith.addi %scan3A_161, %scan3A_162 : i32
      %scan3A_164 = arith.constant 1 : i32
      %scan3A_165 = scf.for %scan3A_169 = %scan3A_161 to %scan3A_163 step %scan3A_164 iter_args(%scan3A_170 = %scan3A_160) -> (i32)  : i32 {
        %get3A = arith.index_cast %scan3A_169 : i32 to index
        %get3A_171 = arith.constant 0 : index
        %get3A_172 = tpu.vector_load %arg13[%get3A, %get3A_171] {strides = array<i32>} : memref<192x128xf32, #tpu.memory_space<vmem>>, vector<1x16xf32>,
        %get3A_173 = vector.shape_cast %get3A_172 : vector<1x16xf32> to vector<16xf32>
        %max3A = arith.constant 0.000000e+00 : f32
        %max3A_174 = vector.broadcast %max3A : f32 to vector<16xf32>
        %max3A_175 = arith.maximumf %get3A_173, %max3A_174 : vector<16xf32>
        %swap3A = arith.index_cast %scan3A_169 : i32 to index
        %swap3A_176 = arith.constant 0 : index
        %swap3A_177 = tpu.vector_load %arg13[%swap3A, %swap3A_176] {strides = array<i32>} : memref<192x128xf32, #tpu.memory_space<vmem>>, vector<1x16xf32>,
        %swap3A_178 = vector.shape_cast %swap3A_177 : vector<1x16xf32> to vector<16xf32>
        %swap3A_179 = vector.shape_cast %max3A_175 : vector<16xf32> to vector<1x16xf32>
        tpu.vector_store %arg13[%swap3A, %swap3A_176], %swap3A_179 {strides = array<i32>} : memref<192x128xf32, #tpu.memory_space<vmem>>, vector<1x16xf32>,
        %get3A_180 = arith.index_cast %scan3A_169 : i32 to index
        %get3A_181 = arith.constant 16 : index
        %get3A_182 = tpu.vector_load %arg13[%get3A_180, %get3A_181] {strides = array<i32>} : memref<192x128xf32, #tpu.memory_space<vmem>>, vector<1x16xf32>,
        %get3A_183 = vector.shape_cast %get3A_182 : vector<1x16xf32> to vector<16xf32>
        %max3A_184 = arith.constant 0.000000e+00 : f32
        %max3A_185 = vector.broadcast %max3A_184 : f32 to vector<16xf32>
        %max3A_186 = arith.maximumf %get3A_183, %max3A_185 : vector<16xf32>
        %swap3A_187 = arith.index_cast %scan3A_169 : i32 to index
        %swap3A_188 = arith.constant 16 : index
        %swap3A_189 = tpu.vector_load %arg13[%swap3A_187, %swap3A_188] {strides = array<i32>} : memref<192x128xf32, #tpu.memory_space<vmem>>, vector<1x16xf32>,
        %swap3A_190 = vector.shape_cast %swap3A_189 : vector<1x16xf32> to vector<16xf32>
        %swap3A_191 = vector.shape_cast %max3A_186 : vector<16xf32> to vector<1x16xf32>
        tpu.vector_store %arg13[%swap3A_187, %swap3A_188], %swap3A_191 {strides = array<i32>} : memref<192x128xf32, #tpu.memory_space<vmem>>, vector<1x16xf32>,
        %get3A_192 = arith.index_cast %scan3A_169 : i32 to index
        %get3A_193 = arith.constant 32 : index
        %get3A_194 = tpu.vector_load %arg13[%get3A_192, %get3A_193] {strides = array<i32>} : memref<192x128xf32, #tpu.memory_space<vmem>>, vector<1x16xf32>,
        %get3A_195 = vector.shape_cast %get3A_194 : vector<1x16xf32> to vector<16xf32>
        %max3A_196 = arith.constant 0.000000e+00 : f32
        %max3A_197 = vector.broadcast %max3A_196 : f32 to vector<16xf32>
        %max3A_198 = arith.maximumf %get3A_195, %max3A_197 : vector<16xf32>
        %swap3A_199 = arith.index_cast %scan3A_169 : i32 to index
        %swap3A_200 = arith.constant 32 : index
        %swap3A_201 = tpu.vector_load %arg13[%swap3A_199, %swap3A_200] {strides = array<i32>} : memref<192x128xf32, #tpu.memory_space<vmem>>, vector<1x16xf32>,
        %swap3A_202 = vector.shape_cast %swap3A_201 : vector<1x16xf32> to vector<16xf32>
        %swap3A_203 = vector.shape_cast %max3A_198 : vector<16xf32> to vector<1x16xf32>
        tpu.vector_store %arg13[%swap3A_199, %swap3A_200], %swap3A_203 {strides = array<i32>} : memref<192x128xf32, #tpu.memory_space<vmem>>, vector<1x16xf32>,
        %get3A_204 = arith.index_cast %scan3A_169 : i32 to index
        %get3A_205 = arith.constant 48 : index
        %get3A_206 = tpu.vector_load %arg13[%get3A_204, %get3A_205] {strides = array<i32>} : memref<192x128xf32, #tpu.memory_space<vmem>>, vector<1x16xf32>,
        %get3A_207 = vector.shape_cast %get3A_206 : vector<1x16xf32> to vector<16xf32>
        %max3A_208 = arith.constant 0.000000e+00 : f32
        %max3A_209 = vector.broadcast %max3A_208 : f32 to vector<16xf32>
        %max3A_210 = arith.maximumf %get3A_207, %max3A_209 : vector<16xf32>
        %swap3A_211 = arith.index_cast %scan3A_169 : i32 to index
        %swap3A_212 = arith.constant 48 : index
        %swap3A_213 = tpu.vector_load %arg13[%swap3A_211, %swap3A_212] {strides = array<i32>} : memref<192x128xf32, #tpu.memory_space<vmem>>, vector<1x16xf32>,
        %swap3A_214 = vector.shape_cast %swap3A_213 : vector<1x16xf32> to vector<16xf32>
        %swap3A_215 = vector.shape_cast %max3A_210 : vector<16xf32> to vector<1x16xf32>
        tpu.vector_store %arg13[%swap3A_211, %swap3A_212], %swap3A_215 {strides = array<i32>} : memref<192x128xf32, #tpu.memory_space<vmem>>, vector<1x16xf32>,
        %get3A_216 = arith.index_cast %scan3A_169 : i32 to index
        %get3A_217 = arith.constant 64 : index
        %get3A_218 = tpu.vector_load %arg13[%get3A_216, %get3A_217] {strides = array<i32>} : memref<192x128xf32, #tpu.memory_space<vmem>>, vector<1x16xf32>,
        %get3A_219 = vector.shape_cast %get3A_218 : vector<1x16xf32> to vector<16xf32>
        %max3A_220 = arith.constant 0.000000e+00 : f32
        %max3A_221 = vector.broadcast %max3A_220 : f32 to vector<16xf32>
        %max3A_222 = arith.maximumf %get3A_219, %max3A_221 : vector<16xf32>
        %swap3A_223 = arith.index_cast %scan3A_169 : i32 to index
        %swap3A_224 = arith.constant 64 : index
        %swap3A_225 = tpu.vector_load %arg13[%swap3A_223, %swap3A_224] {strides = array<i32>} : memref<192x128xf32, #tpu.memory_space<vmem>>, vector<1x16xf32>,
        %swap3A_226 = vector.shape_cast %swap3A_225 : vector<1x16xf32> to vector<16xf32>
        %swap3A_227 = vector.shape_cast %max3A_222 : vector<16xf32> to vector<1x16xf32>
        tpu.vector_store %arg13[%swap3A_223, %swap3A_224], %swap3A_227 {strides = array<i32>} : memref<192x128xf32, #tpu.memory_space<vmem>>, vector<1x16xf32>,
        %get3A_228 = arith.index_cast %scan3A_169 : i32 to index
        %get3A_229 = arith.constant 80 : index
        %get3A_230 = tpu.vector_load %arg13[%get3A_228, %get3A_229] {strides = array<i32>} : memref<192x128xf32, #tpu.memory_space<vmem>>, vector<1x16xf32>,
        %get3A_231 = vector.shape_cast %get3A_230 : vector<1x16xf32> to vector<16xf32>
        %max3A_232 = arith.constant 0.000000e+00 : f32
        %max3A_233 = vector.broadcast %max3A_232 : f32 to vector<16xf32>
        %max3A_234 = arith.maximumf %get3A_231, %max3A_233 : vector<16xf32>
        %swap3A_235 = arith.index_cast %scan3A_169 : i32 to index
        %swap3A_236 = arith.constant 80 : index
        %swap3A_237 = tpu.vector_load %arg13[%swap3A_235, %swap3A_236] {strides = array<i32>} : memref<192x128xf32, #tpu.memory_space<vmem>>, vector<1x16xf32>,
        %swap3A_238 = vector.shape_cast %swap3A_237 : vector<1x16xf32> to vector<16xf32>
        %swap3A_239 = vector.shape_cast %max3A_234 : vector<16xf32> to vector<1x16xf32>
        tpu.vector_store %arg13[%swap3A_235, %swap3A_236], %swap3A_239 {strides = array<i32>} : memref<192x128xf32, #tpu.memory_space<vmem>>, vector<1x16xf32>,
        %get3A_240 = arith.index_cast %scan3A_169 : i32 to index
        %get3A_241 = arith.constant 96 : index
        %get3A_242 = tpu.vector_load %arg13[%get3A_240, %get3A_241] {strides = array<i32>} : memref<192x128xf32, #tpu.memory_space<vmem>>, vector<1x16xf32>,
        %get3A_243 = vector.shape_cast %get3A_242 : vector<1x16xf32> to vector<16xf32>
        %max3A_244 = arith.constant 0.000000e+00 : f32
        %max3A_245 = vector.broadcast %max3A_244 : f32 to vector<16xf32>
        %max3A_246 = arith.maximumf %get3A_243, %max3A_245 : vector<16xf32>
        %swap3A_247 = arith.index_cast %scan3A_169 : i32 to index
        %swap3A_248 = arith.constant 96 : index
        %swap3A_249 = tpu.vector_load %arg13[%swap3A_247, %swap3A_248] {strides = array<i32>} : memref<192x128xf32, #tpu.memory_space<vmem>>, vector<1x16xf32>,
        %swap3A_250 = vector.shape_cast %swap3A_249 : vector<1x16xf32> to vector<16xf32>
        %swap3A_251 = vector.shape_cast %max3A_246 : vector<16xf32> to vector<1x16xf32>
        tpu.vector_store %arg13[%swap3A_247, %swap3A_248], %swap3A_251 {strides = array<i32>} : memref<192x128xf32, #tpu.memory_space<vmem>>, vector<1x16xf32>,
        %get3A_252 = arith.index_cast %scan3A_169 : i32 to index
        %get3A_253 = arith.constant 112 : index
        %get3A_254 = tpu.vector_load %arg13[%get3A_252, %get3A_253] {strides = array<i32>} : memref<192x128xf32, #tpu.memory_space<vmem>>, vector<1x16xf32>,
        %get3A_255 = vector.shape_cast %get3A_254 : vector<1x16xf32> to vector<16xf32>
        %max3A_256 = arith.constant 0.000000e+00 : f32
        %max3A_257 = vector.broadcast %max3A_256 : f32 to vector<16xf32>
        %max3A_258 = arith.maximumf %get3A_255, %max3A_257 : vector<16xf32>
        %swap3A_259 = arith.index_cast %scan3A_169 : i32 to index
        %swap3A_260 = arith.constant 112 : index
        %swap3A_261 = tpu.vector_load %arg13[%swap3A_259, %swap3A_260] {strides = array<i32>} : memref<192x128xf32, #tpu.memory_space<vmem>>, vector<1x16xf32>,
        %swap3A_262 = vector.shape_cast %swap3A_261 : vector<1x16xf32> to vector<16xf32>
        %swap3A_263 = vector.shape_cast %max3A_258 : vector<16xf32> to vector<1x16xf32>
        tpu.vector_store %arg13[%swap3A_259, %swap3A_260], %swap3A_263 {strides = array<i32>} : memref<192x128xf32, #tpu.memory_space<vmem>>, vector<1x16xf32>,
        %scan3A_264 = arith.constant 0 : i32
        scf.yield %scan3A_264 : i32
      }
      %scan3A_166 = arith.constant 16 : i32
      %mul3A_167 = arith.constant 128 : i32
      %mul3A_168 = arith.muli %arg0, %mul3A_167 : i32
      "tpu.region"() ({
        %run_scoped3A = tpu.sem_alloc : memref<!tpu.dma_semaphore, #tpu.memory_space<semaphore_mem>>
        %dma_start3A_169 = arith.constant 0 : i32
        %dma_start3A_170 = arith.constant 0 : i32
        %dma_start3A_171 = tpu.memref_slice %arg13[%dma_start3A_169, %dma_start3A_170] : memref<192x128xf32, #tpu.memory_space<vmem>> -> memref<16x128xf32, #tpu.memory_space<vmem>>
        %dma_start3A_172 = arith.constant 9984 : i32
        %dma_start3A_173 = tpu.memref_slice %arg6[%dma_start3A_172, %mul3A_168] : memref<10000x256xf32, #tpu.memory_space<hbm>> -> memref<16x128xf32, #tpu.memory_space<hbm>>
        %dma_start3A_174 = arith.constant 9984 : i32
        %dma_start3A_175 = tpu.memref_slice %arg6[%dma_start3A_174, %mul3A_168] : memref<10000x256xf32, #tpu.memory_space<hbm>> -> memref<16x128xf32, #tpu.memory_space<hbm>>
        %dma_start3A_176 = arith.constant 0 : i32
        %dma_start3A_177 = arith.constant 0 : i32
        %dma_start3A_178 = tpu.memref_slice %arg13[%dma_start3A_176, %dma_start3A_177] : memref<192x128xf32, #tpu.memory_space<vmem>> -> memref<16x128xf32, #tpu.memory_space<vmem>>
        tpu.enqueue_dma source(%dma_start3A_178 : memref<16x128xf32, #tpu.memory_space<vmem>>) target(%dma_start3A_175 : memref<16x128xf32, #tpu.memory_space<hbm>>) target_semaphore(%run_scoped3A : memref<!tpu.dma_semaphore, #tpu.memory_space<semaphore_mem>>)
        %dma_wait3A_179 = arith.constant 0 : i32
        %dma_wait3A_180 = arith.constant 0 : i32
        %dma_wait3A_181 = tpu.memref_slice %arg13[%dma_wait3A_179, %dma_wait3A_180] : memref<192x128xf32, #tpu.memory_space<vmem>> -> memref<16x128xf32, #tpu.memory_space<vmem>>
        %dma_wait3A_182 = arith.constant 9984 : i32
        %dma_wait3A_183 = tpu.memref_slice %arg6[%dma_wait3A_182, %mul3A_168] : memref<10000x256xf32, #tpu.memory_space<hbm>> -> memref<16x128xf32, #tpu.memory_space<hbm>>
        %dma_wait3A_184 = arith.constant 9984 : i32
        %dma_wait3A_185 = tpu.memref_slice %arg6[%dma_wait3A_184, %mul3A_168] : memref<10000x256xf32, #tpu.memory_space<hbm>> -> memref<16x128xf32, #tpu.memory_space<hbm>>
        %dma_wait3A_186 = arith.constant 0 : i32
        %dma_wait3A_187 = arith.constant 0 : i32
        %dma_wait3A_188 = tpu.memref_slice %arg13[%dma_wait3A_186, %dma_wait3A_187] : memref<192x128xf32, #tpu.memory_space<vmem>> -> memref<16x128xf32, #tpu.memory_space<vmem>>
        tpu.wait_dma2 semaphore(%run_scoped3A : memref<!tpu.dma_semaphore, #tpu.memory_space<semaphore_mem>>) src(%dma_wait3A_188 : memref<16x128xf32, #tpu.memory_space<vmem>>) dst(%dma_wait3A_185 : memref<16x128xf32, #tpu.memory_space<hbm>>)
        tpu.yield
      }) : () -> ()
    } else {
    }
    return
  }
}

module attributes {stable_mosaic.version = 14 : i64} {
  func.func @_mm_body(%arg0: i32, %arg1: i32, %arg2: memref<1000x256xf32, #tpu.memory_space<vmem>>, %arg3: memref<256x128xf32, #tpu.memory_space<vmem>>, %arg4: memref<1x1000x128xf32, #tpu.memory_space<vmem>>) attributes {dimension_semantics = [#tpu.dimension_semantics<arbitrary>, #tpu.dimension_semantics<arbitrary>], iteration_bounds = array<i64: 2, 10>, scalar_prefetch = 0 : i64, scratch_operands = 0 : i64, tpu.core_type = #tpu.core_type<tc>, window_params = [{transform_indices = @transform_0, window_bounds = array<i64: 1000, 256>}, {transform_indices = @transform_1, window_bounds = array<i64: 256, 128>}, {transform_indices = @transform_2, window_bounds = array<i64: 1, 1000, 128>}]} {
    %get3A = arith.constant 0 : index
    %get3A_0 = arith.constant 0 : index
    %get3A_1 = vector.load %arg2[%get3A, %get3A_0] : memref<1000x256xf32, #tpu.memory_space<vmem>>, vector<1000x256xf32>
    %get3A_2 = arith.constant 0 : index
    %get3A_3 = arith.constant 0 : index
    %get3A_4 = vector.load %arg3[%get3A_2, %get3A_3] : memref<256x128xf32, #tpu.memory_space<vmem>>, vector<256x128xf32>
    %dot_general3A = arith.constant dense<0.000000e+00> : vector<1000x128xf32>
    %dot_general3A_5 = tpu.matmul %get3A_1, %get3A_4, %dot_general3A {dimension_numbers = #tpu.dot_dimension_numbers<[1], [0], [0], [1], [0, 0, 1, 1], [], []>, transpose_lhs_hint = false} : vector<1000x256xf32>, vector<256x128xf32>, vector<1000x128xf32> -> vector<1000x128xf32>
    %swap3A = arith.constant 0 : index
    %swap3A_6 = arith.constant 0 : index
    %swap3A_7 = arith.constant 0 : index
    %swap3A_8 = vector.load %arg4[%swap3A, %swap3A_6, %swap3A_7] : memref<1x1000x128xf32, #tpu.memory_space<vmem>>, vector<1x1000x128xf32>
    %swap3A_9 = vector.shape_cast %swap3A_8 : vector<1x1000x128xf32> to vector<1000x128xf32>
    %swap3A_10 = vector.shape_cast %dot_general3A_5 : vector<1000x128xf32> to vector<1x1000x128xf32>
    tpu.vector_store %arg4[%swap3A, %swap3A_6, %swap3A_7], %swap3A_10 {strides = array<i32>} : memref<1x1000x128xf32, #tpu.memory_space<vmem>>, vector<1x1000x128xf32>,
    return
  }
  func.func @transform_0(%arg0: i32, %arg1: i32) -> (i32, i32) {
    %c0_i32 = arith.constant 0 : i32
    %c0_i32_0 = arith.constant 0 : i32
    return %arg1, %c0_i32 : i32, i32
  }
  func.func @transform_1(%arg0: i32, %arg1: i32) -> (i32, i32) {
    %c0_i32 = arith.constant 0 : i32
    %c0_i32_0 = arith.constant 0 : i32
    return %c0_i32, %arg0 : i32, i32
  }
  func.func @transform_2(%arg0: i32, %arg1: i32) -> (i32, i32, i32) {
    %c0_i32 = arith.constant 0 : i32
    %c0_i32_0 = arith.constant 0 : i32
    return %arg0, %arg1, %c0_i32 : i32, i32, i32
  }
}

</mosaic_0001>

<sc_bundles>
// kernel: _gnn.4.cloned.1.call-start
scs
__scs_entry_jumppad:
0x0: {  	(pc) =	sbr.rel $0x88, $3  }
0x1: {  	(tag) =	ssettag $0x0;
	lr =	simm.s32 $0x1  }
0x2: {  	[smem:$0x3F9C] =	sst lr;
	_ =	strace $0xD0000000  }
0x3: {  	_ = 	snop  }
0x4: {  	_ = 	snop  }
0x5: {  	_ = 	snop  }
0x6: {  	_ = 	snop  }
0x7: {  	_ = 	snop  }
__scs_overlays_trampoline_lowered:
0x8: {  	[smem:$0x3FAB] =	sst s0  }
0x9: {  	[smem:$0x3FAC] =	sst s1  }
0xa: {  	[smem:$0x3FAD] =	sst s2  }
0xb: {  	[smem:$0x3FAE] =	sst s3  }
0xc: {  	[smem:$0x3FAF] =	sst s4  }
0xd: {  	[smem:$0x3FB0] =	sst s5  }
0xe: {  	[smem:$0x3FB1] =	sst s6  }
0xf: {  	[smem:$0x3FB2] =	sst s7  }
0x10: {  	[smem:$0x3FB3] =	sst s8  }
0x11: {  	[smem:$0x3FB4] =	sst s9;
	s0 =	simm.s32 @!p0 $0x0  }
0x12: {  	s1 =	sld [smem:$0x3F9A];
	s0 =	simm.s32 @p0 $0x1  }
0x13: {  	[smem:$0x3FB5] =	sst s0;
	s0 =	simm.s32 @!p1 $0x0  }
0x14: {  	s2 =	sld [smem:$0x3F99];
	s0 =	simm.s32 @p1 $0x1  }
0x15: {  	[smem:$0x3FB6] =	sst s0;
	s0 =	simm.s32 @!p2 $0x0  }
0x16: {  	s3 =	sld [smem:$0x3FDB];
	s0 =	simm.s32 @p2 $0x1  }
0x17: {  	s4 =	simm.s32 $0x1BF5;
	[smem:$0x3FB8] =	sst s0  }
0x18: {  	s0 =	sld [smem:$0x3F9B];
	_ =	swait.ge [sflag:s4], $0x0  }
0x19: {  	s7 =	sld [smem:$0x3F9C]  }
0x1a: {  	s8 =	sadd.s32 $0xFFFFE003, lr  }
0x1b: {  	s9 =	sadd.s32 $0xFFFFFEF7, lr;
	s5 =	simm.s32 $0xFFFFFFFF;
	p2 =	slt.u32 s8, $0xFFFFF086  }
0x1c: {  	p1 =	slt.u32 s9, $0xF7A;
	s5 =	simm.s32 @!p2 $0x0  }
0x1d: {  	s5 =	simm.s32 @p1 $0x1;
	p0 =	seq.s32 s7, s2  }
0x1e: {  	s7 =	smul.u32 @!p0 $0xF7A, s2;
	p2 =	seq.s32 @!p0 s5, $0x0  }
0x1f: {  	s9 =	smul.u32 $0xF7A, s1;
	s8 =	simm.s32 @!p0 $0x1BF5;
	p2 =	por !p2, p0  }
0x20: {  	[sflag:s8] =	ssyncset.s32 @!p0 $0xFFFFF086;
	s6 =	sadd.s32 @!p0 s3, s7;
	s7 =	simm.s32 @!p0 $0x108  }
0x21: {  	s3 =	sadd.s32 s3, s9;
	s6 =	sadd.s32 @!p0 $0x88, s6;
	s7 =	simm.s32 @p2 $0x1082  }
0x22: {  	[simem:s7], [sflag:s8] =	dma.local @!p0 [hbm:s6], $0xF7A  }
0x23: {  	s9 =	sor.u32 $0xD0000000, s2;
	s6 =	simm.s32 $0x108;
	_ =	swait.ge @!p0 [sflag:s8], $0x0  }
0x24: {  	s3 =	sadd.s32 $0x88, s3;
	s6 =	simm.s32 @!p1 $0x1082;
	[sflag:s4] =	ssyncset.s32 $0xFFFFF086  }
0x25: {  	[simem:s6], [sflag:s4] =	dma.local [hbm:s3], $0xF7A  }
0x26: {  	[smem:$0x3F9C] =	sst s1;
	(tag) =	ssettag s2;
	_ =	strace s9  }
0x27: {  	s1 =	sld [smem:$0x3FAC]  }
0x28: {  	s2 =	sld [smem:$0x3FAD]  }
0x29: {  	s4 =	sld [smem:$0x3FAF]  }
0x2a: {  	p0 =	seq.s32 s5, $0x0;
	s5 =	sld [smem:$0x3FB0]  }
0x2b: {  	s6 =	sld [smem:$0x3FB1]  }
0x2c: {  	s7 =	sld [smem:$0x3FB2]  }
0x2d: {  	s3 =	simm.s32 $0x108;
	s8 =	sld [smem:$0x3FB3]  }
0x2e: {  	s3 =	simm.s32 @!p0 $0x1082;
	s9 =	sld [smem:$0x3FB4]  }
0x2f: {  	lr =	sadd.s32 s0, s3;
	s0 =	sld [smem:$0x3FAB]  }
0x30: {  	s3 =	sld [smem:$0x3FAE]  }
0x31: {  	[smem:$0x3FB7] =	sst s10  }
0x32: {  	s10 =	sld [smem:$0x3FB5];
	_ =	sdelay $0x3  }
0x33: {  	p0 =	seq.s32 s10, $0x1;
	s10 =	sld [smem:$0x3FB7];
	_ =	sdelay $0x3  }
0x34: {  	[smem:$0x3FB7] =	sst s10  }
0x35: {  	s10 =	sld [smem:$0x3FB6];
	_ =	sdelay $0x3  }
0x36: {  	p1 =	seq.s32 s10, $0x1;
	s10 =	sld [smem:$0x3FB7];
	_ =	sdelay $0x3  }
0x37: {  	[smem:$0x3FB7] =	sst s10  }
0x38: {  	s10 =	sld [smem:$0x3FB8]  }
0x39: {  	_ = 	snop;
	(pc) =	sbr.ind lr, $3  }
0x3a: {  	_ = 	snop  }
0x3b: {  	_ = 	snop  }
0x3c: {  	p2 =	seq.s32 s10, $0x1;
	s10 =	sld [smem:$0x3FB7]  }
0x3d: {  	_ =	shalt  }
0x3e: {  	_ =	shalt  }
0x3f: {  	_ =	shalt  }
0x40: {  	_ =	shalt  }
0x41: {  	_ =	shalt  }
0x42: {  	_ =	shalt  }
0x43: {  	_ =	shalt  }
0x44: {  	_ =	shalt  }
0x45: {  	_ =	shalt  }
0x46: {  	_ =	shalt  }
0x47: {  	_ =	shalt  }
0x48: {  	_ =	shalt  }
0x49: {  	_ =	shalt  }
0x4a: {  	_ =	shalt  }
0x4b: {  	_ =	shalt  }
0x4c: {  	_ =	shalt  }
0x4d: {  	_ =	shalt  }
0x4e: {  	_ =	shalt  }
0x4f: {  	_ =	shalt  }
0x50: {  	_ =	shalt  }
0x51: {  	_ =	shalt  }
0x52: {  	_ =	shalt  }
0x53: {  	_ =	shalt  }
0x54: {  	_ =	shalt  }
0x55: {  	_ =	shalt  }
0x56: {  	_ =	shalt  }
0x57: {  	_ =	shalt  }
0x58: {  	_ =	shalt  }
0x59: {  	_ =	shalt  }
0x5a: {  	_ =	shalt  }
0x5b: {  	_ =	shalt  }
0x5c: {  	_ =	shalt  }
0x5d: {  	_ =	shalt  }
0x5e: {  	_ =	shalt  }
0x5f: {  	_ =	shalt  }
0x60: {  	_ =	shalt  }
0x61: {  	_ =	shalt  }
0x62: {  	_ =	shalt  }
0x63: {  	_ =	shalt  }
0x64: {  	_ =	shalt  }
0x65: {  	_ =	shalt  }
0x66: {  	_ =	shalt  }
0x67: {  	_ =	shalt  }
0x68: {  	_ =	shalt  }
0x69: {  	_ =	shalt  }
0x6a: {  	_ =	shalt  }
0x6b: {  	_ =	shalt  }
0x6c: {  	_ =	shalt  }
0x6d: {  	_ =	shalt  }
0x6e: {  	_ =	shalt  }
0x6f: {  	_ =	shalt  }
0x70: {  	_ =	shalt  }
0x71: {  	_ =	shalt  }
0x72: {  	_ =	shalt  }
0x73: {  	_ =	shalt  }
0x74: {  	_ =	shalt  }
0x75: {  	_ =	shalt  }
0x76: {  	_ =	shalt  }
0x77: {  	_ =	shalt  }
0x78: {  	_ =	shalt  }
0x79: {  	_ =	shalt  }
0x7a: {  	_ =	shalt  }
0x7b: {  	_ =	shalt  }
0x7c: {  	_ =	shalt  }
0x7d: {  	_ =	shalt  }
0x7e: {  	_ =	shalt  }
0x7f: {  	_ =	shalt  }
0x80: {  	_ =	shalt  }
0x81: {  	_ =	shalt  }
0x82: {  	_ =	shalt  }
0x83: {  	_ =	shalt  }
0x84: {  	_ =	shalt  }
0x85: {  	_ =	shalt  }
0x86: {  	_ =	shalt  }
0x87: {  	_ =	shalt  }
.Lfunc_end0:
.L_simem_size_0:
called_computation_lowered:
.L_overlay_start_0:
0x88: {  	s2 =	sld [smem:$0x3FD9]  }
0x89: {  	s3 =	sld [smem:$0x3FFE];
	_ =	sdelay $0x1  }
0x8a: {  	s1 =	srdreg.scid  }
0x8b: {  	s0 =	sand.u32 $0x1, s1  }
0x8c: {  	s17 =	sshll.u32 s0, $0xA;
	s2 =	sadd.s32 s3, s2  }
0x8d: {  	s2 =	sadd.s32 s2, s17  }
0x8e: {  	[smem:$0x3FC3] =	sst s2  }
0x8f: {  	_ = 	snop  }
0x90: {  	s2 =	sld [smem:$0x3FC8]  }
0x91: {  	s18 =	sld [smem:$0x3FC7]  }
0x92: {  	s4 =	sld [smem:$0x3FC6]  }
0x93: {  	s5 =	sld [smem:$0x3FD0];
	(tm) =	ssettm $0x1  }
0x94: {  	s6 =	sld [smem:$0x3FFB];
	_ =	sdelay $0x3  }
0x95: {  	_ =	strace s6  }
0x96: {  	s6 =	sld [smem:$0x3FFC];
	_ =	sdelay $0x3  }
0x97: {  	_ =	strace s6  }
0x98: {  	s6 =	sld [smem:$0x3FFD];
	_ =	sdelay $0x3  }
0x99: {  	_ =	strace s6  }
0x9a: {  	_ =	strace $0x8FFFFFFF  }
0x9b: {  	s19 =	sld [smem:$0x3FDB];
	_ =	sdelay $0x1  }
0x9c: {  	s7 =	simm.s32 $_scs_section_size  }
0x9d: {  	s8 =	simm.s32 $_size__tile_overlayer_lowered;
	s9 =	simm.s32 $_tile_overlayer_lowered  }
0x9e: {  	s22 =	simm.s32 $0x1BFF;
	s21 =	sshll.u32 s9, $0x1;
	s6 =	sadd.s32 s7, s19  }
0x9f: {  	s10 =	simm.s32 $0x0;
	s20 =	sshll.u32 s8, $0x1;
	s8 =	sadd.s32 s21, s6  }
0xa0: {  	[timem:s10], [sflag:s22] =	dma.local [hbm:s8], s20  }
0xa1: {  	_ =	swait.ge [sflag:s22], s20  }
0xa2: {  	s7 =	ssub.s32 $0x0, s20;
	[sflag:s22] =	ssyncset.done $0x0  }
0xa3: {  	[sflag:s22] =	ssyncadd.s32 s7;
	_ =	sdelay $0x1  }
0xa4: {  	s23 =	simm.s32 $0x1B8B  }
0xa5: {  	_ =	swait.ge [sflag:s23], $0x1  }
0xa6: {  	[sflag:s23] =	ssyncset.done $0x0  }
0xa7: {  	s25 =	simm.s32 $0x1B8E;
	s24 =	sld [smem:$0x3FFE];
	[sflag:s23] =	ssyncadd.s32 $0xFFFFFFFF  }
0xa8: {  	s26 =	simm.s32 $execute0_lowered;
	[smem:$0x3FD2] =	sst s25  }
0xa9: {  	s8 =	sshll.u32 s26, $0x1;
	_ =	strace $0x80000046;
	[dreg:$0x1] =	wrdreg $0xFFFFFFFF  }
0xaa: {  	s28 =	simm.s32 $_size_execute0_lowered;
	s6 =	sadd.s32 s6, s8;
	[dreg:$0x0] =	wrdreg $0x0  }
0xab: {  	s8 =	sshll.u32 s28, $0x1;
	[dreg:$0x2] =	wrdreg s6  }
0xac: {  	[dreg:$0x3] =	wrdreg s8  }
0xad: {  	[dreg:$0x4] =	wrdreg $0xC0  }
0xae: {  	_ =	task [dreg:s10], $0x5FFFF  }
0xaf: {  	[dreg:$0x1] =	wrdreg $0xFFFFFFFF  }
0xb0: {  	[dreg:$0x0] =	wrdreg $0x60  }
0xb1: {  	[dreg:$0x2] =	wrdreg s24  }
0xb2: {  	[dreg:$0x3] =	wrdreg s2  }
0xb3: {  	[dreg:$0x4] =	wrdreg s18  }
0xb4: {  	[dreg:$0x5] =	wrdreg s4  }
0xb5: {  	[dreg:$0x6] =	wrdreg s5  }
0xb6: {  	[dreg:$0x7] =	wrdreg $0xC6000  }
0xb7: {  	[dreg:$0x8] =	wrdreg $0x9  }
0xb8: {  	_ =	task.clear_ibuf [dreg:s10], $0x9FFFF;
	_ =	strace $0x90000046  }
0xb9: {  	s29 =	simm.s32 $0x9;
	_ =	strace $0x80000048  }
0xba: {  	_ =	swait.ge [sflag:s29], $0x1  }
0xbb: {  	[sflag:s29] =	ssyncadd.s32 $0xFFFFFFFF  }
0xbc: {  	_ =	strace $0x90000048  }
0xbd: {  	_ =	sfence  }
0xbe: {  	s30 =	sld [smem:$0x0];
	_ =	sdelay $0x2  }
0xbf: {  	s31 =	sshll.u32 s1, $0xD;
	s1 =	sshrl.u32 s1, $0x2  }
0xc0: {  	s3 =	sand.u32 $0x4000, s31;
	s1 =	sadd.s32 s1, s30  }
0xc1: {  	s0 =	sor.u32 s3, s0;
	s1 =	sshll.u32 s1, $0x11  }
0xc2: {  	s0 =	sor.u32 s1, s0  }
0xc3: {  	s0 =	sadd.s32 $0x8F2B, s0  }
0xc4: {  	[sflag:s0] =	ssyncadd.remote.s32 $0x1  }
0xc5: {  	_ =	sfence.sel $0xFFFF  }
0xc6: {  	[dreg:$0x0] =	wrdreg $0xFFFFFFFF;
	(pc) =	sbr.abs _section_cstart, $3  }
0xc7: {  	[dreg:$0x1] =	wrdreg $0xFFFFFFFF  }
0xc8: {  	_ =	task.clear_ibuf [dreg:s10], $0x2FFFF;
	_ =	strace $0x9FFFFFFF  }
0xc9: {  	(tm) =	ssettm $0x7FFFFFFF  }
tec
execute0_lowered:
.L_overlay_start_1:
0x0: {  	(tag) =	ssettag $0x1  }
0x1: {  	s3 =	rddreg [dreg:$0x0]  }
0x2: {  	s0 =	rddreg [dreg:$0x1]  }
0x3: {  	s1 =	rddreg [dreg:$0x2]  }
0x4: {  	s2 =	rddreg [dreg:$0x3]  }
0x5: {  	s4 =	rddreg [dreg:$0x4];
	s18 =	stileid.u32  }
0x6: {  	s6 =	srdreg.scid;
	s9 =	smul.u32 $0x270, s18  }
0x7: {  	s5 =	rddreg [dreg:$0x5];
	s10 =	smul.u32 $0x4E000, s18  }
0x8: {  	s28 =	simm.s32 $0x600;
	s29 =	simm.s32 $0x9;
	s13 =	smul.u32 $0x510, s18  }
0x9: {  	s31 =	simm.s32 $0x100;
	s7 =	sand.u32 $0x1, s6;
	s23 =	smul.u32 $0x27000, s18  }
0xa: {  	s6 =	simm.s32 $0x0;
	s30 =	smul.u32 $0x36, s18;
	p0 =	sne.s32 s18, $0xF  }
0xb: {  	s8 =	smul.u32 $0x27100, s7;
	[smem:$0x7FF] =	sst s6;
	s16 =	ssub.s32 $0x2, s7  }
0xc: {  	s26 =	sshll.u32 s7, $0xA;
	s7 =	sshll.u32 s7, $0x7;
	_ =	strace $0x80000047  }
0xd: {  	s11 =	sshrl.u32 s16, $0x1;
	s10 =	sshrl.u32 s10, $0x2;
	s12 =	sadd.s32 $0xC0, s9  }
0xe: {  	s21 =	sadd.s32 s0, s13;
	s24 =	sadd.s32 s2, s13;
	s13 =	sadd.s32 s1, s13  }
0xf: {  	s3 =	sadd.s32 s8, s3;
	s8 =	ssub.s32 s16, s11;
	s25 =	sadd.s32 s10, s5  }
0x10: {  	s17 =	sshll.u32 s12, $0x7;
	s11 =	sadd.s32 $0x180, s9;
	[dreg:$0xb] =	wrdreg s21  }
0x11: {  	s9 =	sadd.s32 $0x240, s9;
	s16 =	smul.u32 $0x2880, s18;
	[dreg:$0xc] =	wrdreg s24  }
0x12: {  	s12 =	sshll.u32 s12, $0x8;
	[dreg:$0xf] =	wrdreg s13;
	s24 =	sadd.s32 s7, s4  }
0x13: {  	s13 =	simm.s32 $0x6;
	s18 =	simm.s32 $0x2;
	s14 =	sshll.u32 s11, $0x7  }
0x14: {  	s15 =	sshll.u32 s9, $0x7;
	s10 =	sadd.s32 s17, s5;
	s11 =	sshll.u32 s11, $0x8  }
0x15: {  	s9 =	sshll.u32 s9, $0x8;
	s12 =	sor.u32 s26, s12;
	[dreg:$0x7] =	wrdreg s25  }
0x16: {  	[dreg:$0x8] =	wrdreg s10;
	s19 =	sadd.s32 s14, s5;
	s20 =	sadd.s32 s15, s5  }
0x17: {  	s22 =	sshrl.u32 s16, $0x3;
	s14 =	sor.u32 s26, s23;
	s11 =	sor.u32 s26, s11  }
0x18: {  	s9 =	sor.u32 s26, s9;
	s26 =	smax.u32 s8, $0x1;
	[dreg:$0x9] =	wrdreg s19  }
0x19: {  	s15 =	simm.s32 $0x1;
	s16 =	simm.s32 $0x7;
	[dreg:$0xa] =	wrdreg s20  }
0x1a: {  	s10 =	sadd.s32 $0x18, s22;
	s19 =	sshrl.u32 s14, $0x3;
	s20 =	sshrl.u32 s12, $0x3  }
0x1b: {  	s22 =	sshrl.u32 s11, $0x3;
	s23 =	sshrl.u32 s9, $0x3;
	[dreg:$0x16] =	wrdreg s26  }
0x1c: {  	s11 =	simm.s32 $0x5;
	s12 =	simm.s32 $0xC0;
	s17 =	sadd.s32 s0, s10  }
0x1d: {  	s14 =	simm.s32 $0x6600;
	s21 =	sadd.s32 s4, s20;
	[dreg:$0xd] =	wrdreg s17  }
0x1e: {  	s26 =	simm.s32 $0x0;
	s17 =	sadd.s32 s2, s10;
	[dreg:$0x12] =	wrdreg s21  }
0x1f: {  	s20 =	simm.s32 $0x3;
	s10 =	sadd.s32 s1, s10;
	[dreg:$0xe] =	wrdreg s17  }
0x20: {  	s21 =	simm.s32 $0x4;
	[dreg:$0x10] =	wrdreg s10;
	s17 =	sadd.s32 $0xA00, s3  }
0x21: {  	s3 =	sadd.s32 s4, s19;
	s10 =	simm.s32 $0x400;
	s19 =	simm.s32 $0x8  }
.Ltmp0:
0x22: {  	[dreg:$0x11] =	wrdreg s3;
	s3 =	sadd.s32 s4, s22;
	(pc) =	sbr.rel .LBB2_1-.Ltmp0, $4  }
0x23: {  	s22 =	sadd.s32 $0x2, s30;
	[dreg:$0x13] =	wrdreg s3;
	s3 =	sadd.s32 s4, s23  }
0x24: {  	s23 =	sadd.s32 $0x3, s30;
	s30 =	sadd.s32 $0x138000, s5;
	[dreg:$0x14] =	wrdreg s3  }
0x25: {  	s4 =	simm.s32 $0x200;
	s3 =	sadd.s32 $0x4E000, s24;
	[dreg:$0x17] =	wrdreg s30  }
0x26: {  	v0 =	vimm.f32 $0.0e+00;
	s24 =	simm.s32 $0x300;
	[dreg:$0x15] =	wrdreg s3;
	s3 =	simm.s32 $0x500  }
.LBB2_22:
0x27: {  	s26 =	sadd.s32 $0x1, s26;
	s7 =	rddreg [dreg:$0x16]  }
0x28: {  	p1 =	sne.s32 s26, s7  }
.Ltmp1:
0x29: {  	_ = 	snop;
	(pc) =	sbr.rel @!p1 .LBB2_23-.Ltmp1, $1  }
0x2a: {  	_ =	sdelay $0x3  }
.LBB2_1:
0x2b: {  	s7 =	simm.s32 $0x0;
	s8 =	simm.s32 $0x200  }
.LBB2_2:
0x2c: {  	p1 =	sne.s32 s8, $0x17E00;
	[tilespmem:s7+$0x670] =	vst v0  }
0x2d: {  	[tilespmem:s7+$0x600] =	vst v0  }
0x2e: {  	[tilespmem:s7+$0x610] =	vst v0  }
.Ltmp2:
0x2f: {  	[tilespmem:s7+$0x620] =	vst v0;
	(pc) =	sbr.rel @p1 .LBB2_2-.Ltmp2, $4  }
0x30: {  	[tilespmem:s7+$0x630] =	vst v0  }
0x31: {  	[tilespmem:s7+$0x640] =	vst v0  }
0x32: {  	[tilespmem:s7+$0x650] =	vst v0  }
0x33: {  	[tilespmem:s7+$0x660] =	vst v0;
	s7 =	sshra.s32 s8, $0x2;
	s8 =	sadd.s32 $0x200, s8  }
0x34: {  	[tilespmem:s7+$0x670] =	vst v0  }
0x35: {  	[tilespmem:s7+$0x600] =	vst v0  }
0x36: {  	[tilespmem:s7+$0x610] =	vst v0  }
0x37: {  	[tilespmem:s7+$0x620] =	vst v0  }
0x38: {  	[tilespmem:s7+$0x630] =	vst v0  }
0x39: {  	[tilespmem:s7+$0x640] =	vst v0  }
0x3a: {  	[tilespmem:s7+$0x650] =	vst v0  }
0x3b: {  	[tilespmem:s7+$0x660] =	vst v0  }
0x3c: {  	[spmem:s25] =	stream.linear.scatter [tilespmem:s28], [sflag:$0x9], $0x6000, $0x38;
	[tilespmem:$0x1FE80] =	vst v63  }
0x3d: {  	_ =	swait.ge [sflag:s29], $0x6000  }
0x3e: {  	[sflag:s29] =	ssyncset.done $0x0  }
0x3f: {  	s30 =	rddreg [dreg:$0x8];
	[sflag:s29] =	ssyncadd.s32 $0xFFFFA000  }
0x40: {  	[spmem:s30] =	stream.linear.scatter [tilespmem:s28], [sflag:$0x9], $0x6000, $0x38;
	[tilespmem:$0x1FE80] =	vst v63  }
0x41: {  	_ =	swait.ge [sflag:s29], $0x6000  }
0x42: {  	[sflag:s29] =	ssyncset.done $0x0  }
0x43: {  	s8 =	rddreg [dreg:$0x9];
	[sflag:s29] =	ssyncadd.s32 $0xFFFFA000  }
0x44: {  	[spmem:s8] =	stream.linear.scatter [tilespmem:s28], [sflag:$0x9], $0x6000, $0x38;
	[tilespmem:$0x1FE80] =	vst v63  }
0x45: {  	_ =	swait.ge [sflag:s29], $0x6000  }
0x46: {  	[sflag:s29] =	ssyncset.done $0x0  }
0x47: {  	s9 =	rddreg [dreg:$0xa];
	[sflag:s29] =	ssyncadd.s32 $0xFFFFA000  }
0x48: {  	[spmem:s9] =	stream.linear.scatter [tilespmem:s28], [sflag:$0x9], $0x1800, $0x38;
	[tilespmem:$0x1FE80] =	vst v63  }
0x49: {  	_ =	swait.ge [sflag:s29], $0x1800  }
0x4a: {  	[sflag:s29] =	ssyncset.done $0x0  }
0x4b: {  	s7 =	simm.s32 @!p0 $0x600;
	s8 =	rddreg [dreg:$0x17];
	[sflag:s29] =	ssyncadd.s32 $0xFFFFE800  }
0x4c: {  	[spmem:s8] =	stream.linear.scatter @!p0 [tilespmem:s7], [sflag:$0x9], $0x800, $0x38;
	[tilespmem:$0x1FE80] =	vst v63  }
0x4d: {  	s7 =	simm.s32 @!p0 $0x9  }
0x4e: {  	_ =	swait.ge @!p0 [sflag:s7], $0x800  }
0x4f: {  	[sflag:s7] =	ssyncset.done @!p0 $0x0  }
0x50: {  	[sflag:s7] =	ssyncadd.s32 @!p0 $0xFFFFF800  }
0x51: {  	[bflag:$0x0] =	sbarrier.arrive $0xFFFF  }
0x52: {  	s7 =	simm.s32 $0x0;
	s25 =	rddreg [dreg:$0xb]  }
0x53: {  	[tilespmem:s7], [sflag:$0x5] =	stream.linear.gather [hbm4b:s25+s7], $0xC0, $0x38;
	[tilespmem:$0x1FE80] =	vst v63  }
0x54: {  	s30 =	rddreg [dreg:$0xc]  }
0x55: {  	[tilespmem:s10], [sflag:$0x5] =	stream.linear.gather [hbm4b:s30+s7], $0xC0, $0x38;
	[tilespmem:$0x1FE80] =	vst v63  }
0x56: {  	s9 =	rddreg [dreg:$0xd]  }
0x57: {  	[tilespmem:s31], [sflag:$0x6] =	stream.linear.gather [hbm4b:s9+s7], $0xC0, $0x38;
	[tilespmem:$0x1FE80] =	vst v63  }
0x58: {  	s10 =	rddreg [dreg:$0xe]  }
0x59: {  	[tilespmem:s3], [sflag:$0x6] =	stream.linear.gather [hbm4b:s10+s7], $0xC0, $0x38;
	[tilespmem:$0x1FE80] =	vst v63  }
0x5a: {  	s25 =	rddreg [dreg:$0xf]  }
0x5b: {  	[tilespmem:s4], [sflag:$0x7] =	stream.linear.gather [hbm4b:s25+s7], $0xC0, $0x38;
	[tilespmem:$0x1FE80] =	vst v63  }
0x5c: {  	s30 =	rddreg [dreg:$0x10]  }
0x5d: {  	[tilespmem:s24], [sflag:$0x8] =	stream.linear.gather [hbm4b:s30+s7], $0xC0, $0x38;
	[tilespmem:$0x1FE80] =	vst v63  }
0x5e: {  	_ =	swait.ge [sflag:s11], $0xC0  }
0x5f: {  	[sflag:s11] =	ssyncset.done $0x0  }
0x60: {  	[sflag:s11] =	ssyncadd.s32 $0xFFFFFF40  }
0x61: {  	_ =	swait.ge [sflag:s11], $0xC0  }
0x62: {  	[sflag:s11] =	ssyncset.done $0x0  }
0x63: {  	[sflag:s11] =	ssyncadd.s32 $0xFFFFFF40  }
0x64: {  	[tilespmem:s28], [sflag:$0x1] =	stream.indirect.gather [hbm4b:s17+s12], $0x80, s7, s12, $0xb8;
	[tilespmem:$0x1FE80] =	vst v63  }
.LBB2_4:
0x65: {  	_ =	swait.ge [sflag:s13], $0xC0  }
0x66: {  	[sflag:s13] =	ssyncset.done $0x0  }
0x67: {  	[sflag:s13] =	ssyncadd.s32 $0xFFFFFF40  }
0x68: {  	_ =	swait.ge [sflag:s13], $0xC0  }
0x69: {  	[sflag:s13] =	ssyncset.done $0x0  }
0x6a: {  	[sflag:s13] =	ssyncadd.s32 $0xFFFFFF40  }
0x6b: {  	[tilespmem:s14], [sflag:$0x2] =	stream.indirect.gather [hbm4b:s17+s12], $0x80, s31, s12, $0xb8;
	[tilespmem:$0x1FE80] =	vst v63  }
0x6c: {  	_ =	swait.ge [sflag:s15], $0x6000  }
0x6d: {  	[sflag:s15] =	ssyncset.done $0x0  }
0x6e: {  	s8 =	simm.s32 $0x402;
	[sflag:s15] =	ssyncadd.s32 $0xFFFFA000  }
0x6f: {  	s9 =	simm.s32 $0x700;
	v1 =	vld.msk [tilespmem:s8+$0x1 ss:$0x0], $0xffff  }
0x70: {  	v3 =	vld [tilespmem:s9+$0xF0]  }
0x71: {  	v2 =	vld.msk [tilespmem:s8+$0xFFFFFFFE ss:$0x0], $0xffff  }
0x72: {  	v4 =	vld.msk [tilespmem:s8+$0xFFFFFFFF ss:$0x0], $0xffff  }
0x73: {  	v5 =	vld [tilespmem:s9+$0xFFFFFF10]  }
0x74: {  	v6 =	vld [tilespmem:s9+$0xFFFFFF20]  }
0x75: {  	v10 =	vld [tilespmem:s9+$0xFFFFFF60]  }
0x76: {  	v11 =	vld [tilespmem:s9+$0xFFFFFF70]  }
0x77: {  	v7 =	vld [tilespmem:s9+$0xFFFFFF30]  }
0x78: {  	v8 =	vld [tilespmem:s9+$0xFFFFFF40];
	v3 =	vmul.f32 v3, v1  }
0x79: {  	v9 =	vld [tilespmem:s9+$0xFFFFFF50];
	v5 =	vmul.f32 v5, v2  }
0x7a: {  	v12 =	vld [tilespmem:s9+$0xFFFFFF80];
	v10 =	vmul.f32 v10, v2;
	[tilespmem:s9+$0xF0] =	vst v3  }
0x7b: {  	v62 =	vld [tilespmem:s9+$0xFFFFFFD0];
	v11 =	vmul.f32 v11, v2;
	[tilespmem:s9+$0xFFFFFF10] =	vst v5  }
0x7c: {  	v3 =	vmul.f32 v6, v2;
	v6 =	vld [tilespmem:s9+$0xFFFFFF90];
	[tilespmem:s9+$0xFFFFFF60] =	vst v10  }
0x7d: {  	v5 =	vmul.f32 v7, v2;
	v7 =	vld [tilespmem:s9+$0xFFFFFFA0];
	[tilespmem:s9+$0xFFFFFF70] =	vst v11  }
0x7e: {  	[tilespmem:s9+$0xFFFFFF20] =	vst v3;
	v3 =	vmul.f32 v8, v2;
	v8 =	vld [tilespmem:s9+$0xFFFFFFB0]  }
0x7f: {  	[tilespmem:s9+$0xFFFFFF30] =	vst v5;
	v5 =	vmul.f32 v9, v2;
	v9 =	vld [tilespmem:s9+$0xFFFFFFC0]  }
0x80: {  	v10 =	vld [tilespmem:s9+$0xFFFFFFF0];
	[tilespmem:s9+$0xFFFFFF40] =	vst v3;
	v3 =	vmul.f32 v4, v12  }
0x81: {  	[tilespmem:s9+$0xFFFFFF50] =	vst v5;
	v5 =	vld [tilespmem:s9+$0xFFFFFFE0];
	v6 =	vmul.f32 v6, v4  }
0x82: {  	v11 =	vld [tilespmem:s9+$0x0];
	v7 =	vmul.f32 v7, v4;
	[tilespmem:s9+$0xFFFFFF80] =	vst v3  }
0x83: {  	v3 =	vld.msk [tilespmem:s8+$0x0 ss:$0x0], $0xffff;
	[tilespmem:s9+$0xFFFFFF90] =	vst v6;
	v6 =	vmul.f32 v8, v4  }
0x84: {  	v8 =	vld [tilespmem:s9+$0x10];
	[tilespmem:s9+$0xFFFFFFA0] =	vst v7;
	v7 =	vmul.f32 v9, v4  }
0x85: {  	v9 =	vld [tilespmem:s9+$0x20];
	[tilespmem:s9+$0xFFFFFFB0] =	vst v6;
	v6 =	vmul.f32 v62, v4  }
0x86: {  	v63 =	vld [tilespmem:s9+$0x30];
	[tilespmem:s9+$0xFFFFFFC0] =	vst v7;
	v5 =	vmul.f32 v5, v4  }
0x87: {  	v7 =	vld [tilespmem:s9+$0x40];
	v4 =	vmul.f32 v10, v4;
	[tilespmem:s9+$0xFFFFFFD0] =	vst v6  }
0x88: {  	v6 =	vmul.f32 v3, v11;
	v11 =	vld [tilespmem:s9+$0x50];
	[tilespmem:s9+$0xFFFFFFE0] =	vst v5  }
0x89: {  	v5 =	vld [tilespmem:s9+$0x60];
	[tilespmem:s9+$0xFFFFFFF0] =	vst v4;
	v8 =	vmul.f32 v8, v3  }
0x8a: {  	v4 =	vmul.f32 v9, v3;
	v9 =	vld [tilespmem:s9+$0x70];
	[tilespmem:s9+$0x0] =	vst v6  }
0x8b: {  	v6 =	vmul.f32 v63, v3;
	[tilespmem:s9+$0x10] =	vst v8;
	v8 =	vld [tilespmem:s9+$0x80]  }
0x8c: {  	v10 =	vld [tilespmem:s9+$0x90];
	[tilespmem:s9+$0x20] =	vst v4;
	v4 =	vmul.f32 v7, v3  }
0x8d: {  	[tilespmem:s9+$0x30] =	vst v6;
	v7 =	vmul.f32 v11, v3;
	v11 =	vld [tilespmem:s9+$0xA0]  }
0x8e: {  	v6 =	vld [tilespmem:s9+$0xB0];
	[tilespmem:s9+$0x40] =	vst v4;
	v4 =	vmul.f32 v5, v3  }
0x8f: {  	v5 =	vld [tilespmem:s9+$0xC0];
	v3 =	vmul.f32 v9, v3;
	[tilespmem:s9+$0x50] =	vst v7  }
0x90: {  	[tilespmem:s9+$0x60] =	vst v4;
	v7 =	vld [tilespmem:s9+$0xD0];
	v9 =	vmul.f32 v1, v8  }
0x91: {  	[tilespmem:s9+$0x70] =	vst v3;
	v3 =	vld [tilespmem:s9+$0xE0];
	v8 =	vmul.f32 v10, v1  }
0x92: {  	s10 =	simm.s32 $0x406;
	s25 =	simm.s32 $0x700;
	s8 =	simm.s32 $0x0;
	v4 =	vld [tilespmem:s9+$0xFFFFFF00];
	[tilespmem:s9+$0x80] =	vst v9;
	v9 =	vmul.f32 v11, v1  }
.LBB2_5:
0x93: {  	v10 =	vld.msk [tilespmem:s10+$0x1 ss:$0x0], $0xffff;
	s8 =	sadd.s32 $0x4, s8;
	[tilespmem:s9+$0x90] =	vst v8;
	v6 =	vmul.f32 v6, v1;
	s25 =	sadd.s32 $0x200, s25  }
0x94: {  	v8 =	vld [tilespmem:s25+$0xF0];
	p1 =	slt.u32 s8, $0xBC;
	[tilespmem:s9+$0xA0] =	vst v9;
	v5 =	vmul.f32 v5, v1  }
0x95: {  	v9 =	vld.msk [tilespmem:s10+$0xFFFFFFFE ss:$0x0], $0xffff;
	[tilespmem:s9+$0xB0] =	vst v6;
	v6 =	vmul.f32 v7, v1  }
0x96: {  	v7 =	vld.msk [tilespmem:s10+$0xFFFFFFFF ss:$0x0], $0xffff;
	[tilespmem:s9+$0xC0] =	vst v5;
	v11 =	vmul.f32 v3, v1  }
0x97: {  	v3 =	vld.msk [tilespmem:s10+$0x0 ss:$0x0], $0xffff;
	v2 =	vmul.f32 v2, v4;
	[tilespmem:s9+$0xD0] =	vst v6  }
0x98: {  	v4 =	vld [tilespmem:s25+$0xFFFFFF10];
	[tilespmem:s9+$0xE0] =	vst v11  }
0x99: {  	v1 =	vmov v10;
	v5 =	vld [tilespmem:s25+$0xFFFFFF20];
	v6 =	vmul.f32 v8, v10;
	[tilespmem:s9+$0xFFFFFF00] =	vst v2;
	s9 =	smov.u32 s25  }
0x9a: {  	v8 =	vld [tilespmem:s25+$0xFFFFFF30]  }
0x9b: {  	v10 =	vld [tilespmem:s25+$0xFFFFFF40];
	[tilespmem:s25+$0xF0] =	vst v6;
	v2 =	vmov v9  }
0x9c: {  	v6 =	vld [tilespmem:s25+$0xFFFFFF50]  }
0x9d: {  	v4 =	vmul.f32 v4, v2;
	v9 =	vld [tilespmem:s25+$0xFFFFFF60]  }
0x9e: {  	v5 =	vmul.f32 v5, v2;
	v11 =	vld [tilespmem:s25+$0xFFFFFF70]  }
0x9f: {  	[tilespmem:s25+$0xFFFFFF10] =	vst v4;
	v4 =	vmul.f32 v8, v2;
	v8 =	vld [tilespmem:s25+$0xFFFFFF80]  }
0xa0: {  	[tilespmem:s25+$0xFFFFFF20] =	vst v5;
	v5 =	vmul.f32 v10, v2;
	v10 =	vld [tilespmem:s25+$0xFFFFFF90]  }
0xa1: {  	[tilespmem:s25+$0xFFFFFF30] =	vst v4;
	v4 =	vmul.f32 v6, v2;
	v6 =	vld [tilespmem:s25+$0xFFFFFFA0]  }
0xa2: {  	[tilespmem:s25+$0xFFFFFF40] =	vst v5;
	v5 =	vmul.f32 v9, v2;
	v9 =	vld [tilespmem:s25+$0xFFFFFFB0]  }
0xa3: {  	[tilespmem:s25+$0xFFFFFF50] =	vst v4;
	v4 =	vmul.f32 v11, v2;
	v11 =	vld [tilespmem:s25+$0xFFFFFFC0]  }
0xa4: {  	[tilespmem:s25+$0xFFFFFF60] =	vst v5;
	v5 =	vmul.f32 v7, v8;
	v8 =	vld [tilespmem:s25+$0xFFFFFFD0]  }
0xa5: {  	[tilespmem:s25+$0xFFFFFF70] =	vst v4;
	v4 =	vmul.f32 v10, v7;
	v10 =	vld [tilespmem:s25+$0xFFFFFFE0]  }
0xa6: {  	[tilespmem:s25+$0xFFFFFF80] =	vst v5;
	v5 =	vmul.f32 v6, v7;
	v6 =	vld [tilespmem:s25+$0xFFFFFFF0]  }
0xa7: {  	[tilespmem:s25+$0xFFFFFF90] =	vst v4;
	v4 =	vmul.f32 v9, v7;
	v9 =	vld [tilespmem:s25+$0x0]  }
0xa8: {  	[tilespmem:s25+$0xFFFFFFA0] =	vst v5;
	v5 =	vmul.f32 v11, v7;
	v11 =	vld [tilespmem:s25+$0x10]  }
0xa9: {  	[tilespmem:s25+$0xFFFFFFB0] =	vst v4;
	v4 =	vmul.f32 v8, v7;
	v8 =	vld [tilespmem:s25+$0x20]  }
0xaa: {  	[tilespmem:s25+$0xFFFFFFC0] =	vst v5;
	v5 =	vmul.f32 v10, v7;
	v10 =	vld [tilespmem:s25+$0x30]  }
0xab: {  	[tilespmem:s25+$0xFFFFFFD0] =	vst v4;
	v4 =	vmul.f32 v6, v7;
	v6 =	vld [tilespmem:s25+$0x40]  }
0xac: {  	[tilespmem:s25+$0xFFFFFFE0] =	vst v5;
	v5 =	vmul.f32 v3, v9;
	v7 =	vld [tilespmem:s25+$0x50]  }
0xad: {  	[tilespmem:s25+$0xFFFFFFF0] =	vst v4;
	v4 =	vmul.f32 v11, v3;
	v9 =	vld [tilespmem:s25+$0x60]  }
0xae: {  	[tilespmem:s25+$0x0] =	vst v5;
	v5 =	vmul.f32 v8, v3;
	v8 =	vld [tilespmem:s25+$0x70]  }
0xaf: {  	[tilespmem:s25+$0x10] =	vst v4;
	v4 =	vmul.f32 v10, v3;
	v10 =	vld [tilespmem:s25+$0x80]  }
0xb0: {  	[tilespmem:s25+$0x20] =	vst v5;
	v5 =	vmul.f32 v6, v3;
	v11 =	vld [tilespmem:s25+$0x90]  }
0xb1: {  	[tilespmem:s25+$0x30] =	vst v4;
	v4 =	vmul.f32 v7, v3;
	v12 =	vld [tilespmem:s25+$0xA0]  }
.Ltmp3:
0xb2: {  	[tilespmem:s25+$0x40] =	vst v5;
	v7 =	vmul.f32 v9, v3;
	v6 =	vld [tilespmem:s25+$0xB0];
	(pc) =	sbr.rel @p1 .LBB2_5-.Ltmp3, $4  }
0xb3: {  	[tilespmem:s25+$0x50] =	vst v4;
	v3 =	vmul.f32 v8, v3;
	v5 =	vld [tilespmem:s25+$0xC0]  }
0xb4: {  	[tilespmem:s25+$0x60] =	vst v7;
	v9 =	vmul.f32 v1, v10;
	v7 =	vld [tilespmem:s25+$0xD0]  }
0xb5: {  	[tilespmem:s25+$0x70] =	vst v3;
	v8 =	vmul.f32 v11, v1;
	v3 =	vld [tilespmem:s25+$0xE0]  }
0xb6: {  	s10 =	sadd.s32 $0x4, s10;
	v4 =	vld [tilespmem:s25+$0xFFFFFF00];
	[tilespmem:s25+$0x80] =	vst v9;
	v9 =	vmul.f32 v12, v1  }
0xb7: {  	[tilespmem:s9+$0x90] =	vst v8;
	v6 =	vmul.f32 v6, v1  }
0xb8: {  	[tilespmem:s9+$0xA0] =	vst v9;
	v5 =	vmul.f32 v5, v1  }
0xb9: {  	s8 =	sshll.u32 s7, $0x1;
	p1 =	seq.s32 s7, $0x1A;
	[tilespmem:s9+$0xB0] =	vst v6;
	v6 =	vmul.f32 v7, v1  }
0xba: {  	s10 =	sadd.s32 @!p1 s8, s22;
	[tilespmem:s9+$0xC0] =	vst v5;
	v1 =	vmul.f32 v3, v1  }
0xbb: {  	s10 =	smul.u32 @!p1 $0x18, s10;
	v2 =	vmul.f32 v2, v4;
	[tilespmem:s9+$0xD0] =	vst v6  }
0xbc: {  	[tilespmem:s9+$0xE0] =	vst v1  }
0xbd: {  	s25 =	simm.s32 @!p1 $0x0;
	[tilespmem:s9+$0xFFFFFF00] =	vst v2;
	s9 =	sadd.s32 @!p1 s0, s10  }
0xbe: {  	[tilespmem:s25], [sflag:$0x5] =	stream.linear.gather @!p1 [hbm4b:s9+s25], $0xC0, $0x38;
	[tilespmem:$0x1FE80] =	vst v63  }
0xbf: {  	s9 =	sadd.s32 @!p1 s2, s10;
	s10 =	simm.s32 @!p1 $0x400  }
0xc0: {  	[tilespmem:s10], [sflag:$0x5] =	stream.linear.gather @!p1 [hbm4b:s9+s25], $0xC0, $0x38;
	[tilespmem:$0x1FE80] =	vst v63  }
0xc1: {  	_ =	swait.ge [sflag:s16], $0xC0  }
0xc2: {  	[sflag:s16] =	ssyncset.done $0x0  }
0xc3: {  	[sflag:s16] =	ssyncadd.s32 $0xFFFFFF40  }
0xc4: {  	[spmem:s5] =	stream.indirect.scatter.add.f32 [tilespmem:s28], [sflag:$0x3], $0x80, s4, s12, $0xb8;
	[tilespmem:$0x1FE80] =	vst v63  }
0xc5: {  	_ =	swait.ge [sflag:s18], $0x6000  }
0xc6: {  	[sflag:s18] =	ssyncset.done $0x0  }
0xc7: {  	s25 =	simm.s32 $0x502;
	[sflag:s18] =	ssyncadd.s32 $0xFFFFA000  }
0xc8: {  	s9 =	simm.s32 $0x6700;
	v1 =	vld.msk [tilespmem:s25+$0x1 ss:$0x0], $0xffff  }
0xc9: {  	v3 =	vld [tilespmem:s9+$0xF0]  }
0xca: {  	v2 =	vld.msk [tilespmem:s25+$0xFFFFFFFE ss:$0x0], $0xffff  }
0xcb: {  	v4 =	vld.msk [tilespmem:s25+$0xFFFFFFFF ss:$0x0], $0xffff  }
0xcc: {  	v5 =	vld [tilespmem:s9+$0xFFFFFF10]  }
0xcd: {  	v6 =	vld [tilespmem:s9+$0xFFFFFF20]  }
0xce: {  	v10 =	vld [tilespmem:s9+$0xFFFFFF60]  }
0xcf: {  	v11 =	vld [tilespmem:s9+$0xFFFFFF70]  }
0xd0: {  	v7 =	vld [tilespmem:s9+$0xFFFFFF30]  }
0xd1: {  	v8 =	vld [tilespmem:s9+$0xFFFFFF40];
	v3 =	vmul.f32 v3, v1  }
0xd2: {  	v9 =	vld [tilespmem:s9+$0xFFFFFF50];
	v5 =	vmul.f32 v5, v2  }
0xd3: {  	v12 =	vld [tilespmem:s9+$0xFFFFFF80];
	v10 =	vmul.f32 v10, v2;
	[tilespmem:s9+$0xF0] =	vst v3  }
0xd4: {  	v62 =	vld [tilespmem:s9+$0xFFFFFFD0];
	v11 =	vmul.f32 v11, v2;
	[tilespmem:s9+$0xFFFFFF10] =	vst v5  }
0xd5: {  	v3 =	vmul.f32 v6, v2;
	v6 =	vld [tilespmem:s9+$0xFFFFFF90];
	[tilespmem:s9+$0xFFFFFF60] =	vst v10  }
0xd6: {  	v5 =	vmul.f32 v7, v2;
	v7 =	vld [tilespmem:s9+$0xFFFFFFA0];
	[tilespmem:s9+$0xFFFFFF70] =	vst v11  }
0xd7: {  	[tilespmem:s9+$0xFFFFFF20] =	vst v3;
	v3 =	vmul.f32 v8, v2;
	v8 =	vld [tilespmem:s9+$0xFFFFFFB0]  }
0xd8: {  	[tilespmem:s9+$0xFFFFFF30] =	vst v5;
	v5 =	vmul.f32 v9, v2;
	v9 =	vld [tilespmem:s9+$0xFFFFFFC0]  }
0xd9: {  	v10 =	vld [tilespmem:s9+$0xFFFFFFF0];
	[tilespmem:s9+$0xFFFFFF40] =	vst v3;
	v3 =	vmul.f32 v4, v12  }
0xda: {  	[tilespmem:s9+$0xFFFFFF50] =	vst v5;
	v5 =	vld [tilespmem:s9+$0xFFFFFFE0];
	v6 =	vmul.f32 v6, v4  }
0xdb: {  	v11 =	vld [tilespmem:s9+$0x0];
	v7 =	vmul.f32 v7, v4;
	[tilespmem:s9+$0xFFFFFF80] =	vst v3  }
0xdc: {  	v3 =	vld.msk [tilespmem:s25+$0x0 ss:$0x0], $0xffff;
	[tilespmem:s9+$0xFFFFFF90] =	vst v6;
	v6 =	vmul.f32 v8, v4  }
0xdd: {  	v8 =	vld [tilespmem:s9+$0x10];
	[tilespmem:s9+$0xFFFFFFA0] =	vst v7;
	v7 =	vmul.f32 v9, v4  }
0xde: {  	v9 =	vld [tilespmem:s9+$0x20];
	[tilespmem:s9+$0xFFFFFFB0] =	vst v6;
	v6 =	vmul.f32 v62, v4  }
0xdf: {  	v63 =	vld [tilespmem:s9+$0x30];
	[tilespmem:s9+$0xFFFFFFC0] =	vst v7;
	v5 =	vmul.f32 v5, v4  }
0xe0: {  	v7 =	vld [tilespmem:s9+$0x40];
	v4 =	vmul.f32 v10, v4;
	[tilespmem:s9+$0xFFFFFFD0] =	vst v6  }
0xe1: {  	v6 =	vmul.f32 v3, v11;
	v11 =	vld [tilespmem:s9+$0x50];
	[tilespmem:s9+$0xFFFFFFE0] =	vst v5  }
0xe2: {  	v5 =	vld [tilespmem:s9+$0x60];
	[tilespmem:s9+$0xFFFFFFF0] =	vst v4;
	v8 =	vmul.f32 v8, v3  }
0xe3: {  	v4 =	vmul.f32 v9, v3;
	[tilespmem:s9+$0x0] =	vst v6;
	v6 =	vld [tilespmem:s9+$0x70]  }
0xe4: {  	v9 =	vld [tilespmem:s9+$0x80];
	[tilespmem:s9+$0x10] =	vst v8;
	v8 =	vmul.f32 v63, v3  }
0xe5: {  	[tilespmem:s9+$0x20] =	vst v4;
	v4 =	vmul.f32 v7, v3;
	v7 =	vld [tilespmem:s9+$0x90]  }
0xe6: {  	v10 =	vld [tilespmem:s9+$0xA0];
	[tilespmem:s9+$0x30] =	vst v8;
	v8 =	vmul.f32 v11, v3  }
0xe7: {  	[tilespmem:s9+$0x40] =	vst v4;
	v5 =	vmul.f32 v5, v3;
	v4 =	vld [tilespmem:s9+$0xB0]  }
0xe8: {  	[tilespmem:s9+$0x50] =	vst v8;
	v6 =	vmul.f32 v6, v3;
	v3 =	vld [tilespmem:s9+$0xC0]  }
0xe9: {  	v9 =	vmul.f32 v1, v9;
	[tilespmem:s9+$0x60] =	vst v5;
	v5 =	vld [tilespmem:s9+$0xD0]  }
0xea: {  	v8 =	vmul.f32 v7, v1;
	[tilespmem:s9+$0x70] =	vst v6;
	v6 =	vld [tilespmem:s9+$0xE0]  }
0xeb: {  	s30 =	simm.s32 $0x6700;
	s10 =	simm.s32 $0x0;
	s25 =	simm.s32 $0x506;
	v7 =	vld [tilespmem:s9+$0xFFFFFF00];
	[tilespmem:s9+$0x80] =	vst v9;
	v9 =	vmul.f32 v10, v1  }
.LBB2_7:
0xec: {  	v10 =	vld.msk [tilespmem:s25+$0x1 ss:$0x0], $0xffff;
	s10 =	sadd.s32 $0x4, s10;
	[tilespmem:s9+$0x90] =	vst v8;
	v4 =	vmul.f32 v4, v1;
	s30 =	sadd.s32 $0x200, s30  }
0xed: {  	v8 =	vld [tilespmem:s30+$0xF0];
	p2 =	slt.u32 s10, $0xBC;
	[tilespmem:s9+$0xA0] =	vst v9;
	v3 =	vmul.f32 v3, v1  }
0xee: {  	v9 =	vld.msk [tilespmem:s25+$0xFFFFFFFE ss:$0x0], $0xffff;
	[tilespmem:s9+$0xB0] =	vst v4;
	v4 =	vmul.f32 v5, v1  }
0xef: {  	v5 =	vld.msk [tilespmem:s25+$0xFFFFFFFF ss:$0x0], $0xffff;
	[tilespmem:s9+$0xC0] =	vst v3;
	v11 =	vmul.f32 v6, v1  }
0xf0: {  	v3 =	vld.msk [tilespmem:s25+$0x0 ss:$0x0], $0xffff;
	v2 =	vmul.f32 v2, v7;
	[tilespmem:s9+$0xD0] =	vst v4  }
0xf1: {  	v4 =	vld [tilespmem:s30+$0xFFFFFF10];
	[tilespmem:s9+$0xE0] =	vst v11  }
0xf2: {  	v1 =	vmov v10;
	v6 =	vld [tilespmem:s30+$0xFFFFFF20];
	v7 =	vmul.f32 v8, v10;
	[tilespmem:s9+$0xFFFFFF00] =	vst v2;
	s9 =	smov.u32 s30  }
0xf3: {  	v8 =	vld [tilespmem:s30+$0xFFFFFF30]  }
0xf4: {  	v10 =	vld [tilespmem:s30+$0xFFFFFF40];
	[tilespmem:s30+$0xF0] =	vst v7;
	v2 =	vmov v9  }
0xf5: {  	v7 =	vld [tilespmem:s30+$0xFFFFFF50]  }
0xf6: {  	v4 =	vmul.f32 v4, v2;
	v9 =	vld [tilespmem:s30+$0xFFFFFF60]  }
0xf7: {  	v6 =	vmul.f32 v6, v2;
	v11 =	vld [tilespmem:s30+$0xFFFFFF70]  }
0xf8: {  	[tilespmem:s30+$0xFFFFFF10] =	vst v4;
	v4 =	vmul.f32 v8, v2;
	v8 =	vld [tilespmem:s30+$0xFFFFFF80]  }
0xf9: {  	[tilespmem:s30+$0xFFFFFF20] =	vst v6;
	v6 =	vmul.f32 v10, v2;
	v10 =	vld [tilespmem:s30+$0xFFFFFF90]  }
0xfa: {  	[tilespmem:s30+$0xFFFFFF30] =	vst v4;
	v4 =	vmul.f32 v7, v2;
	v7 =	vld [tilespmem:s30+$0xFFFFFFA0]  }
0xfb: {  	[tilespmem:s30+$0xFFFFFF40] =	vst v6;
	v6 =	vmul.f32 v9, v2;
	v9 =	vld [tilespmem:s30+$0xFFFFFFB0]  }
0xfc: {  	[tilespmem:s30+$0xFFFFFF50] =	vst v4;
	v4 =	vmul.f32 v11, v2;
	v11 =	vld [tilespmem:s30+$0xFFFFFFC0]  }
0xfd: {  	[tilespmem:s30+$0xFFFFFF60] =	vst v6;
	v6 =	vmul.f32 v5, v8;
	v8 =	vld [tilespmem:s30+$0xFFFFFFD0]  }
0xfe: {  	[tilespmem:s30+$0xFFFFFF70] =	vst v4;
	v4 =	vmul.f32 v10, v5;
	v10 =	vld [tilespmem:s30+$0xFFFFFFE0]  }
0xff: {  	[tilespmem:s30+$0xFFFFFF80] =	vst v6;
	v6 =	vmul.f32 v7, v5;
	v7 =	vld [tilespmem:s30+$0xFFFFFFF0]  }
0x100: {  	[tilespmem:s30+$0xFFFFFF90] =	vst v4;
	v4 =	vmul.f32 v9, v5;
	v9 =	vld [tilespmem:s30+$0x0]  }
0x101: {  	[tilespmem:s30+$0xFFFFFFA0] =	vst v6;
	v6 =	vmul.f32 v11, v5;
	v11 =	vld [tilespmem:s30+$0x10]  }
0x102: {  	[tilespmem:s30+$0xFFFFFFB0] =	vst v4;
	v4 =	vmul.f32 v8, v5;
	v8 =	vld [tilespmem:s30+$0x20]  }
0x103: {  	[tilespmem:s30+$0xFFFFFFC0] =	vst v6;
	v6 =	vmul.f32 v10, v5;
	v10 =	vld [tilespmem:s30+$0x30]  }
0x104: {  	[tilespmem:s30+$0xFFFFFFD0] =	vst v4;
	v4 =	vmul.f32 v7, v5;
	v5 =	vld [tilespmem:s30+$0x40]  }
0x105: {  	[tilespmem:s30+$0xFFFFFFE0] =	vst v6;
	v6 =	vmul.f32 v3, v9;
	v7 =	vld [tilespmem:s30+$0x50]  }
0x106: {  	[tilespmem:s30+$0xFFFFFFF0] =	vst v4;
	v4 =	vmul.f32 v11, v3;
	v9 =	vld [tilespmem:s30+$0x60]  }
0x107: {  	[tilespmem:s30+$0x0] =	vst v6;
	v6 =	vmul.f32 v8, v3;
	v8 =	vld [tilespmem:s30+$0x70]  }
0x108: {  	[tilespmem:s30+$0x10] =	vst v4;
	v4 =	vmul.f32 v10, v3;
	v10 =	vld [tilespmem:s30+$0x80]  }
0x109: {  	[tilespmem:s30+$0x20] =	vst v6;
	v5 =	vmul.f32 v5, v3;
	v6 =	vld [tilespmem:s30+$0x90]  }
0x10a: {  	[tilespmem:s30+$0x30] =	vst v4;
	v7 =	vmul.f32 v7, v3;
	v11 =	vld [tilespmem:s30+$0xA0]  }
.Ltmp4:
0x10b: {  	[tilespmem:s30+$0x40] =	vst v5;
	v5 =	vmul.f32 v9, v3;
	v4 =	vld [tilespmem:s30+$0xB0];
	(pc) =	sbr.rel @p2 .LBB2_7-.Ltmp4, $4  }
0x10c: {  	[tilespmem:s30+$0x50] =	vst v7;
	v7 =	vmul.f32 v8, v3;
	v3 =	vld [tilespmem:s30+$0xC0]  }
0x10d: {  	[tilespmem:s30+$0x60] =	vst v5;
	v9 =	vmul.f32 v1, v10;
	v5 =	vld [tilespmem:s30+$0xD0]  }
0x10e: {  	[tilespmem:s30+$0x70] =	vst v7;
	v8 =	vmul.f32 v6, v1;
	v6 =	vld [tilespmem:s30+$0xE0]  }
0x10f: {  	s25 =	sadd.s32 $0x4, s25;
	v7 =	vld [tilespmem:s30+$0xFFFFFF00];
	[tilespmem:s30+$0x80] =	vst v9;
	v9 =	vmul.f32 v11, v1  }
0x110: {  	[tilespmem:s9+$0x90] =	vst v8;
	v4 =	vmul.f32 v4, v1  }
0x111: {  	[tilespmem:s9+$0xA0] =	vst v9;
	v3 =	vmul.f32 v3, v1  }
.Ltmp5:
0x112: {  	[tilespmem:s9+$0xB0] =	vst v4;
	v63 =	vmul.f32 v5, v1;
	(pc) =	sbr.rel @p1 .LBB2_10-.Ltmp5, $4  }
0x113: {  	[tilespmem:s9+$0xC0] =	vst v3;
	v1 =	vmul.f32 v6, v1  }
0x114: {  	v2 =	vmul.f32 v2, v7;
	[tilespmem:s9+$0xD0] =	vst v63  }
0x115: {  	[tilespmem:s9+$0xE0] =	vst v1  }
0x116: {  	[tilespmem:s9+$0xFFFFFF00] =	vst v2  }
0x117: {  	s9 =	sadd.s32 s8, s23  }
0x118: {  	s9 =	smul.u32 $0x18, s9;
	_ =	sdelay $0x1  }
0x119: {  	s10 =	sadd.s32 s0, s9  }
0x11a: {  	[tilespmem:s31], [sflag:$0x6] =	stream.linear.gather [hbm4b:s10+s6], $0xC0, $0x38;
	[tilespmem:$0x1FE80] =	vst v63  }
0x11b: {  	s30 =	sadd.s32 s2, s9  }
0x11c: {  	[tilespmem:s3], [sflag:$0x6] =	stream.linear.gather [hbm4b:s30+s6], $0xC0, $0x38;
	[tilespmem:$0x1FE80] =	vst v63  }
0x11d: {  	_ =	swait.ge [sflag:s19], $0xC0  }
0x11e: {  	[sflag:s19] =	ssyncset.done $0x0  }
0x11f: {  	s25 =	sadd.s32 s8, s22;
	[sflag:s19] =	ssyncadd.s32 $0xFFFFFF40  }
0x120: {  	[spmem:s5] =	stream.indirect.scatter.add.f32 [tilespmem:s14], [sflag:$0x4], $0x80, s24, s12, $0xb8;
	[tilespmem:$0x1FE80] =	vst v63  }
0x121: {  	s8 =	smul.u32 $0x18, s25;
	_ =	swait.ge [sflag:s20], $0x6000  }
0x122: {  	[sflag:s20] =	ssyncset.done $0x0  }
0x123: {  	s8 =	sadd.s32 s1, s8;
	[sflag:s20] =	ssyncadd.s32 $0xFFFFA000  }
0x124: {  	[tilespmem:s4], [sflag:$0x7] =	stream.linear.gather [hbm4b:s8+s6], $0xC0, $0x38;
	[tilespmem:$0x1FE80] =	vst v63  }
0x125: {  	_ =	swait.ge [sflag:s11], $0xC0  }
0x126: {  	[sflag:s11] =	ssyncset.done $0x0  }
0x127: {  	[sflag:s11] =	ssyncadd.s32 $0xFFFFFF40  }
0x128: {  	_ =	swait.ge [sflag:s11], $0xC0  }
0x129: {  	[sflag:s11] =	ssyncset.done $0x0  }
0x12a: {  	[sflag:s11] =	ssyncadd.s32 $0xFFFFFF40  }
0x12b: {  	[tilespmem:s28], [sflag:$0x1] =	stream.indirect.gather [hbm4b:s17+s12], $0x80, s6, s12, $0xb8;
	[tilespmem:$0x1FE80] =	vst v63  }
.Ltmp6:
0x12c: {  	_ = 	snop;
	(pc) =	sbr.rel .LBB2_4-.Ltmp6, $4  }
0x12d: {  	_ =	swait.ge [sflag:s21], $0x6000  }
0x12e: {  	[sflag:s21] =	ssyncset.done $0x0  }
0x12f: {  	s7 =	sadd.s32 $0x1, s7;
	s30 =	sadd.s32 s1, s9;
	[sflag:s21] =	ssyncadd.s32 $0xFFFFA000  }
0x130: {  	[tilespmem:s24], [sflag:$0x8] =	stream.linear.gather [hbm4b:s30+s6], $0xC0, $0x38;
	[tilespmem:$0x1FE80] =	vst v63  }
.LBB2_10:
0x131: {  	_ =	swait.ge [sflag:s19], $0xC0  }
0x132: {  	[sflag:s19] =	ssyncset.done $0x0  }
0x133: {  	[sflag:s19] =	ssyncadd.s32 $0xFFFFFF40  }
0x134: {  	[spmem:s5] =	stream.indirect.scatter.add.f32 [tilespmem:s14], [sflag:$0x4], $0x80, s24, s12, $0xb8;
	[tilespmem:$0x1FE80] =	vst v63  }
0x135: {  	_ =	swait.ge [sflag:s20], $0x6000  }
0x136: {  	[sflag:s20] =	ssyncset.done $0x0  }
0x137: {  	[sflag:s20] =	ssyncadd.s32 $0xFFFFA000  }
0x138: {  	_ =	swait.ge [sflag:s21], $0x6000  }
0x139: {  	[sflag:s21] =	ssyncset.done $0x0  }
0x13a: {  	[sflag:s21] =	ssyncadd.s32 $0xFFFFA000  }
0x13b: {  	[bflag:$0x0] =	sbarrier.arrive $0xFFFF  }
0x13c: {  	s25 =	rddreg [dreg:$0x7]  }
0x13d: {  	[tilespmem:s28], [sflag:$0x9] =	stream.linear.gather [spmem:s25], $0x6000, $0x38;
	[tilespmem:$0x1FE80] =	vst v63  }
0x13e: {  	_ =	swait.ge [sflag:s29], $0x6000  }
0x13f: {  	[sflag:s29] =	ssyncset.done $0x0  }
0x140: {  	s7 =	simm.s32 $0x0;
	[sflag:s29] =	ssyncadd.s32 $0xFFFFA000  }
0x141: {  	v3 =	vld [tilespmem:s7+$0x600]  }
0x142: {  	v5 =	vld [tilespmem:s7+$0x610]  }
0x143: {  	v4 =	vld [tilespmem:s7+$0x620]  }
0x144: {  	v2 =	vld [tilespmem:s7+$0x630]  }
0x145: {  	v1 =	vld [tilespmem:s7+$0x640]  }
0x146: {  	v6 =	vmax.f32 v3, $0.0e+00;
	v3 =	vld [tilespmem:s7+$0x650]  }
0x147: {  	s8 =	simm.s32 $0x200;
	[tilespmem:s7+$0x600] =	vst v6;
	v6 =	vmax.f32 v5, $0.0e+00;
	v5 =	vld [tilespmem:s7+$0x660]  }
.LBB2_11:
0x148: {  	s9 =	sshra.s32 s8, $0x2;
	p1 =	sne.s32 s8, $0x17E00;
	[tilespmem:s7+$0x610] =	vst v6;
	v4 =	vmax.f32 v4, $0.0e+00;
	v6 =	vld [tilespmem:s7+$0x670]  }
0x149: {  	v7 =	vld [tilespmem:s9+$0x600];
	[tilespmem:s7+$0x620] =	vst v4;
	v2 =	vmax.f32 v2, $0.0e+00  }
0x14a: {  	v8 =	vld [tilespmem:s9+$0x610];
	[tilespmem:s7+$0x630] =	vst v2;
	v1 =	vmax.f32 v1, $0.0e+00  }
.Ltmp7:
0x14b: {  	v4 =	vld [tilespmem:s9+$0x620];
	[tilespmem:s7+$0x640] =	vst v1;
	v1 =	vmax.f32 v3, $0.0e+00;
	(pc) =	sbr.rel @p1 .LBB2_11-.Ltmp7, $4  }
0x14c: {  	v2 =	vld [tilespmem:s9+$0x630];
	[tilespmem:s7+$0x650] =	vst v1;
	v3 =	vmax.f32 v5, $0.0e+00  }
0x14d: {  	v1 =	vld [tilespmem:s9+$0x640];
	[tilespmem:s7+$0x660] =	vst v3;
	v5 =	vmax.f32 v6, $0.0e+00  }
0x14e: {  	v6 =	vmax.f32 v7, $0.0e+00;
	v3 =	vld [tilespmem:s9+$0x650];
	[tilespmem:s7+$0x670] =	vst v5;
	s7 =	smov.u32 s9  }
0x14f: {  	s8 =	sadd.s32 $0x200, s8;
	[tilespmem:s7+$0x600] =	vst v6;
	v6 =	vmax.f32 v8, $0.0e+00;
	v5 =	vld [tilespmem:s7+$0x660]  }
0x150: {  	[tilespmem:s7+$0x610] =	vst v6;
	v4 =	vmax.f32 v4, $0.0e+00;
	v6 =	vld [tilespmem:s7+$0x670]  }
0x151: {  	[tilespmem:s7+$0x620] =	vst v4;
	v2 =	vmax.f32 v2, $0.0e+00  }
0x152: {  	[tilespmem:s7+$0x630] =	vst v2;
	v1 =	vmax.f32 v1, $0.0e+00  }
0x153: {  	[tilespmem:s7+$0x640] =	vst v1;
	v1 =	vmax.f32 v3, $0.0e+00  }
0x154: {  	[tilespmem:s7+$0x650] =	vst v1;
	v1 =	vmax.f32 v5, $0.0e+00  }
0x155: {  	[tilespmem:s7+$0x660] =	vst v1;
	v1 =	vmax.f32 v6, $0.0e+00  }
0x156: {  	s9 =	rddreg [dreg:$0x11];
	s10 =	simm.s32 $0x400;
	s8 =	simm.s32 $0x800;
	[tilespmem:s7+$0x670] =	vst v1  }
0x157: {  	[hbm4b:s9+s10] =	stream.strided.scatter [tilespmem:s28], [sflag:$0x9], $0x6000, s8, s10, $0x38;
	[tilespmem:$0x1FE80] =	vst v63  }
0x158: {  	_ =	swait.ge [sflag:s29], $0x6000  }
0x159: {  	[sflag:s29] =	ssyncset.done $0x0  }
0x15a: {  	s30 =	rddreg [dreg:$0x8];
	[sflag:s29] =	ssyncadd.s32 $0xFFFFA000  }
0x15b: {  	[tilespmem:s28], [sflag:$0x9] =	stream.linear.gather [spmem:s30], $0x6000, $0x38;
	[tilespmem:$0x1FE80] =	vst v63  }
0x15c: {  	_ =	swait.ge [sflag:s29], $0x6000  }
0x15d: {  	[sflag:s29] =	ssyncset.done $0x0  }
0x15e: {  	s7 =	simm.s32 $0x0;
	[sflag:s29] =	ssyncadd.s32 $0xFFFFA000  }
0x15f: {  	v3 =	vld [tilespmem:s7+$0x600]  }
0x160: {  	v5 =	vld [tilespmem:s7+$0x610]  }
0x161: {  	v4 =	vld [tilespmem:s7+$0x620]  }
0x162: {  	v2 =	vld [tilespmem:s7+$0x630]  }
0x163: {  	v1 =	vld [tilespmem:s7+$0x640]  }
0x164: {  	v6 =	vmax.f32 v3, $0.0e+00;
	v3 =	vld [tilespmem:s7+$0x650]  }
0x165: {  	s8 =	simm.s32 $0x200;
	[tilespmem:s7+$0x600] =	vst v6;
	v6 =	vmax.f32 v5, $0.0e+00;
	v5 =	vld [tilespmem:s7+$0x660]  }
.LBB2_13:
0x166: {  	s9 =	sshra.s32 s8, $0x2;
	p1 =	sne.s32 s8, $0x17E00;
	[tilespmem:s7+$0x610] =	vst v6;
	v4 =	vmax.f32 v4, $0.0e+00;
	v6 =	vld [tilespmem:s7+$0x670]  }
0x167: {  	v7 =	vld [tilespmem:s9+$0x600];
	[tilespmem:s7+$0x620] =	vst v4;
	v2 =	vmax.f32 v2, $0.0e+00  }
0x168: {  	v8 =	vld [tilespmem:s9+$0x610];
	[tilespmem:s7+$0x630] =	vst v2;
	v1 =	vmax.f32 v1, $0.0e+00  }
.Ltmp8:
0x169: {  	v4 =	vld [tilespmem:s9+$0x620];
	[tilespmem:s7+$0x640] =	vst v1;
	v1 =	vmax.f32 v3, $0.0e+00;
	(pc) =	sbr.rel @p1 .LBB2_13-.Ltmp8, $4  }
0x16a: {  	v2 =	vld [tilespmem:s9+$0x630];
	[tilespmem:s7+$0x650] =	vst v1;
	v3 =	vmax.f32 v5, $0.0e+00  }
0x16b: {  	v1 =	vld [tilespmem:s9+$0x640];
	[tilespmem:s7+$0x660] =	vst v3;
	v5 =	vmax.f32 v6, $0.0e+00  }
0x16c: {  	v6 =	vmax.f32 v7, $0.0e+00;
	v3 =	vld [tilespmem:s9+$0x650];
	[tilespmem:s7+$0x670] =	vst v5;
	s7 =	smov.u32 s9  }
0x16d: {  	s8 =	sadd.s32 $0x200, s8;
	[tilespmem:s7+$0x600] =	vst v6;
	v6 =	vmax.f32 v8, $0.0e+00;
	v5 =	vld [tilespmem:s7+$0x660]  }
0x16e: {  	[tilespmem:s7+$0x610] =	vst v6;
	v4 =	vmax.f32 v4, $0.0e+00;
	v6 =	vld [tilespmem:s7+$0x670]  }
0x16f: {  	[tilespmem:s7+$0x620] =	vst v4;
	v2 =	vmax.f32 v2, $0.0e+00  }
0x170: {  	[tilespmem:s7+$0x630] =	vst v2;
	v1 =	vmax.f32 v1, $0.0e+00  }
0x171: {  	[tilespmem:s7+$0x640] =	vst v1;
	v1 =	vmax.f32 v3, $0.0e+00  }
0x172: {  	[tilespmem:s7+$0x650] =	vst v1;
	v1 =	vmax.f32 v5, $0.0e+00  }
0x173: {  	[tilespmem:s7+$0x660] =	vst v1;
	v1 =	vmax.f32 v6, $0.0e+00  }
0x174: {  	s9 =	rddreg [dreg:$0x12];
	s8 =	simm.s32 $0x800;
	[tilespmem:s7+$0x670] =	vst v1  }
0x175: {  	[hbm4b:s9+s10] =	stream.strided.scatter [tilespmem:s28], [sflag:$0x9], $0x6000, s8, s10, $0x38;
	[tilespmem:$0x1FE80] =	vst v63  }
0x176: {  	_ =	swait.ge [sflag:s29], $0x6000  }
0x177: {  	[sflag:s29] =	ssyncset.done $0x0  }
0x178: {  	s30 =	rddreg [dreg:$0x9];
	[sflag:s29] =	ssyncadd.s32 $0xFFFFA000  }
0x179: {  	[tilespmem:s28], [sflag:$0x9] =	stream.linear.gather [spmem:s30], $0x6000, $0x38;
	[tilespmem:$0x1FE80] =	vst v63  }
0x17a: {  	_ =	swait.ge [sflag:s29], $0x6000  }
0x17b: {  	[sflag:s29] =	ssyncset.done $0x0  }
0x17c: {  	s7 =	simm.s32 $0x0;
	[sflag:s29] =	ssyncadd.s32 $0xFFFFA000  }
0x17d: {  	v3 =	vld [tilespmem:s7+$0x600]  }
0x17e: {  	v5 =	vld [tilespmem:s7+$0x610]  }
0x17f: {  	v4 =	vld [tilespmem:s7+$0x620]  }
0x180: {  	v2 =	vld [tilespmem:s7+$0x630]  }
0x181: {  	v1 =	vld [tilespmem:s7+$0x640]  }
0x182: {  	v6 =	vmax.f32 v3, $0.0e+00;
	v3 =	vld [tilespmem:s7+$0x650]  }
0x183: {  	s8 =	simm.s32 $0x200;
	[tilespmem:s7+$0x600] =	vst v6;
	v6 =	vmax.f32 v5, $0.0e+00;
	v5 =	vld [tilespmem:s7+$0x660]  }
.LBB2_15:
0x184: {  	s9 =	sshra.s32 s8, $0x2;
	p1 =	sne.s32 s8, $0x17E00;
	[tilespmem:s7+$0x610] =	vst v6;
	v4 =	vmax.f32 v4, $0.0e+00;
	v6 =	vld [tilespmem:s7+$0x670]  }
0x185: {  	v7 =	vld [tilespmem:s9+$0x600];
	[tilespmem:s7+$0x620] =	vst v4;
	v2 =	vmax.f32 v2, $0.0e+00  }
0x186: {  	v8 =	vld [tilespmem:s9+$0x610];
	[tilespmem:s7+$0x630] =	vst v2;
	v1 =	vmax.f32 v1, $0.0e+00  }
.Ltmp9:
0x187: {  	v4 =	vld [tilespmem:s9+$0x620];
	[tilespmem:s7+$0x640] =	vst v1;
	v1 =	vmax.f32 v3, $0.0e+00;
	(pc) =	sbr.rel @p1 .LBB2_15-.Ltmp9, $4  }
0x188: {  	v2 =	vld [tilespmem:s9+$0x630];
	[tilespmem:s7+$0x650] =	vst v1;
	v3 =	vmax.f32 v5, $0.0e+00  }
0x189: {  	v1 =	vld [tilespmem:s9+$0x640];
	[tilespmem:s7+$0x660] =	vst v3;
	v5 =	vmax.f32 v6, $0.0e+00  }
0x18a: {  	v6 =	vmax.f32 v7, $0.0e+00;
	v3 =	vld [tilespmem:s9+$0x650];
	[tilespmem:s7+$0x670] =	vst v5;
	s7 =	smov.u32 s9  }
0x18b: {  	s8 =	sadd.s32 $0x200, s8;
	[tilespmem:s7+$0x600] =	vst v6;
	v6 =	vmax.f32 v8, $0.0e+00;
	v5 =	vld [tilespmem:s7+$0x660]  }
0x18c: {  	[tilespmem:s7+$0x610] =	vst v6;
	v4 =	vmax.f32 v4, $0.0e+00;
	v6 =	vld [tilespmem:s7+$0x670]  }
0x18d: {  	[tilespmem:s7+$0x620] =	vst v4;
	v2 =	vmax.f32 v2, $0.0e+00  }
0x18e: {  	[tilespmem:s7+$0x630] =	vst v2;
	v1 =	vmax.f32 v1, $0.0e+00  }
0x18f: {  	[tilespmem:s7+$0x640] =	vst v1;
	v1 =	vmax.f32 v3, $0.0e+00  }
0x190: {  	[tilespmem:s7+$0x650] =	vst v1;
	v1 =	vmax.f32 v5, $0.0e+00  }
0x191: {  	[tilespmem:s7+$0x660] =	vst v1;
	v1 =	vmax.f32 v6, $0.0e+00  }
0x192: {  	s9 =	rddreg [dreg:$0x13];
	s8 =	simm.s32 $0x800;
	[tilespmem:s7+$0x670] =	vst v1  }
0x193: {  	[hbm4b:s9+s10] =	stream.strided.scatter [tilespmem:s28], [sflag:$0x9], $0x6000, s8, s10, $0x38;
	[tilespmem:$0x1FE80] =	vst v63  }
0x194: {  	_ =	swait.ge [sflag:s29], $0x6000  }
0x195: {  	[sflag:s29] =	ssyncset.done $0x0  }
0x196: {  	s30 =	rddreg [dreg:$0xa];
	[sflag:s29] =	ssyncadd.s32 $0xFFFFA000  }
0x197: {  	[tilespmem:s28], [sflag:$0x9] =	stream.linear.gather [spmem:s30], $0x1800, $0x38;
	[tilespmem:$0x1FE80] =	vst v63  }
0x198: {  	_ =	swait.ge [sflag:s29], $0x1800  }
0x199: {  	[sflag:s29] =	ssyncset.done $0x0  }
0x19a: {  	s7 =	simm.s32 $0x0;
	[sflag:s29] =	ssyncadd.s32 $0xFFFFE800  }
0x19b: {  	v3 =	vld [tilespmem:s7+$0x600]  }
0x19c: {  	v5 =	vld [tilespmem:s7+$0x610]  }
0x19d: {  	v4 =	vld [tilespmem:s7+$0x620]  }
0x19e: {  	v2 =	vld [tilespmem:s7+$0x630]  }
0x19f: {  	v1 =	vld [tilespmem:s7+$0x640]  }
0x1a0: {  	v6 =	vmax.f32 v3, $0.0e+00;
	v3 =	vld [tilespmem:s7+$0x650]  }
0x1a1: {  	s8 =	simm.s32 $0x200;
	[tilespmem:s7+$0x600] =	vst v6;
	v6 =	vmax.f32 v5, $0.0e+00;
	v5 =	vld [tilespmem:s7+$0x660]  }
.LBB2_17:
0x1a2: {  	s9 =	sshra.s32 s8, $0x2;
	p1 =	sne.s32 s8, $0x5E00;
	[tilespmem:s7+$0x610] =	vst v6;
	v4 =	vmax.f32 v4, $0.0e+00;
	v6 =	vld [tilespmem:s7+$0x670]  }
0x1a3: {  	v7 =	vld [tilespmem:s9+$0x600];
	[tilespmem:s7+$0x620] =	vst v4;
	v2 =	vmax.f32 v2, $0.0e+00  }
0x1a4: {  	v8 =	vld [tilespmem:s9+$0x610];
	[tilespmem:s7+$0x630] =	vst v2;
	v1 =	vmax.f32 v1, $0.0e+00  }
.Ltmp10:
0x1a5: {  	v4 =	vld [tilespmem:s9+$0x620];
	[tilespmem:s7+$0x640] =	vst v1;
	v1 =	vmax.f32 v3, $0.0e+00;
	(pc) =	sbr.rel @p1 .LBB2_17-.Ltmp10, $4  }
0x1a6: {  	v2 =	vld [tilespmem:s9+$0x630];
	[tilespmem:s7+$0x650] =	vst v1;
	v3 =	vmax.f32 v5, $0.0e+00  }
0x1a7: {  	v1 =	vld [tilespmem:s9+$0x640];
	[tilespmem:s7+$0x660] =	vst v3;
	v5 =	vmax.f32 v6, $0.0e+00  }
0x1a8: {  	v6 =	vmax.f32 v7, $0.0e+00;
	v3 =	vld [tilespmem:s9+$0x650];
	[tilespmem:s7+$0x670] =	vst v5;
	s7 =	smov.u32 s9  }
0x1a9: {  	s8 =	sadd.s32 $0x200, s8;
	[tilespmem:s7+$0x600] =	vst v6;
	v6 =	vmax.f32 v8, $0.0e+00;
	v5 =	vld [tilespmem:s7+$0x660]  }
0x1aa: {  	[tilespmem:s7+$0x610] =	vst v6;
	v4 =	vmax.f32 v4, $0.0e+00;
	v63 =	vld [tilespmem:s7+$0x670]  }
0x1ab: {  	[tilespmem:s7+$0x620] =	vst v4;
	v2 =	vmax.f32 v2, $0.0e+00  }
0x1ac: {  	[tilespmem:s7+$0x630] =	vst v2;
	v1 =	vmax.f32 v1, $0.0e+00  }
0x1ad: {  	[tilespmem:s7+$0x640] =	vst v1;
	v1 =	vmax.f32 v3, $0.0e+00  }
0x1ae: {  	[tilespmem:s7+$0x650] =	vst v1;
	v1 =	vmax.f32 v5, $0.0e+00  }
0x1af: {  	[tilespmem:s7+$0x660] =	vst v1;
	v1 =	vmax.f32 v63, $0.0e+00  }
.Ltmp11:
0x1b0: {  	s30 =	rddreg [dreg:$0x14];
	s8 =	simm.s32 $0x800;
	[tilespmem:s7+$0x670] =	vst v1;
	(pc) =	sbr.rel @p0 .LBB2_22-.Ltmp11, $4  }
0x1b1: {  	[hbm4b:s30+s10] =	stream.strided.scatter [tilespmem:s28], [sflag:$0x9], $0x1800, s8, s10, $0x38;
	[tilespmem:$0x1FE80] =	vst v63  }
0x1b2: {  	_ =	swait.ge [sflag:s29], $0x1800  }
0x1b3: {  	[sflag:s29] =	ssyncset.done $0x0  }
0x1b4: {  	[sflag:s29] =	ssyncadd.s32 $0xFFFFE800  }
0x1b5: {  	s7 =	rddreg [dreg:$0x17]  }
0x1b6: {  	[tilespmem:s28], [sflag:$0x9] =	stream.linear.gather [spmem:s7], $0x800, $0x38;
	[tilespmem:$0x1FE80] =	vst v63  }
0x1b7: {  	_ =	swait.ge [sflag:s29], $0x800  }
0x1b8: {  	[sflag:s29] =	ssyncset.done $0x0  }
0x1b9: {  	s7 =	simm.s32 $0x0;
	[sflag:s29] =	ssyncadd.s32 $0xFFFFF800  }
0x1ba: {  	v3 =	vld [tilespmem:s7+$0x600]  }
0x1bb: {  	v5 =	vld [tilespmem:s7+$0x610]  }
0x1bc: {  	v4 =	vld [tilespmem:s7+$0x620]  }
0x1bd: {  	v2 =	vld [tilespmem:s7+$0x630]  }
0x1be: {  	v1 =	vld [tilespmem:s7+$0x640]  }
0x1bf: {  	v6 =	vmax.f32 v3, $0.0e+00;
	v3 =	vld [tilespmem:s7+$0x650]  }
0x1c0: {  	s8 =	simm.s32 $0x200;
	[tilespmem:s7+$0x600] =	vst v6;
	v6 =	vmax.f32 v5, $0.0e+00;
	v5 =	vld [tilespmem:s7+$0x660]  }
.LBB2_20:
0x1c1: {  	s9 =	sshra.s32 s8, $0x2;
	p1 =	sne.s32 s8, $0x1E00;
	[tilespmem:s7+$0x610] =	vst v6;
	v4 =	vmax.f32 v4, $0.0e+00;
	v6 =	vld [tilespmem:s7+$0x670]  }
0x1c2: {  	v7 =	vld [tilespmem:s9+$0x600];
	[tilespmem:s7+$0x620] =	vst v4;
	v2 =	vmax.f32 v2, $0.0e+00  }
0x1c3: {  	v8 =	vld [tilespmem:s9+$0x610];
	[tilespmem:s7+$0x630] =	vst v2;
	v1 =	vmax.f32 v1, $0.0e+00  }
.Ltmp12:
0x1c4: {  	v4 =	vld [tilespmem:s9+$0x620];
	[tilespmem:s7+$0x640] =	vst v1;
	v1 =	vmax.f32 v3, $0.0e+00;
	(pc) =	sbr.rel @p1 .LBB2_20-.Ltmp12, $4  }
0x1c5: {  	v2 =	vld [tilespmem:s9+$0x630];
	[tilespmem:s7+$0x650] =	vst v1;
	v3 =	vmax.f32 v5, $0.0e+00  }
0x1c6: {  	v1 =	vld [tilespmem:s9+$0x640];
	[tilespmem:s7+$0x660] =	vst v3;
	v5 =	vmax.f32 v6, $0.0e+00  }
0x1c7: {  	v6 =	vmax.f32 v7, $0.0e+00;
	v3 =	vld [tilespmem:s9+$0x650];
	[tilespmem:s7+$0x670] =	vst v5;
	s7 =	smov.u32 s9  }
0x1c8: {  	s8 =	sadd.s32 $0x200, s8;
	[tilespmem:s7+$0x600] =	vst v6;
	v6 =	vmax.f32 v8, $0.0e+00;
	v5 =	vld [tilespmem:s7+$0x660]  }
0x1c9: {  	[tilespmem:s7+$0x610] =	vst v6;
	v4 =	vmax.f32 v4, $0.0e+00;
	v63 =	vld [tilespmem:s7+$0x670]  }
0x1ca: {  	[tilespmem:s7+$0x620] =	vst v4;
	v2 =	vmax.f32 v2, $0.0e+00  }
0x1cb: {  	[tilespmem:s7+$0x630] =	vst v2;
	v1 =	vmax.f32 v1, $0.0e+00  }
0x1cc: {  	[tilespmem:s7+$0x640] =	vst v1;
	v1 =	vmax.f32 v3, $0.0e+00  }
0x1cd: {  	[tilespmem:s7+$0x650] =	vst v1;
	v1 =	vmax.f32 v5, $0.0e+00  }
0x1ce: {  	[tilespmem:s7+$0x660] =	vst v1;
	v1 =	vmax.f32 v63, $0.0e+00  }
.Ltmp13:
0x1cf: {  	s30 =	rddreg [dreg:$0x15];
	s8 =	simm.s32 $0x800;
	[tilespmem:s7+$0x670] =	vst v1;
	(pc) =	sbr.rel .LBB2_22-.Ltmp13, $4  }
0x1d0: {  	[hbm4b:s30+s10] =	stream.strided.scatter [tilespmem:s28], [sflag:$0x9], $0x800, s8, s10, $0x38;
	[tilespmem:$0x1FE80] =	vst v63  }
0x1d1: {  	_ =	swait.ge [sflag:s29], $0x800  }
0x1d2: {  	[sflag:s29] =	ssyncset.done $0x0  }
0x1d3: {  	[sflag:s29] =	ssyncadd.s32 $0xFFFFF800  }
.LBB2_23:
0x1d4: {  	_ =	sfence.sel $0x180000  }
0x1d5: {  	[bflag:$0x0] =	sbarrier.arrive $0xFFFF  }
0x1d6: {  	_ =	strace $0x90000047  }
0x1d7: {  	s0 =	stileid.u32;
	[bflag:$0x2] =	sbarrier.arrive $0xFFFF  }
0x1d8: {  	p0 =	sne.s32 s0, $0x0;
	s0 =	rddreg [dreg:$0x6]  }
0x1d9: {  	s0 =	sadd.s32 @!p0 $0x100000, s0  }
0x1da: {  	[sflag:s0] =	ssyncadd.tile.s32 @!p0 $0x1;
	_ =	shalt  }
.Lfunc_end2:
_tile_overlayer_lowered:
.L_overlay_start_2:
0x1db: {  	(tag) =	ssettag $0x2  }
0x1dc: {  	s0 =	rddreg [dreg:$0x0];
	s2 =	stileid.u32  }
0x1dd: {  	s1 =	rddreg [dreg:$0x1];
	p0 =	sne.s32 s2, $0x0  }
0x1de: {  	s3 =	rddreg [dreg:$0x2];
	[bflag:$0x3] =	sbarrier.arrive $0xFFFF;
	s2 =	simm.s32 @!p0 $0x1C09  }
0x1df: {  	[timem:s3], [sflag:s2] =	dma.local @!p0 [hbm:s0], s1  }
0x1e0: {  	s0 =	simm.s32 @!p0 $0x9  }
0x1e1: {  	_ =	swait.ge @!p0 [sflag:s0], s1  }
0x1e2: {  	s1 =	ssub.s32 @!p0 $0x0, s1;
	[sflag:s0] =	ssyncset.done @!p0 $0x0  }
0x1e3: {  	[sflag:s0] =	ssyncadd.s32 @!p0 s1  }
0x1e4: {  	[bflag:$0x3] =	sbarrier.arrive $0xFFFF  }
0x1e5: {  	_ =	shalt  }

</sc_bundles>
